<compile_context>
chip_gen: v7x
topology: tpu7x:2x2x1
jax: 0.10.2.dev20260603
libtpu: 0.0.44.dev20260713+nightly
codegen_flags: <defaults>
</compile_context>

<pallas_src>
import jax
import jax.numpy as jnp
from jax import lax
from jax.experimental import pallas as pl
from jax.experimental.pallas import tpu as pltpu
from jax.experimental.pallas import tpu_sc as plsc

B, C, D, H, W = 4, 128, 2, 200, 176
S = D * H * W
Q = B * S
N = 40000
NT = 32
KW = 256
KWL = 8
NWG = Q // KW
WPB = S // KW
NWJ = (NWG + NT - 1) // NT
TQL = NWJ * KW
GCAP = TQL + KW
GR = 32
RD = 8
RING = RD * GR
SCAN = 512
NCH = 78
TAIL = N - NCH * SCAN
IMAX = 0x7FFFFFFF


def _body(feat, bidx, zidx, yidx, xidx, out,
          wid, bbA, zbA, ybA, xbA, bbB, zbB, ybB, xbB, sc64,
          jlist, idxlist, ring, outTA, outTB, starts,
          gsem, osemA, osemB, ssemA, ssemB):
    t = lax.axis_index("c") * 16 + lax.axis_index("s")
    nw_t = jnp.where(t < NWG - (NWJ - 1) * NT, NWJ, NWJ - 1)
    iota = lax.iota(jnp.int32, 16)
    z16f = jnp.zeros((16,), jnp.float32)
    z16i = jnp.zeros((16,), jnp.int32)
    cvecs = [c8 * 16 + iota for c8 in range(8)]

    def zwid(k, _):
        wid[pl.ds(k * 16, 16)] = z16i
        return 0
    lax.fori_loop(0, TQL // 16, zwid, 0)
    sc64[pl.ds(16, 16)] = jnp.full((16,), -1, jnp.int32)
    sc64[pl.ds(48, 16)] = jnp.full((16,), -1, jnp.int32)

    def zot(k, _):
        c = k // (KW // 16)
        o = (k % (KW // 16)) * 16
        outTA[c, pl.ds(o, 16)] = z16f
        outTB[c, pl.ds(o, 16)] = z16f
        return 0
    lax.fori_loop(0, C * (KW // 16), zot, 0)

    bufsA = (bbA, zbA, ybA, xbA)
    bufsB = (bbB, zbB, ybB, xbB)
    srcs = (bidx, zidx, yidx, xidx)

    def win_key(bufs, k2, half, n_vec):
        base = k2 * 32 + half * 16
        bv = bufs[0][pl.ds(base, 16)]
        zv = bufs[1][pl.ds(base, 16)]
        yv = bufs[2][pl.ds(base, 16)]
        xv = bufs[3][pl.ds(base, 16)]
        qv = ((bv * D + zv) * H + yv) * W + xv
        wk = qv >> KWL
        inr = (wk & (NT - 1)) == t
        jloc = ((wk >> 5) << KWL) | (qv & (KW - 1))
        return jnp.where(inr, (jloc << 16) | n_vec, IMAX)

    def scan_pair(bufs, off, k2):
        n0 = (off + k2 * 32) + iota
        n1 = n0 + 16
        key0 = win_key(bufs, k2, 0, n0)
        key1 = win_key(bufs, k2, 1, n1)
        sk0, sv0 = plsc.sort_key_val(key0, n0 + 1)
        sk1, sv1 = plsc.sort_key_val(key1, n1 + 1)
        sc64[pl.ds(0, 16)] = sk0
        sc64[pl.ds(32, 16)] = sk1
        nk0 = plsc.load_gather(sc64, [iota + 1])
        nk1 = plsc.load_gather(sc64, [iota + 33])
        q0 = sk0 >> 16
        q1 = sk1 >> 16
        keep0 = (q0 < TQL) & (q0 != (nk0 >> 16))
        keep1 = (q1 < TQL) & (q1 != (nk1 >> 16))
        plsc.store_scatter(wid, [q0], sv0, mask=keep0)
        plsc.store_scatter(wid, [q1], sv1, mask=keep1)

    def issue4(off, size, bufs, sem):
        for src, dst in zip(srcs, bufs):
            pltpu.async_copy(src.at[pl.ds(off, size)],
                             dst.at[pl.ds(0, size)], sem)

    def wait4(size, bufs, sem):
        for src, dst in zip(srcs, bufs):
            pltpu.make_async_copy(src.at[pl.ds(0, size)],
                                  dst.at[pl.ds(0, size)], sem).wait()

    def scan_chunk_of(bufs, off):
        def vb(k2, _):
            scan_pair(bufs, off, k2)
            return 0
        lax.fori_loop(0, SCAN // 32, vb, 0)

    with jax.named_scope("p1_scan"):
        issue4(0, SCAN, bufsA, ssemA)

        def pchunk(i, _):
            offA = pl.multiple_of(2 * i * SCAN, SCAN)
            offB = pl.multiple_of((2 * i + 1) * SCAN, SCAN)
            issue4(offB, SCAN, bufsB, ssemB)
            wait4(SCAN, bufsA, ssemA)
            scan_chunk_of(bufsA, offA)

            @pl.when(i < NCH // 2 - 1)
            def _():
                issue4(pl.multiple_of((2 * i + 2) * SCAN, SCAN), SCAN,
                       bufsA, ssemA)
            wait4(SCAN, bufsB, ssemB)
            scan_chunk_of(bufsB, offB)
            return 0
        lax.fori_loop(0, NCH // 2, pchunk, 0)

        toff = NCH * SCAN
        issue4(toff, TAIL, bufsA, ssemA)
        wait4(TAIL, bufsA, ssemA)

        def tail_body(k2, _):
            scan_pair(bufsA, toff, k2)
            return 0
        lax.fori_loop(0, TAIL // 32, tail_body, 0)

    with jax.named_scope("p2a_compact"):
        starts[0] = jnp.int32(0)

        def scanw(lw, cnt):
            def sck(k, c):
                wv = wid[pl.ds(lw * KW + k * 16, 16)]
                m = wv > 0
                plsc.store_compressed(jlist.at[pl.ds(c, 16)], k * 16 + iota,
                                      mask=m)
                plsc.store_compressed(idxlist.at[pl.ds(c, 16)], wv - 1,
                                      mask=m)
                return c + jnp.max(plsc.all_reduce_population_count(m))
            cnt = lax.fori_loop(0, KW // 16, sck, cnt)
            starts[lw + 1] = cnt
            return cnt
        U = lax.fori_loop(0, nw_t, scanw, jnp.int32(0))

        def phantom(lw, _):
            starts[lw + 1] = U
            return 0
        lax.fori_loop(nw_t, NWJ + 1, phantom, 0)

        def padi(k, _):
            idxlist[pl.ds(U + k * 16, 16)] = z16i
            return 0
        lax.fori_loop(0, KW // 16, padi, 0)
        nd = (U + GR - 1) // GR

    def process_window(lw, outT, osem, dI, dR):
        live = lw < nw_t
        start_w = starts[jnp.minimum(lw, NWJ)]
        end_w = starts[jnp.minimum(lw, NWJ) + 1]

        @pl.when((lw >= 2) & live)
        def _():
            pltpu.make_async_copy(
                outT, out.at[0, :, pl.ds(0, KW)], osem).wait()
            s_p = starts[lw - 2]
            e_p = starts[lw - 1]

            def rz(u, _):
                col = jlist[pl.ds(u, 16)][0]
                bc = jnp.broadcast_to(col, (16,))
                for c8 in range(8):
                    plsc.store_scatter(outT, [cvecs[c8], bc], z16f)
                return 0
            lax.fori_loop(s_p, e_p, rz, 0)

        def icond(d):
            return ((d < nd) & (d * GR < end_w + (RD // 2) * GR)
                    & ((d < RD) | ((d - (RD - 1)) * GR <= start_w)))

        def ibody(d):
            slot = (d & (RD - 1)) * GR
            pltpu.async_copy(feat.at[idxlist.at[pl.ds(d * GR, GR)]],
                             ring.at[pl.ds(slot, GR)], gsem)
            return d + 1
        dI = lax.while_loop(icond, ibody, dI)

        need = (end_w + GR - 1) // GR

        def dbody(d):
            pltpu.make_async_copy(feat.at[idxlist.at[pl.ds(0, GR)]],
                                  ring.at[pl.ds(0, GR)], gsem).wait()
            return d + 1
        dR = lax.while_loop(lambda d: d < need, dbody, dR)

        def sg(u, _):
            col = jlist[pl.ds(u, 16)][0]
            bc = jnp.broadcast_to(col, (16,))
            r = u & (RING - 1)
            for c8 in range(8):
                v = ring[r, pl.ds(c8 * 16, 16)]
                plsc.store_scatter(outT, [cvecs[c8], bc], v)
            return 0
        lax.fori_loop(start_w, end_w, sg, 0)

        @pl.when(live)
        def _():
            gw = t + NT * lw
            b = gw // WPB
            s0 = pl.multiple_of((gw % WPB) * KW, KW)
            pltpu.async_copy(outT, out.at[b, :, pl.ds(s0, KW)], osem)
        return dI, dR

    with jax.named_scope("p2b_windows"):
        def outer(i, carry):
            dI, dR = carry
            dI, dR = process_window(2 * i, outTA, osemA, dI, dR)
            dI, dR = process_window(2 * i + 1, outTB, osemB, dI, dR)
            return (dI, dR)
        lax.fori_loop(0, (NWJ + 1) // 2, outer,
                      (jnp.int32(0), jnp.int32(0)))

    pltpu.make_async_copy(outTA, out.at[0, :, pl.ds(0, KW)], osemA).wait()
    pltpu.make_async_copy(outTB, out.at[0, :, pl.ds(0, KW)], osemB).wait()


@jax.jit
def kernel(features, batch_idx, z_idx, y_idx, x_idx):
    mesh = plsc.VectorSubcoreMesh(core_axis_name="c", subcore_axis_name="s")
    run = pl.kernel(
        _body,
        out_type=jax.ShapeDtypeStruct((B, C, S), jnp.float32),
        mesh=mesh,
        compiler_params=pltpu.CompilerParams(
            use_tc_tiling_on_sc=True, needs_layout_passes=False),
        scratch_types=[
            pltpu.VMEM((TQL,), jnp.int32),
            pltpu.VMEM((SCAN,), jnp.int32),
            pltpu.VMEM((SCAN,), jnp.int32),
            pltpu.VMEM((SCAN,), jnp.int32),
            pltpu.VMEM((SCAN,), jnp.int32),
            pltpu.VMEM((SCAN,), jnp.int32),
            pltpu.VMEM((SCAN,), jnp.int32),
            pltpu.VMEM((SCAN,), jnp.int32),
            pltpu.VMEM((SCAN,), jnp.int32),
            pltpu.VMEM((64,), jnp.int32),
            pltpu.VMEM((GCAP,), jnp.int32),
            pltpu.VMEM((GCAP,), jnp.int32),
            pltpu.VMEM((RING, C), jnp.float32),
            pltpu.VMEM((C, KW), jnp.float32),
            pltpu.VMEM((C, KW), jnp.float32),
            pltpu.SMEM((NWJ + 2,), jnp.int32),
            pltpu.SemaphoreType.DMA,
            pltpu.SemaphoreType.DMA,
            pltpu.SemaphoreType.DMA,
            pltpu.SemaphoreType.DMA,
            pltpu.SemaphoreType.DMA,
        ],
    )
    dense = run(features, batch_idx, z_idx, y_idx, x_idx)
    return dense.reshape(B, C, D, H, W)

# --- scband reference (transcript-rebuilt; emitter-appended) ---
"""Pipeline reference for scband-sparse-to-dense-81716047774386 (READ-ONLY COPY).

The authoritative reference and input builder live on the scoring server;
editing this copy changes nothing except your own understanding.
"""

import jax, jax.numpy as jnp
import numpy as np

B, C, D, H, W = 4, 128, 2, 200, 176
N = 40000


def setup_inputs(seed: int = 0) -> dict:
    key = jax.random.key(seed)
    k1, k2, k3, k4, k5 = jax.random.split(key, 5)
    features = jax.random.normal(k1, (N, C), dtype=jnp.float32)
    batch_idx = jax.random.randint(k2, (N,), 0, B, dtype=jnp.int32)
    z_idx = jax.random.randint(k3, (N,), 0, D, dtype=jnp.int32)
    y_idx = jax.random.randint(k4, (N,), 0, H, dtype=jnp.int32)
    x_idx = jax.random.randint(k5, (N,), 0, W, dtype=jnp.int32)
    return {
        "features": features,
        "batch_idx": batch_idx,
        "z_idx": z_idx,
        "y_idx": y_idx,
        "x_idx": x_idx,
    }


def reference(features, batch_idx, z_idx, y_idx, x_idx):
    # Faithful translation of spconv SparseConvTensor.dense():
    # scatter the N active voxel feature vectors into a zero-initialized
    # dense canvas of shape [B, C, D, H, W] (channels-first, overwrite semantics).
    dense = jnp.zeros((B, C, D, H, W), dtype=features.dtype)
    spatial_features = dense.at[batch_idx, :, z_idx, y_idx, x_idx].set(features)
    return spatial_features

if __name__ == "__main__":
    import jax
    _d = setup_inputs()
    print(jax.jit(kernel)(*tuple(_d.values())))

</pallas_src>

<mosaic_0001>
#map = affine_map<(d0, d1) -> (0, 0)>
#map1 = affine_map<(d0, d1) -> (0)>
#map2 = affine_map<(d0, d1) -> (0, 0, 0)>
module attributes {stable_mosaic.version = 14 : i64} {
  func.func @_body(%arg0: i32, %arg1: i32, %arg2: memref<40000x128xf32, #tpu.memory_space<hbm>>, %arg3: memref<40000xi32, #tpu.memory_space<hbm>>, %arg4: memref<40000xi32, #tpu.memory_space<hbm>>, %arg5: memref<40000xi32, #tpu.memory_space<hbm>>, %arg6: memref<40000xi32, #tpu.memory_space<hbm>>, %arg7: memref<4x128x70400xf32, #tpu.memory_space<hbm>>, %arg8: memref<8960xi32, #tpu.memory_space<vmem>>, %arg9: memref<512xi32, #tpu.memory_space<vmem>>, %arg10: memref<512xi32, #tpu.memory_space<vmem>>, %arg11: memref<512xi32, #tpu.memory_space<vmem>>, %arg12: memref<512xi32, #tpu.memory_space<vmem>>, %arg13: memref<512xi32, #tpu.memory_space<vmem>>, %arg14: memref<512xi32, #tpu.memory_space<vmem>>, %arg15: memref<512xi32, #tpu.memory_space<vmem>>, %arg16: memref<512xi32, #tpu.memory_space<vmem>>, %arg17: memref<64xi32, #tpu.memory_space<vmem>>, %arg18: memref<9216xi32, #tpu.memory_space<vmem>>, %arg19: memref<9216xi32, #tpu.memory_space<vmem>>, %arg20: memref<256x128xf32, #tpu.memory_space<vmem>>, %arg21: memref<128x256xf32, #tpu.memory_space<vmem>>, %arg22: memref<128x256xf32, #tpu.memory_space<vmem>>, %arg23: memref<37xi32, #tpu.memory_space<smem>>, %arg24: memref<!tpu.dma_semaphore, #tpu.memory_space<semaphore_mem>>, %arg25: memref<!tpu.dma_semaphore, #tpu.memory_space<semaphore_mem>>, %arg26: memref<!tpu.dma_semaphore, #tpu.memory_space<semaphore_mem>>, %arg27: memref<!tpu.dma_semaphore, #tpu.memory_space<semaphore_mem>>, %arg28: memref<!tpu.dma_semaphore, #tpu.memory_space<semaphore_mem>>) attributes {dimension_semantics = [#tpu.dimension_semantics<core_parallel>, #tpu.dimension_semantics<subcore_parallel>], iteration_bounds = array<i64: 2, 16>, scalar_prefetch = 0 : i64, scratch_operands = 21 : i64, tpu.core_type = #tpu.core_type<sc_vector_subcore>, window_params = [{transform_indices = #map}, {transform_indices = #map1}, {transform_indices = #map1}, {transform_indices = #map1}, {transform_indices = #map1}, {transform_indices = #map2}]} {
    %mul3A = arith.constant 16 : i32
    %mul3A_0 = arith.muli %arg0, %mul3A : i32
    %add3A = arith.addi %mul3A_0, %arg1 : i32
    %lt3A = arith.constant 12 : i32
    %lt3A_1 = arith.cmpi slt, %add3A, %lt3A : i32
    %jit3A = arith.constant 35 : i32
    %jit3A_2 = arith.constant 34 : i32
    %select_n3A = arith.select %lt3A_1, %jit3A, %jit3A_2 : i32
    %iota3A = tpu.iota {dimensions = array<i32: 0>} : vector<16xi32>
    %broadcast_in_dim3A = arith.constant 0.000000e+00 : f32
    %broadcast_in_dim3A_3 = vector.broadcast %broadcast_in_dim3A : f32 to vector<16xf32>
    %broadcast_in_dim3A_4 = arith.constant 0 : i32
    %broadcast_in_dim3A_5 = vector.broadcast %broadcast_in_dim3A_4 : i32 to vector<16xi32>
    %add3A_6 = arith.constant 0 : i32
    %add3A_7 = vector.broadcast %add3A_6 : i32 to vector<16xi32>
    %add3A_8 = arith.addi %add3A_7, %iota3A : vector<16xi32>
    %add3A_9 = arith.constant 16 : i32
    %add3A_10 = vector.broadcast %add3A_9 : i32 to vector<16xi32>
    %add3A_11 = arith.addi %add3A_10, %iota3A : vector<16xi32>
    %add3A_12 = arith.constant 32 : i32
    %add3A_13 = vector.broadcast %add3A_12 : i32 to vector<16xi32>
    %add3A_14 = arith.addi %add3A_13, %iota3A : vector<16xi32>
    %add3A_15 = arith.constant 48 : i32
    %add3A_16 = vector.broadcast %add3A_15 : i32 to vector<16xi32>
    %add3A_17 = arith.addi %add3A_16, %iota3A : vector<16xi32>
    %add3A_18 = arith.constant 64 : i32
    %add3A_19 = vector.broadcast %add3A_18 : i32 to vector<16xi32>
    %add3A_20 = arith.addi %add3A_19, %iota3A : vector<16xi32>
    %add3A_21 = arith.constant 80 : i32
    %add3A_22 = vector.broadcast %add3A_21 : i32 to vector<16xi32>
    %add3A_23 = arith.addi %add3A_22, %iota3A : vector<16xi32>
    %add3A_24 = arith.constant 96 : i32
    %add3A_25 = vector.broadcast %add3A_24 : i32 to vector<16xi32>
    %add3A_26 = arith.addi %add3A_25, %iota3A : vector<16xi32>
    %add3A_27 = arith.constant 112 : i32
    %add3A_28 = vector.broadcast %add3A_27 : i32 to vector<16xi32>
    %add3A_29 = arith.addi %add3A_28, %iota3A : vector<16xi32>
    %scan3A = arith.constant 0 : i32
    %scan3A_30 = arith.constant 0 : i32
    %scan3A_31 = arith.constant 560 : i32
    %scan3A_32 = arith.addi %scan3A_30, %scan3A_31 : i32
    %scan3A_33 = arith.constant 1 : i32
    %scan3A_34 = scf.for %scan3A_240 = %scan3A_30 to %scan3A_32 step %scan3A_33 iter_args(%scan3A_241 = %scan3A) -> (i32)  : i32 {
      %mul3A_242 = arith.constant 16 : i32
      %mul3A_243 = arith.muli %scan3A_240, %mul3A_242 : i32
      %swap3A_244 = arith.index_cast %mul3A_243 : i32 to index
      %swap3A_245 = tpu.vector_load %arg8[%swap3A_244] {strides = array<i32>} : memref<8960xi32, #tpu.memory_space<vmem>>, vector<16xi32>,
      tpu.vector_store %arg8[%swap3A_244], %broadcast_in_dim3A_5 {strides = array<i32>} : memref<8960xi32, #tpu.memory_space<vmem>>, vector<16xi32>,
      %scan3A_246 = arith.constant 0 : i32
      scf.yield %scan3A_246 : i32
    }
    %scan3A_35 = arith.constant 560 : i32
    %broadcast_in_dim3A_36 = arith.constant -1 : i32
    %broadcast_in_dim3A_37 = vector.broadcast %broadcast_in_dim3A_36 : i32 to vector<16xi32>
    %swap3A = arith.constant 16 : index
    %swap3A_38 = tpu.vector_load %arg17[%swap3A] {strides = array<i32>} : memref<64xi32, #tpu.memory_space<vmem>>, vector<16xi32>,
    tpu.vector_store %arg17[%swap3A], %broadcast_in_dim3A_37 {strides = array<i32>} : memref<64xi32, #tpu.memory_space<vmem>>, vector<16xi32>,
    %broadcast_in_dim3A_39 = arith.constant -1 : i32
    %broadcast_in_dim3A_40 = vector.broadcast %broadcast_in_dim3A_39 : i32 to vector<16xi32>
    %swap3A_41 = arith.constant 48 : index
    %swap3A_42 = tpu.vector_load %arg17[%swap3A_41] {strides = array<i32>} : memref<64xi32, #tpu.memory_space<vmem>>, vector<16xi32>,
    tpu.vector_store %arg17[%swap3A_41], %broadcast_in_dim3A_40 {strides = array<i32>} : memref<64xi32, #tpu.memory_space<vmem>>, vector<16xi32>,
    %scan3A_43 = arith.constant 0 : i32
    %scan3A_44 = arith.constant 0 : i32
    %scan3A_45 = arith.constant 2048 : i32
    %scan3A_46 = arith.addi %scan3A_44, %scan3A_45 : i32
    %scan3A_47 = arith.constant 1 : i32
    %scan3A_48 = scf.for %scan3A_240 = %scan3A_44 to %scan3A_46 step %scan3A_47 iter_args(%scan3A_241 = %scan3A_43) -> (i32)  : i32 {
      %jit3A_242 = arith.constant 16 : i32
      %div3A_243 = arith.divsi %scan3A_240, %jit3A_242 : i32
      %sign3A_244 = arith.constant 0 : i32
      %sign3A_245 = arith.cmpi sgt, %scan3A_240, %sign3A_244 : i32
      %sign3A_246 = arith.extui %sign3A_245 : i1 to i32
      %sign3A_247 = arith.constant 0 : i32
      %sign3A_248 = arith.cmpi slt, %scan3A_240, %sign3A_247 : i32
      %sign3A_249 = arith.extui %sign3A_248 : i1 to i32
      %sign3A_250 = arith.subi %sign3A_246, %sign3A_249 : i32
      %sign3A_251 = arith.constant 0 : i32
      %sign3A_252 = arith.cmpi sgt, %jit3A_242, %sign3A_251 : i32
      %sign3A_253 = arith.extui %sign3A_252 : i1 to i32
      %sign3A_254 = arith.constant 0 : i32
      %sign3A_255 = arith.cmpi slt, %jit3A_242, %sign3A_254 : i32
      %sign3A_256 = arith.extui %sign3A_255 : i1 to i32
      %sign3A_257 = arith.subi %sign3A_253, %sign3A_256 : i32
      %ne3A_258 = arith.cmpi ne, %sign3A_250, %sign3A_257 : i32
      %rem3A_259 = arith.remsi %scan3A_240, %jit3A_242 : i32
      %ne3A_260 = arith.constant 0 : i32
      %ne3A_261 = arith.cmpi ne, %rem3A_259, %ne3A_260 : i32
      %and3A_262 = arith.andi %ne3A_258, %ne3A_261 : i1
      %sub3A_263 = arith.constant 1 : i32
      %sub3A_264 = arith.subi %div3A_243, %sub3A_263 : i32
      %select_n3A_265 = arith.select %and3A_262, %sub3A_264, %div3A_243 : i32
      %jit3A_266 = arith.constant 16 : i32
      %eq3A = arith.constant 0 : i32
      %eq3A_267 = arith.cmpi eq, %jit3A_266, %eq3A : i32
      %jit3A_268 = arith.constant 1 : i32
      %select_n3A_269 = arith.select %eq3A_267, %jit3A_268, %jit3A_266 : i32
      %rem3A_270 = arith.remsi %scan3A_240, %select_n3A_269 : i32
      %ne3A_271 = arith.constant 0 : i32
      %ne3A_272 = arith.cmpi ne, %rem3A_270, %ne3A_271 : i32
      %lt3A_273 = arith.constant 0 : i32
      %lt3A_274 = arith.cmpi slt, %rem3A_270, %lt3A_273 : i32
      %lt3A_275 = arith.constant 0 : i32
      %lt3A_276 = arith.cmpi slt, %select_n3A_269, %lt3A_275 : i32
      %ne3A_277 = arith.xori %lt3A_274, %lt3A_276 : i1
      %and3A_278 = arith.andi %ne3A_277, %ne3A_272 : i1
      %add3A_279 = arith.addi %rem3A_270, %select_n3A_269 : i32
      %select_n3A_280 = arith.select %and3A_278, %add3A_279, %rem3A_270 : i32
      %mul3A_281 = arith.constant 16 : i32
      %mul3A_282 = arith.muli %select_n3A_280, %mul3A_281 : i32
      %swap3A_283 = arith.index_cast %select_n3A_265 : i32 to index
      %swap3A_284 = arith.index_cast %mul3A_282 : i32 to index
      %swap3A_285 = tpu.vector_load %arg21[%swap3A_283, %swap3A_284] {strides = array<i32>} : memref<128x256xf32, #tpu.memory_space<vmem>>, vector<16xf32>,
      tpu.vector_store %arg21[%swap3A_283, %swap3A_284], %broadcast_in_dim3A_3 {strides = array<i32>} : memref<128x256xf32, #tpu.memory_space<vmem>>, vector<16xf32>,
      %swap3A_286 = arith.index_cast %select_n3A_265 : i32 to index
      %swap3A_287 = arith.index_cast %mul3A_282 : i32 to index
      %swap3A_288 = tpu.vector_load %arg22[%swap3A_286, %swap3A_287] {strides = array<i32>} : memref<128x256xf32, #tpu.memory_space<vmem>>, vector<16xf32>,
      tpu.vector_store %arg22[%swap3A_286, %swap3A_287], %broadcast_in_dim3A_3 {strides = array<i32>} : memref<128x256xf32, #tpu.memory_space<vmem>>, vector<16xf32>,
      %scan3A_289 = arith.constant 0 : i32
      scf.yield %scan3A_289 : i32
    }
    %scan3A_49 = arith.constant 2048 : i32
    "tpu.trace_start"() <{level = 10 : i32, message = "p1_scan"}> : () -> ()
    %dma_start3A = arith.constant 0 : i32
    %dma_start3A_50 = tpu.memref_slice %arg9[%dma_start3A] : memref<512xi32, #tpu.memory_space<vmem>> -> memref<512xi32, #tpu.memory_space<vmem>>
    %dma_start3A_51 = arith.constant 0 : i32
    %dma_start3A_52 = tpu.memref_slice %arg3[%dma_start3A_51] : memref<40000xi32, #tpu.memory_space<hbm>> -> memref<512xi32, #tpu.memory_space<hbm>>
    %dma_start3A_53 = arith.constant 0 : i32
    %dma_start3A_54 = tpu.memref_slice %arg9[%dma_start3A_53] : memref<512xi32, #tpu.memory_space<vmem>> -> memref<512xi32, #tpu.memory_space<vmem>>
    %dma_start3A_55 = arith.constant 0 : i32
    %dma_start3A_56 = tpu.memref_slice %arg3[%dma_start3A_55] : memref<40000xi32, #tpu.memory_space<hbm>> -> memref<512xi32, #tpu.memory_space<hbm>>
    tpu.enqueue_dma source(%dma_start3A_56 : memref<512xi32, #tpu.memory_space<hbm>>) target(%dma_start3A_54 : memref<512xi32, #tpu.memory_space<vmem>>) target_semaphore(%arg27 : memref<!tpu.dma_semaphore, #tpu.memory_space<semaphore_mem>>)
    %dma_start3A_57 = arith.constant 0 : i32
    %dma_start3A_58 = tpu.memref_slice %arg10[%dma_start3A_57] : memref<512xi32, #tpu.memory_space<vmem>> -> memref<512xi32, #tpu.memory_space<vmem>>
    %dma_start3A_59 = arith.constant 0 : i32
    %dma_start3A_60 = tpu.memref_slice %arg4[%dma_start3A_59] : memref<40000xi32, #tpu.memory_space<hbm>> -> memref<512xi32, #tpu.memory_space<hbm>>
    %dma_start3A_61 = arith.constant 0 : i32
    %dma_start3A_62 = tpu.memref_slice %arg10[%dma_start3A_61] : memref<512xi32, #tpu.memory_space<vmem>> -> memref<512xi32, #tpu.memory_space<vmem>>
    %dma_start3A_63 = arith.constant 0 : i32
    %dma_start3A_64 = tpu.memref_slice %arg4[%dma_start3A_63] : memref<40000xi32, #tpu.memory_space<hbm>> -> memref<512xi32, #tpu.memory_space<hbm>>
    tpu.enqueue_dma source(%dma_start3A_64 : memref<512xi32, #tpu.memory_space<hbm>>) target(%dma_start3A_62 : memref<512xi32, #tpu.memory_space<vmem>>) target_semaphore(%arg27 : memref<!tpu.dma_semaphore, #tpu.memory_space<semaphore_mem>>)
    %dma_start3A_65 = arith.constant 0 : i32
    %dma_start3A_66 = tpu.memref_slice %arg11[%dma_start3A_65] : memref<512xi32, #tpu.memory_space<vmem>> -> memref<512xi32, #tpu.memory_space<vmem>>
    %dma_start3A_67 = arith.constant 0 : i32
    %dma_start3A_68 = tpu.memref_slice %arg5[%dma_start3A_67] : memref<40000xi32, #tpu.memory_space<hbm>> -> memref<512xi32, #tpu.memory_space<hbm>>
    %dma_start3A_69 = arith.constant 0 : i32
    %dma_start3A_70 = tpu.memref_slice %arg11[%dma_start3A_69] : memref<512xi32, #tpu.memory_space<vmem>> -> memref<512xi32, #tpu.memory_space<vmem>>
    %dma_start3A_71 = arith.constant 0 : i32
    %dma_start3A_72 = tpu.memref_slice %arg5[%dma_start3A_71] : memref<40000xi32, #tpu.memory_space<hbm>> -> memref<512xi32, #tpu.memory_space<hbm>>
    tpu.enqueue_dma source(%dma_start3A_72 : memref<512xi32, #tpu.memory_space<hbm>>) target(%dma_start3A_70 : memref<512xi32, #tpu.memory_space<vmem>>) target_semaphore(%arg27 : memref<!tpu.dma_semaphore, #tpu.memory_space<semaphore_mem>>)
    %dma_start3A_73 = arith.constant 0 : i32
    %dma_start3A_74 = tpu.memref_slice %arg12[%dma_start3A_73] : memref<512xi32, #tpu.memory_space<vmem>> -> memref<512xi32, #tpu.memory_space<vmem>>
    %dma_start3A_75 = arith.constant 0 : i32
    %dma_start3A_76 = tpu.memref_slice %arg6[%dma_start3A_75] : memref<40000xi32, #tpu.memory_space<hbm>> -> memref<512xi32, #tpu.memory_space<hbm>>
    %dma_start3A_77 = arith.constant 0 : i32
    %dma_start3A_78 = tpu.memref_slice %arg12[%dma_start3A_77] : memref<512xi32, #tpu.memory_space<vmem>> -> memref<512xi32, #tpu.memory_space<vmem>>
    %dma_start3A_79 = arith.constant 0 : i32
    %dma_start3A_80 = tpu.memref_slice %arg6[%dma_start3A_79] : memref<40000xi32, #tpu.memory_space<hbm>> -> memref<512xi32, #tpu.memory_space<hbm>>
    tpu.enqueue_dma source(%dma_start3A_80 : memref<512xi32, #tpu.memory_space<hbm>>) target(%dma_start3A_78 : memref<512xi32, #tpu.memory_space<vmem>>) target_semaphore(%arg27 : memref<!tpu.dma_semaphore, #tpu.memory_space<semaphore_mem>>)
    %scan3A_81 = arith.constant 0 : i32
    %scan3A_82 = arith.constant 0 : i32
    %scan3A_83 = arith.constant 39 : i32
    %scan3A_84 = arith.addi %scan3A_82, %scan3A_83 : i32
    %scan3A_85 = arith.constant 1 : i32
    %scan3A_86 = scf.for %scan3A_240 = %scan3A_82 to %scan3A_84 step %scan3A_85 iter_args(%scan3A_241 = %scan3A_81) -> (i32)  : i32 {
      %mul3A_242 = arith.constant 2 : i32
      %mul3A_243 = arith.muli %mul3A_242, %scan3A_240 : i32
      %mul3A_244 = arith.constant 512 : i32
      %mul3A_245 = arith.muli %mul3A_243, %mul3A_244 : i32
      %multiple_of3A = tpu.assume_multiple %mul3A_245, 512 : i32
      %mul3A_246 = arith.constant 2 : i32
      %mul3A_247 = arith.muli %mul3A_246, %scan3A_240 : i32
      %add3A_248 = arith.constant 1 : i32
      %add3A_249 = arith.addi %mul3A_247, %add3A_248 : i32
      %mul3A_250 = arith.constant 512 : i32
      %mul3A_251 = arith.muli %add3A_249, %mul3A_250 : i32
      %multiple_of3A_252 = tpu.assume_multiple %mul3A_251, 512 : i32
      %dma_start3A_253 = arith.constant 0 : i32
      %dma_start3A_254 = tpu.memref_slice %arg13[%dma_start3A_253] : memref<512xi32, #tpu.memory_space<vmem>> -> memref<512xi32, #tpu.memory_space<vmem>>
      %dma_start3A_255 = tpu.memref_slice %arg3[%multiple_of3A_252] : memref<40000xi32, #tpu.memory_space<hbm>> -> memref<512xi32, #tpu.memory_space<hbm>>
      %dma_start3A_256 = arith.constant 0 : i32
      %dma_start3A_257 = tpu.memref_slice %arg13[%dma_start3A_256] : memref<512xi32, #tpu.memory_space<vmem>> -> memref<512xi32, #tpu.memory_space<vmem>>
      %dma_start3A_258 = tpu.memref_slice %arg3[%multiple_of3A_252] : memref<40000xi32, #tpu.memory_space<hbm>> -> memref<512xi32, #tpu.memory_space<hbm>>
      tpu.enqueue_dma source(%dma_start3A_258 : memref<512xi32, #tpu.memory_space<hbm>>) target(%dma_start3A_257 : memref<512xi32, #tpu.memory_space<vmem>>) target_semaphore(%arg28 : memref<!tpu.dma_semaphore, #tpu.memory_space<semaphore_mem>>)
      %dma_start3A_259 = arith.constant 0 : i32
      %dma_start3A_260 = tpu.memref_slice %arg14[%dma_start3A_259] : memref<512xi32, #tpu.memory_space<vmem>> -> memref<512xi32, #tpu.memory_space<vmem>>
      %dma_start3A_261 = tpu.memref_slice %arg4[%multiple_of3A_252] : memref<40000xi32, #tpu.memory_space<hbm>> -> memref<512xi32, #tpu.memory_space<hbm>>
      %dma_start3A_262 = arith.constant 0 : i32
      %dma_start3A_263 = tpu.memref_slice %arg14[%dma_start3A_262] : memref<512xi32, #tpu.memory_space<vmem>> -> memref<512xi32, #tpu.memory_space<vmem>>
      %dma_start3A_264 = tpu.memref_slice %arg4[%multiple_of3A_252] : memref<40000xi32, #tpu.memory_space<hbm>> -> memref<512xi32, #tpu.memory_space<hbm>>
      tpu.enqueue_dma source(%dma_start3A_264 : memref<512xi32, #tpu.memory_space<hbm>>) target(%dma_start3A_263 : memref<512xi32, #tpu.memory_space<vmem>>) target_semaphore(%arg28 : memref<!tpu.dma_semaphore, #tpu.memory_space<semaphore_mem>>)
      %dma_start3A_265 = arith.constant 0 : i32
      %dma_start3A_266 = tpu.memref_slice %arg15[%dma_start3A_265] : memref<512xi32, #tpu.memory_space<vmem>> -> memref<512xi32, #tpu.memory_space<vmem>>
      %dma_start3A_267 = tpu.memref_slice %arg5[%multiple_of3A_252] : memref<40000xi32, #tpu.memory_space<hbm>> -> memref<512xi32, #tpu.memory_space<hbm>>
      %dma_start3A_268 = arith.constant 0 : i32
      %dma_start3A_269 = tpu.memref_slice %arg15[%dma_start3A_268] : memref<512xi32, #tpu.memory_space<vmem>> -> memref<512xi32, #tpu.memory_space<vmem>>
      %dma_start3A_270 = tpu.memref_slice %arg5[%multiple_of3A_252] : memref<40000xi32, #tpu.memory_space<hbm>> -> memref<512xi32, #tpu.memory_space<hbm>>
      tpu.enqueue_dma source(%dma_start3A_270 : memref<512xi32, #tpu.memory_space<hbm>>) target(%dma_start3A_269 : memref<512xi32, #tpu.memory_space<vmem>>) target_semaphore(%arg28 : memref<!tpu.dma_semaphore, #tpu.memory_space<semaphore_mem>>)
      %dma_start3A_271 = arith.constant 0 : i32
      %dma_start3A_272 = tpu.memref_slice %arg16[%dma_start3A_271] : memref<512xi32, #tpu.memory_space<vmem>> -> memref<512xi32, #tpu.memory_space<vmem>>
      %dma_start3A_273 = tpu.memref_slice %arg6[%multiple_of3A_252] : memref<40000xi32, #tpu.memory_space<hbm>> -> memref<512xi32, #tpu.memory_space<hbm>>
      %dma_start3A_274 = arith.constant 0 : i32
      %dma_start3A_275 = tpu.memref_slice %arg16[%dma_start3A_274] : memref<512xi32, #tpu.memory_space<vmem>> -> memref<512xi32, #tpu.memory_space<vmem>>
      %dma_start3A_276 = tpu.memref_slice %arg6[%multiple_of3A_252] : memref<40000xi32, #tpu.memory_space<hbm>> -> memref<512xi32, #tpu.memory_space<hbm>>
      tpu.enqueue_dma source(%dma_start3A_276 : memref<512xi32, #tpu.memory_space<hbm>>) target(%dma_start3A_275 : memref<512xi32, #tpu.memory_space<vmem>>) target_semaphore(%arg28 : memref<!tpu.dma_semaphore, #tpu.memory_space<semaphore_mem>>)
      %dma_wait3A_277 = arith.constant 0 : i32
      %dma_wait3A_278 = tpu.memref_slice %arg9[%dma_wait3A_277] : memref<512xi32, #tpu.memory_space<vmem>> -> memref<512xi32, #tpu.memory_space<vmem>>
      %dma_wait3A_279 = arith.constant 0 : i32
      %dma_wait3A_280 = tpu.memref_slice %arg3[%dma_wait3A_279] : memref<40000xi32, #tpu.memory_space<hbm>> -> memref<512xi32, #tpu.memory_space<hbm>>
      %dma_wait3A_281 = arith.constant 0 : i32
      %dma_wait3A_282 = tpu.memref_slice %arg9[%dma_wait3A_281] : memref<512xi32, #tpu.memory_space<vmem>> -> memref<512xi32, #tpu.memory_space<vmem>>
      %dma_wait3A_283 = arith.constant 0 : i32
      %dma_wait3A_284 = tpu.memref_slice %arg3[%dma_wait3A_283] : memref<40000xi32, #tpu.memory_space<hbm>> -> memref<512xi32, #tpu.memory_space<hbm>>
      tpu.wait_dma2 semaphore(%arg27 : memref<!tpu.dma_semaphore, #tpu.memory_space<semaphore_mem>>) src(%dma_wait3A_284 : memref<512xi32, #tpu.memory_space<hbm>>) dst(%dma_wait3A_282 : memref<512xi32, #tpu.memory_space<vmem>>)
      %dma_wait3A_285 = arith.constant 0 : i32
      %dma_wait3A_286 = tpu.memref_slice %arg10[%dma_wait3A_285] : memref<512xi32, #tpu.memory_space<vmem>> -> memref<512xi32, #tpu.memory_space<vmem>>
      %dma_wait3A_287 = arith.constant 0 : i32
      %dma_wait3A_288 = tpu.memref_slice %arg4[%dma_wait3A_287] : memref<40000xi32, #tpu.memory_space<hbm>> -> memref<512xi32, #tpu.memory_space<hbm>>
      %dma_wait3A_289 = arith.constant 0 : i32
      %dma_wait3A_290 = tpu.memref_slice %arg10[%dma_wait3A_289] : memref<512xi32, #tpu.memory_space<vmem>> -> memref<512xi32, #tpu.memory_space<vmem>>
      %dma_wait3A_291 = arith.constant 0 : i32
      %dma_wait3A_292 = tpu.memref_slice %arg4[%dma_wait3A_291] : memref<40000xi32, #tpu.memory_space<hbm>> -> memref<512xi32, #tpu.memory_space<hbm>>
      tpu.wait_dma2 semaphore(%arg27 : memref<!tpu.dma_semaphore, #tpu.memory_space<semaphore_mem>>) src(%dma_wait3A_292 : memref<512xi32, #tpu.memory_space<hbm>>) dst(%dma_wait3A_290 : memref<512xi32, #tpu.memory_space<vmem>>)
      %dma_wait3A_293 = arith.constant 0 : i32
      %dma_wait3A_294 = tpu.memref_slice %arg11[%dma_wait3A_293] : memref<512xi32, #tpu.memory_space<vmem>> -> memref<512xi32, #tpu.memory_space<vmem>>
      %dma_wait3A_295 = arith.constant 0 : i32
      %dma_wait3A_296 = tpu.memref_slice %arg5[%dma_wait3A_295] : memref<40000xi32, #tpu.memory_space<hbm>> -> memref<512xi32, #tpu.memory_space<hbm>>
      %dma_wait3A_297 = arith.constant 0 : i32
      %dma_wait3A_298 = tpu.memref_slice %arg11[%dma_wait3A_297] : memref<512xi32, #tpu.memory_space<vmem>> -> memref<512xi32, #tpu.memory_space<vmem>>
      %dma_wait3A_299 = arith.constant 0 : i32
      %dma_wait3A_300 = tpu.memref_slice %arg5[%dma_wait3A_299] : memref<40000xi32, #tpu.memory_space<hbm>> -> memref<512xi32, #tpu.memory_space<hbm>>
      tpu.wait_dma2 semaphore(%arg27 : memref<!tpu.dma_semaphore, #tpu.memory_space<semaphore_mem>>) src(%dma_wait3A_300 : memref<512xi32, #tpu.memory_space<hbm>>) dst(%dma_wait3A_298 : memref<512xi32, #tpu.memory_space<vmem>>)
      %dma_wait3A_301 = arith.constant 0 : i32
      %dma_wait3A_302 = tpu.memref_slice %arg12[%dma_wait3A_301] : memref<512xi32, #tpu.memory_space<vmem>> -> memref<512xi32, #tpu.memory_space<vmem>>
      %dma_wait3A_303 = arith.constant 0 : i32
      %dma_wait3A_304 = tpu.memref_slice %arg6[%dma_wait3A_303] : memref<40000xi32, #tpu.memory_space<hbm>> -> memref<512xi32, #tpu.memory_space<hbm>>
      %dma_wait3A_305 = arith.constant 0 : i32
      %dma_wait3A_306 = tpu.memref_slice %arg12[%dma_wait3A_305] : memref<512xi32, #tpu.memory_space<vmem>> -> memref<512xi32, #tpu.memory_space<vmem>>
      %dma_wait3A_307 = arith.constant 0 : i32
      %dma_wait3A_308 = tpu.memref_slice %arg6[%dma_wait3A_307] : memref<40000xi32, #tpu.memory_space<hbm>> -> memref<512xi32, #tpu.memory_space<hbm>>
      tpu.wait_dma2 semaphore(%arg27 : memref<!tpu.dma_semaphore, #tpu.memory_space<semaphore_mem>>) src(%dma_wait3A_308 : memref<512xi32, #tpu.memory_space<hbm>>) dst(%dma_wait3A_306 : memref<512xi32, #tpu.memory_space<vmem>>)
      %scan3A_309 = arith.constant 0 : i32
      %scan3A_310 = arith.constant 0 : i32
      %scan3A_311 = arith.constant 16 : i32
      %scan3A_312 = arith.addi %scan3A_310, %scan3A_311 : i32
      %scan3A_313 = arith.constant 1 : i32
      %scan3A_314 = scf.for %scan3A_359 = %scan3A_310 to %scan3A_312 step %scan3A_313 iter_args(%scan3A_360 = %scan3A_309) -> (i32)  : i32 {
        %mul3A_361 = arith.constant 32 : i32
        %mul3A_362 = arith.muli %scan3A_359, %mul3A_361 : i32
        %add3A_363 = arith.addi %multiple_of3A, %mul3A_362 : i32
        %add3A_364 = vector.broadcast %add3A_363 : i32 to vector<16xi32>
        %add3A_365 = arith.addi %add3A_364, %iota3A : vector<16xi32>
        %add3A_366 = arith.constant 16 : i32
        %add3A_367 = vector.broadcast %add3A_366 : i32 to vector<16xi32>
        %add3A_368 = arith.addi %add3A_365, %add3A_367 : vector<16xi32>
        %mul3A_369 = arith.constant 32 : i32
        %mul3A_370 = arith.muli %scan3A_359, %mul3A_369 : i32
        %add3A_371 = arith.constant 0 : i32
        %add3A_372 = arith.addi %mul3A_370, %add3A_371 : i32
        %get3A = arith.index_cast %add3A_372 : i32 to index
        %get3A_373 = tpu.vector_load %arg9[%get3A] {strides = array<i32>} : memref<512xi32, #tpu.memory_space<vmem>>, vector<16xi32>,
        %get3A_374 = arith.index_cast %add3A_372 : i32 to index
        %get3A_375 = tpu.vector_load %arg10[%get3A_374] {strides = array<i32>} : memref<512xi32, #tpu.memory_space<vmem>>, vector<16xi32>,
        %get3A_376 = arith.index_cast %add3A_372 : i32 to index
        %get3A_377 = tpu.vector_load %arg11[%get3A_376] {strides = array<i32>} : memref<512xi32, #tpu.memory_space<vmem>>, vector<16xi32>,
        %get3A_378 = arith.index_cast %add3A_372 : i32 to index
        %get3A_379 = tpu.vector_load %arg12[%get3A_378] {strides = array<i32>} : memref<512xi32, #tpu.memory_space<vmem>>, vector<16xi32>,
        %mul3A_380 = arith.constant 2 : i32
        %mul3A_381 = vector.broadcast %mul3A_380 : i32 to vector<16xi32>
        %mul3A_382 = arith.muli %get3A_373, %mul3A_381 : vector<16xi32>
        %add3A_383 = arith.addi %mul3A_382, %get3A_375 : vector<16xi32>
        %mul3A_384 = arith.constant 200 : i32
        %mul3A_385 = vector.broadcast %mul3A_384 : i32 to vector<16xi32>
        %mul3A_386 = arith.muli %add3A_383, %mul3A_385 : vector<16xi32>
        %add3A_387 = arith.addi %mul3A_386, %get3A_377 : vector<16xi32>
        %mul3A_388 = arith.constant 176 : i32
        %mul3A_389 = vector.broadcast %mul3A_388 : i32 to vector<16xi32>
        %mul3A_390 = arith.muli %add3A_387, %mul3A_389 : vector<16xi32>
        %add3A_391 = arith.addi %mul3A_390, %get3A_379 : vector<16xi32>
        %shift_right_arithmetic3A = arith.constant 8 : i32
        %shift_right_arithmetic3A_392 = vector.broadcast %shift_right_arithmetic3A : i32 to vector<16xi32>
        %shift_right_arithmetic3A_393 = arith.shrsi %add3A_391, %shift_right_arithmetic3A_392 : vector<16xi32>
        %and3A_394 = arith.constant 31 : i32
        %and3A_395 = vector.broadcast %and3A_394 : i32 to vector<16xi32>
        %and3A_396 = arith.andi %shift_right_arithmetic3A_393, %and3A_395 : vector<16xi32>
        %eq3A = vector.broadcast %add3A : i32 to vector<16xi32>
        %eq3A_397 = arith.cmpi eq, %and3A_396, %eq3A : vector<16xi32>
        %shift_right_arithmetic3A_398 = arith.constant 5 : i32
        %shift_right_arithmetic3A_399 = vector.broadcast %shift_right_arithmetic3A_398 : i32 to vector<16xi32>
        %shift_right_arithmetic3A_400 = arith.shrsi %shift_right_arithmetic3A_393, %shift_right_arithmetic3A_399 : vector<16xi32>
        %shift_left3A = arith.constant 8 : i32
        %shift_left3A_401 = vector.broadcast %shift_left3A : i32 to vector<16xi32>
        %shift_left3A_402 = arith.shli %shift_right_arithmetic3A_400, %shift_left3A_401 : vector<16xi32>
        %and3A_403 = arith.constant 255 : i32
        %and3A_404 = vector.broadcast %and3A_403 : i32 to vector<16xi32>
        %and3A_405 = arith.andi %add3A_391, %and3A_404 : vector<16xi32>
        %or3A = arith.ori %shift_left3A_402, %and3A_405 : vector<16xi32>
        %shift_left3A_406 = arith.constant 16 : i32
        %shift_left3A_407 = vector.broadcast %shift_left3A_406 : i32 to vector<16xi32>
        %shift_left3A_408 = arith.shli %or3A, %shift_left3A_407 : vector<16xi32>
        %or3A_409 = arith.ori %shift_left3A_408, %add3A_365 : vector<16xi32>
        %jit3A_410 = arith.constant 2147483647 : i32
        %broadcast_in_dim3A_411 = vector.broadcast %jit3A_410 : i32 to vector<16xi32>
        %select_n3A_412 = arith.select %eq3A_397, %or3A_409, %broadcast_in_dim3A_411 : vector<16xi1>, vector<16xi32>
        %mul3A_413 = arith.constant 32 : i32
        %mul3A_414 = arith.muli %scan3A_359, %mul3A_413 : i32
        %add3A_415 = arith.constant 16 : i32
        %add3A_416 = arith.addi %mul3A_414, %add3A_415 : i32
        %get3A_417 = arith.index_cast %add3A_416 : i32 to index
        %get3A_418 = tpu.vector_load %arg9[%get3A_417] {strides = array<i32>} : memref<512xi32, #tpu.memory_space<vmem>>, vector<16xi32>,
        %get3A_419 = arith.index_cast %add3A_416 : i32 to index
        %get3A_420 = tpu.vector_load %arg10[%get3A_419] {strides = array<i32>} : memref<512xi32, #tpu.memory_space<vmem>>, vector<16xi32>,
        %get3A_421 = arith.index_cast %add3A_416 : i32 to index
        %get3A_422 = tpu.vector_load %arg11[%get3A_421] {strides = array<i32>} : memref<512xi32, #tpu.memory_space<vmem>>, vector<16xi32>,
        %get3A_423 = arith.index_cast %add3A_416 : i32 to index
        %get3A_424 = tpu.vector_load %arg12[%get3A_423] {strides = array<i32>} : memref<512xi32, #tpu.memory_space<vmem>>, vector<16xi32>,
        %mul3A_425 = arith.constant 2 : i32
        %mul3A_426 = vector.broadcast %mul3A_425 : i32 to vector<16xi32>
        %mul3A_427 = arith.muli %get3A_418, %mul3A_426 : vector<16xi32>
        %add3A_428 = arith.addi %mul3A_427, %get3A_420 : vector<16xi32>
        %mul3A_429 = arith.constant 200 : i32
        %mul3A_430 = vector.broadcast %mul3A_429 : i32 to vector<16xi32>
        %mul3A_431 = arith.muli %add3A_428, %mul3A_430 : vector<16xi32>
        %add3A_432 = arith.addi %mul3A_431, %get3A_422 : vector<16xi32>
        %mul3A_433 = arith.constant 176 : i32
        %mul3A_434 = vector.broadcast %mul3A_433 : i32 to vector<16xi32>
        %mul3A_435 = arith.muli %add3A_432, %mul3A_434 : vector<16xi32>
        %add3A_436 = arith.addi %mul3A_435, %get3A_424 : vector<16xi32>
        %shift_right_arithmetic3A_437 = arith.constant 8 : i32
        %shift_right_arithmetic3A_438 = vector.broadcast %shift_right_arithmetic3A_437 : i32 to vector<16xi32>
        %shift_right_arithmetic3A_439 = arith.shrsi %add3A_436, %shift_right_arithmetic3A_438 : vector<16xi32>
        %and3A_440 = arith.constant 31 : i32
        %and3A_441 = vector.broadcast %and3A_440 : i32 to vector<16xi32>
        %and3A_442 = arith.andi %shift_right_arithmetic3A_439, %and3A_441 : vector<16xi32>
        %eq3A_443 = vector.broadcast %add3A : i32 to vector<16xi32>
        %eq3A_444 = arith.cmpi eq, %and3A_442, %eq3A_443 : vector<16xi32>
        %shift_right_arithmetic3A_445 = arith.constant 5 : i32
        %shift_right_arithmetic3A_446 = vector.broadcast %shift_right_arithmetic3A_445 : i32 to vector<16xi32>
        %shift_right_arithmetic3A_447 = arith.shrsi %shift_right_arithmetic3A_439, %shift_right_arithmetic3A_446 : vector<16xi32>
        %shift_left3A_448 = arith.constant 8 : i32
        %shift_left3A_449 = vector.broadcast %shift_left3A_448 : i32 to vector<16xi32>
        %shift_left3A_450 = arith.shli %shift_right_arithmetic3A_447, %shift_left3A_449 : vector<16xi32>
        %and3A_451 = arith.constant 255 : i32
        %and3A_452 = vector.broadcast %and3A_451 : i32 to vector<16xi32>
        %and3A_453 = arith.andi %add3A_436, %and3A_452 : vector<16xi32>
        %or3A_454 = arith.ori %shift_left3A_450, %and3A_453 : vector<16xi32>
        %shift_left3A_455 = arith.constant 16 : i32
        %shift_left3A_456 = vector.broadcast %shift_left3A_455 : i32 to vector<16xi32>
        %shift_left3A_457 = arith.shli %or3A_454, %shift_left3A_456 : vector<16xi32>
        %or3A_458 = arith.ori %shift_left3A_457, %add3A_368 : vector<16xi32>
        %jit3A_459 = arith.constant 2147483647 : i32
        %broadcast_in_dim3A_460 = vector.broadcast %jit3A_459 : i32 to vector<16xi32>
        %select_n3A_461 = arith.select %eq3A_444, %or3A_458, %broadcast_in_dim3A_460 : vector<16xi1>, vector<16xi32>
        %add3A_462 = arith.constant 1 : i32
        %add3A_463 = vector.broadcast %add3A_462 : i32 to vector<16xi32>
        %add3A_464 = arith.addi %add3A_365, %add3A_463 : vector<16xi32>
        %masked_sort3A = arith.constant dense<true> : vector<16xi1>
        %masked_sort3A_465 = arith.constant -2147483648 : i32
        %masked_sort3A_466 = vector.broadcast %masked_sort3A_465 : i32 to vector<16xi32>
        %masked_sort3A_467 = arith.xori %select_n3A_412, %masked_sort3A_466 : vector<16xi32>
        %masked_sort3A_468, %masked_sort3A_469, %masked_sort3A_470 = tpu.sort %masked_sort3A_467, %add3A_464 masked %masked_sort3A : (vector<16xi32>, vector<16xi32>, vector<16xi1>) -> (vector<16xi1>, vector<16xi32>, vector<16xi32>)
        %masked_sort3A_471 = arith.xori %masked_sort3A_469, %masked_sort3A_466 : vector<16xi32>
        %add3A_472 = arith.constant 1 : i32
        %add3A_473 = vector.broadcast %add3A_472 : i32 to vector<16xi32>
        %add3A_474 = arith.addi %add3A_368, %add3A_473 : vector<16xi32>
        %masked_sort3A_475 = arith.constant dense<true> : vector<16xi1>
        %masked_sort3A_476 = arith.constant -2147483648 : i32
        %masked_sort3A_477 = vector.broadcast %masked_sort3A_476 : i32 to vector<16xi32>
        %masked_sort3A_478 = arith.xori %select_n3A_461, %masked_sort3A_477 : vector<16xi32>
        %masked_sort3A_479, %masked_sort3A_480, %masked_sort3A_481 = tpu.sort %masked_sort3A_478, %add3A_474 masked %masked_sort3A_475 : (vector<16xi32>, vector<16xi32>, vector<16xi1>) -> (vector<16xi1>, vector<16xi32>, vector<16xi32>)
        %masked_sort3A_482 = arith.xori %masked_sort3A_480, %masked_sort3A_477 : vector<16xi32>
        %swap3A_483 = arith.constant 0 : index
        %swap3A_484 = tpu.vector_load %arg17[%swap3A_483] {strides = array<i32>} : memref<64xi32, #tpu.memory_space<vmem>>, vector<16xi32>,
        tpu.vector_store %arg17[%swap3A_483], %masked_sort3A_471 {strides = array<i32>} : memref<64xi32, #tpu.memory_space<vmem>>, vector<16xi32>,
        %swap3A_485 = arith.constant 32 : index
        %swap3A_486 = tpu.vector_load %arg17[%swap3A_485] {strides = array<i32>} : memref<64xi32, #tpu.memory_space<vmem>>, vector<16xi32>,
        tpu.vector_store %arg17[%swap3A_485], %masked_sort3A_482 {strides = array<i32>} : memref<64xi32, #tpu.memory_space<vmem>>, vector<16xi32>,
        %add3A_487 = arith.constant 1 : i32
        %add3A_488 = vector.broadcast %add3A_487 : i32 to vector<16xi32>
        %add3A_489 = arith.addi %iota3A, %add3A_488 : vector<16xi32>
        %gather3A = tpu.vector_load_idx %arg17[%add3A_489] : memref<64xi32, #tpu.memory_space<vmem>>[vector<16xi32>], vector<16xi32>,
        %add3A_490 = arith.constant 33 : i32
        %add3A_491 = vector.broadcast %add3A_490 : i32 to vector<16xi32>
        %add3A_492 = arith.addi %iota3A, %add3A_491 : vector<16xi32>
        %gather3A_493 = tpu.vector_load_idx %arg17[%add3A_492] : memref<64xi32, #tpu.memory_space<vmem>>[vector<16xi32>], vector<16xi32>,
        %shift_right_arithmetic3A_494 = arith.constant 16 : i32
        %shift_right_arithmetic3A_495 = vector.broadcast %shift_right_arithmetic3A_494 : i32 to vector<16xi32>
        %shift_right_arithmetic3A_496 = arith.shrsi %masked_sort3A_471, %shift_right_arithmetic3A_495 : vector<16xi32>
        %shift_right_arithmetic3A_497 = arith.constant 16 : i32
        %shift_right_arithmetic3A_498 = vector.broadcast %shift_right_arithmetic3A_497 : i32 to vector<16xi32>
        %shift_right_arithmetic3A_499 = arith.shrsi %masked_sort3A_482, %shift_right_arithmetic3A_498 : vector<16xi32>
        %lt3A_500 = arith.constant 8960 : i32
        %lt3A_501 = vector.broadcast %lt3A_500 : i32 to vector<16xi32>
        %lt3A_502 = arith.cmpi slt, %shift_right_arithmetic3A_496, %lt3A_501 : vector<16xi32>
        %shift_right_arithmetic3A_503 = arith.constant 16 : i32
        %shift_right_arithmetic3A_504 = vector.broadcast %shift_right_arithmetic3A_503 : i32 to vector<16xi32>
        %shift_right_arithmetic3A_505 = arith.shrsi %gather3A, %shift_right_arithmetic3A_504 : vector<16xi32>
        %ne3A_506 = arith.cmpi ne, %shift_right_arithmetic3A_496, %shift_right_arithmetic3A_505 : vector<16xi32>
        %and3A_507 = arith.andi %lt3A_502, %ne3A_506 : vector<16xi1>
        %lt3A_508 = arith.constant 8960 : i32
        %lt3A_509 = vector.broadcast %lt3A_508 : i32 to vector<16xi32>
        %lt3A_510 = arith.cmpi slt, %shift_right_arithmetic3A_499, %lt3A_509 : vector<16xi32>
        %shift_right_arithmetic3A_511 = arith.constant 16 : i32
        %shift_right_arithmetic3A_512 = vector.broadcast %shift_right_arithmetic3A_511 : i32 to vector<16xi32>
        %shift_right_arithmetic3A_513 = arith.shrsi %gather3A_493, %shift_right_arithmetic3A_512 : vector<16xi32>
        %ne3A_514 = arith.cmpi ne, %shift_right_arithmetic3A_499, %shift_right_arithmetic3A_513 : vector<16xi32>
        %and3A_515 = arith.andi %lt3A_510, %ne3A_514 : vector<16xi1>
        tpu.vector_store_idx %arg8[%shift_right_arithmetic3A_496], %masked_sort3A_470 masked %and3A_507 : memref<8960xi32, #tpu.memory_space<vmem>>[vector<16xi32>], vector<16xi32>, vector<16xi1>
        tpu.vector_store_idx %arg8[%shift_right_arithmetic3A_499], %masked_sort3A_481 masked %and3A_515 : memref<8960xi32, #tpu.memory_space<vmem>>[vector<16xi32>], vector<16xi32>, vector<16xi1>
        %scan3A_516 = arith.constant 0 : i32
        scf.yield %scan3A_516 : i32
      }
      %scan3A_315 = arith.constant 16 : i32
      %lt3A_316 = arith.constant 38 : i32
      %lt3A_317 = arith.cmpi slt, %scan3A_240, %lt3A_316 : i32
      %convert_element_type3A = arith.extui %lt3A_317 : i1 to i32
      %cond3A = arith.constant 0 : i32
      %cond3A_318 = arith.cmpi ne, %convert_element_type3A, %cond3A : i32
      scf.if %cond3A_318 {
        %mul3A_359 = arith.constant 2 : i32
        %mul3A_360 = arith.muli %mul3A_359, %scan3A_240 : i32
        %add3A_361 = arith.constant 2 : i32
        %add3A_362 = arith.addi %mul3A_360, %add3A_361 : i32
        %mul3A_363 = arith.constant 512 : i32
        %mul3A_364 = arith.muli %add3A_362, %mul3A_363 : i32
        %multiple_of3A_365 = tpu.assume_multiple %mul3A_364, 512 : i32
        %dma_start3A_366 = arith.constant 0 : i32
        %dma_start3A_367 = tpu.memref_slice %arg9[%dma_start3A_366] : memref<512xi32, #tpu.memory_space<vmem>> -> memref<512xi32, #tpu.memory_space<vmem>>
        %dma_start3A_368 = tpu.memref_slice %arg3[%multiple_of3A_365] : memref<40000xi32, #tpu.memory_space<hbm>> -> memref<512xi32, #tpu.memory_space<hbm>>
        %dma_start3A_369 = arith.constant 0 : i32
        %dma_start3A_370 = tpu.memref_slice %arg9[%dma_start3A_369] : memref<512xi32, #tpu.memory_space<vmem>> -> memref<512xi32, #tpu.memory_space<vmem>>
        %dma_start3A_371 = tpu.memref_slice %arg3[%multiple_of3A_365] : memref<40000xi32, #tpu.memory_space<hbm>> -> memref<512xi32, #tpu.memory_space<hbm>>
        tpu.enqueue_dma source(%dma_start3A_371 : memref<512xi32, #tpu.memory_space<hbm>>) target(%dma_start3A_370 : memref<512xi32, #tpu.memory_space<vmem>>) target_semaphore(%arg27 : memref<!tpu.dma_semaphore, #tpu.memory_space<semaphore_mem>>)
        %dma_start3A_372 = arith.constant 0 : i32
        %dma_start3A_373 = tpu.memref_slice %arg10[%dma_start3A_372] : memref<512xi32, #tpu.memory_space<vmem>> -> memref<512xi32, #tpu.memory_space<vmem>>
        %dma_start3A_374 = tpu.memref_slice %arg4[%multiple_of3A_365] : memref<40000xi32, #tpu.memory_space<hbm>> -> memref<512xi32, #tpu.memory_space<hbm>>
        %dma_start3A_375 = arith.constant 0 : i32
        %dma_start3A_376 = tpu.memref_slice %arg10[%dma_start3A_375] : memref<512xi32, #tpu.memory_space<vmem>> -> memref<512xi32, #tpu.memory_space<vmem>>
        %dma_start3A_377 = tpu.memref_slice %arg4[%multiple_of3A_365] : memref<40000xi32, #tpu.memory_space<hbm>> -> memref<512xi32, #tpu.memory_space<hbm>>
        tpu.enqueue_dma source(%dma_start3A_377 : memref<512xi32, #tpu.memory_space<hbm>>) target(%dma_start3A_376 : memref<512xi32, #tpu.memory_space<vmem>>) target_semaphore(%arg27 : memref<!tpu.dma_semaphore, #tpu.memory_space<semaphore_mem>>)
        %dma_start3A_378 = arith.constant 0 : i32
        %dma_start3A_379 = tpu.memref_slice %arg11[%dma_start3A_378] : memref<512xi32, #tpu.memory_space<vmem>> -> memref<512xi32, #tpu.memory_space<vmem>>
        %dma_start3A_380 = tpu.memref_slice %arg5[%multiple_of3A_365] : memref<40000xi32, #tpu.memory_space<hbm>> -> memref<512xi32, #tpu.memory_space<hbm>>
        %dma_start3A_381 = arith.constant 0 : i32
        %dma_start3A_382 = tpu.memref_slice %arg11[%dma_start3A_381] : memref<512xi32, #tpu.memory_space<vmem>> -> memref<512xi32, #tpu.memory_space<vmem>>
        %dma_start3A_383 = tpu.memref_slice %arg5[%multiple_of3A_365] : memref<40000xi32, #tpu.memory_space<hbm>> -> memref<512xi32, #tpu.memory_space<hbm>>
        tpu.enqueue_dma source(%dma_start3A_383 : memref<512xi32, #tpu.memory_space<hbm>>) target(%dma_start3A_382 : memref<512xi32, #tpu.memory_space<vmem>>) target_semaphore(%arg27 : memref<!tpu.dma_semaphore, #tpu.memory_space<semaphore_mem>>)
        %dma_start3A_384 = arith.constant 0 : i32
        %dma_start3A_385 = tpu.memref_slice %arg12[%dma_start3A_384] : memref<512xi32, #tpu.memory_space<vmem>> -> memref<512xi32, #tpu.memory_space<vmem>>
        %dma_start3A_386 = tpu.memref_slice %arg6[%multiple_of3A_365] : memref<40000xi32, #tpu.memory_space<hbm>> -> memref<512xi32, #tpu.memory_space<hbm>>
        %dma_start3A_387 = arith.constant 0 : i32
        %dma_start3A_388 = tpu.memref_slice %arg12[%dma_start3A_387] : memref<512xi32, #tpu.memory_space<vmem>> -> memref<512xi32, #tpu.memory_space<vmem>>
        %dma_start3A_389 = tpu.memref_slice %arg6[%multiple_of3A_365] : memref<40000xi32, #tpu.memory_space<hbm>> -> memref<512xi32, #tpu.memory_space<hbm>>
        tpu.enqueue_dma source(%dma_start3A_389 : memref<512xi32, #tpu.memory_space<hbm>>) target(%dma_start3A_388 : memref<512xi32, #tpu.memory_space<vmem>>) target_semaphore(%arg27 : memref<!tpu.dma_semaphore, #tpu.memory_space<semaphore_mem>>)
      } else {
      }
      %dma_wait3A_319 = arith.constant 0 : i32
      %dma_wait3A_320 = tpu.memref_slice %arg13[%dma_wait3A_319] : memref<512xi32, #tpu.memory_space<vmem>> -> memref<512xi32, #tpu.memory_space<vmem>>
      %dma_wait3A_321 = arith.constant 0 : i32
      %dma_wait3A_322 = tpu.memref_slice %arg3[%dma_wait3A_321] : memref<40000xi32, #tpu.memory_space<hbm>> -> memref<512xi32, #tpu.memory_space<hbm>>
      %dma_wait3A_323 = arith.constant 0 : i32
      %dma_wait3A_324 = tpu.memref_slice %arg13[%dma_wait3A_323] : memref<512xi32, #tpu.memory_space<vmem>> -> memref<512xi32, #tpu.memory_space<vmem>>
      %dma_wait3A_325 = arith.constant 0 : i32
      %dma_wait3A_326 = tpu.memref_slice %arg3[%dma_wait3A_325] : memref<40000xi32, #tpu.memory_space<hbm>> -> memref<512xi32, #tpu.memory_space<hbm>>
      tpu.wait_dma2 semaphore(%arg28 : memref<!tpu.dma_semaphore, #tpu.memory_space<semaphore_mem>>) src(%dma_wait3A_326 : memref<512xi32, #tpu.memory_space<hbm>>) dst(%dma_wait3A_324 : memref<512xi32, #tpu.memory_space<vmem>>)
      %dma_wait3A_327 = arith.constant 0 : i32
      %dma_wait3A_328 = tpu.memref_slice %arg14[%dma_wait3A_327] : memref<512xi32, #tpu.memory_space<vmem>> -> memref<512xi32, #tpu.memory_space<vmem>>
      %dma_wait3A_329 = arith.constant 0 : i32
      %dma_wait3A_330 = tpu.memref_slice %arg4[%dma_wait3A_329] : memref<40000xi32, #tpu.memory_space<hbm>> -> memref<512xi32, #tpu.memory_space<hbm>>
      %dma_wait3A_331 = arith.constant 0 : i32
      %dma_wait3A_332 = tpu.memref_slice %arg14[%dma_wait3A_331] : memref<512xi32, #tpu.memory_space<vmem>> -> memref<512xi32, #tpu.memory_space<vmem>>
      %dma_wait3A_333 = arith.constant 0 : i32
      %dma_wait3A_334 = tpu.memref_slice %arg4[%dma_wait3A_333] : memref<40000xi32, #tpu.memory_space<hbm>> -> memref<512xi32, #tpu.memory_space<hbm>>
      tpu.wait_dma2 semaphore(%arg28 : memref<!tpu.dma_semaphore, #tpu.memory_space<semaphore_mem>>) src(%dma_wait3A_334 : memref<512xi32, #tpu.memory_space<hbm>>) dst(%dma_wait3A_332 : memref<512xi32, #tpu.memory_space<vmem>>)
      %dma_wait3A_335 = arith.constant 0 : i32
      %dma_wait3A_336 = tpu.memref_slice %arg15[%dma_wait3A_335] : memref<512xi32, #tpu.memory_space<vmem>> -> memref<512xi32, #tpu.memory_space<vmem>>
      %dma_wait3A_337 = arith.constant 0 : i32
      %dma_wait3A_338 = tpu.memref_slice %arg5[%dma_wait3A_337] : memref<40000xi32, #tpu.memory_space<hbm>> -> memref<512xi32, #tpu.memory_space<hbm>>
      %dma_wait3A_339 = arith.constant 0 : i32
      %dma_wait3A_340 = tpu.memref_slice %arg15[%dma_wait3A_339] : memref<512xi32, #tpu.memory_space<vmem>> -> memref<512xi32, #tpu.memory_space<vmem>>
      %dma_wait3A_341 = arith.constant 0 : i32
      %dma_wait3A_342 = tpu.memref_slice %arg5[%dma_wait3A_341] : memref<40000xi32, #tpu.memory_space<hbm>> -> memref<512xi32, #tpu.memory_space<hbm>>
      tpu.wait_dma2 semaphore(%arg28 : memref<!tpu.dma_semaphore, #tpu.memory_space<semaphore_mem>>) src(%dma_wait3A_342 : memref<512xi32, #tpu.memory_space<hbm>>) dst(%dma_wait3A_340 : memref<512xi32, #tpu.memory_space<vmem>>)
      %dma_wait3A_343 = arith.constant 0 : i32
      %dma_wait3A_344 = tpu.memref_slice %arg16[%dma_wait3A_343] : memref<512xi32, #tpu.memory_space<vmem>> -> memref<512xi32, #tpu.memory_space<vmem>>
      %dma_wait3A_345 = arith.constant 0 : i32
      %dma_wait3A_346 = tpu.memref_slice %arg6[%dma_wait3A_345] : memref<40000xi32, #tpu.memory_space<hbm>> -> memref<512xi32, #tpu.memory_space<hbm>>
      %dma_wait3A_347 = arith.constant 0 : i32
      %dma_wait3A_348 = tpu.memref_slice %arg16[%dma_wait3A_347] : memref<512xi32, #tpu.memory_space<vmem>> -> memref<512xi32, #tpu.memory_space<vmem>>
      %dma_wait3A_349 = arith.constant 0 : i32
      %dma_wait3A_350 = tpu.memref_slice %arg6[%dma_wait3A_349] : memref<40000xi32, #tpu.memory_space<hbm>> -> memref<512xi32, #tpu.memory_space<hbm>>
      tpu.wait_dma2 semaphore(%arg28 : memref<!tpu.dma_semaphore, #tpu.memory_space<semaphore_mem>>) src(%dma_wait3A_350 : memref<512xi32, #tpu.memory_space<hbm>>) dst(%dma_wait3A_348 : memref<512xi32, #tpu.memory_space<vmem>>)
      %scan3A_351 = arith.constant 0 : i32
      %scan3A_352 = arith.constant 0 : i32
      %scan3A_353 = arith.constant 16 : i32
      %scan3A_354 = arith.addi %scan3A_352, %scan3A_353 : i32
      %scan3A_355 = arith.constant 1 : i32
      %scan3A_356 = scf.for %scan3A_359 = %scan3A_352 to %scan3A_354 step %scan3A_355 iter_args(%scan3A_360 = %scan3A_351) -> (i32)  : i32 {
        %mul3A_361 = arith.constant 32 : i32
        %mul3A_362 = arith.muli %scan3A_359, %mul3A_361 : i32
        %add3A_363 = arith.addi %multiple_of3A_252, %mul3A_362 : i32
        %add3A_364 = vector.broadcast %add3A_363 : i32 to vector<16xi32>
        %add3A_365 = arith.addi %add3A_364, %iota3A : vector<16xi32>
        %add3A_366 = arith.constant 16 : i32
        %add3A_367 = vector.broadcast %add3A_366 : i32 to vector<16xi32>
        %add3A_368 = arith.addi %add3A_365, %add3A_367 : vector<16xi32>
        %mul3A_369 = arith.constant 32 : i32
        %mul3A_370 = arith.muli %scan3A_359, %mul3A_369 : i32
        %add3A_371 = arith.constant 0 : i32
        %add3A_372 = arith.addi %mul3A_370, %add3A_371 : i32
        %get3A = arith.index_cast %add3A_372 : i32 to index
        %get3A_373 = tpu.vector_load %arg13[%get3A] {strides = array<i32>} : memref<512xi32, #tpu.memory_space<vmem>>, vector<16xi32>,
        %get3A_374 = arith.index_cast %add3A_372 : i32 to index
        %get3A_375 = tpu.vector_load %arg14[%get3A_374] {strides = array<i32>} : memref<512xi32, #tpu.memory_space<vmem>>, vector<16xi32>,
        %get3A_376 = arith.index_cast %add3A_372 : i32 to index
        %get3A_377 = tpu.vector_load %arg15[%get3A_376] {strides = array<i32>} : memref<512xi32, #tpu.memory_space<vmem>>, vector<16xi32>,
        %get3A_378 = arith.index_cast %add3A_372 : i32 to index
        %get3A_379 = tpu.vector_load %arg16[%get3A_378] {strides = array<i32>} : memref<512xi32, #tpu.memory_space<vmem>>, vector<16xi32>,
        %mul3A_380 = arith.constant 2 : i32
        %mul3A_381 = vector.broadcast %mul3A_380 : i32 to vector<16xi32>
        %mul3A_382 = arith.muli %get3A_373, %mul3A_381 : vector<16xi32>
        %add3A_383 = arith.addi %mul3A_382, %get3A_375 : vector<16xi32>
        %mul3A_384 = arith.constant 200 : i32
        %mul3A_385 = vector.broadcast %mul3A_384 : i32 to vector<16xi32>
        %mul3A_386 = arith.muli %add3A_383, %mul3A_385 : vector<16xi32>
        %add3A_387 = arith.addi %mul3A_386, %get3A_377 : vector<16xi32>
        %mul3A_388 = arith.constant 176 : i32
        %mul3A_389 = vector.broadcast %mul3A_388 : i32 to vector<16xi32>
        %mul3A_390 = arith.muli %add3A_387, %mul3A_389 : vector<16xi32>
        %add3A_391 = arith.addi %mul3A_390, %get3A_379 : vector<16xi32>
        %shift_right_arithmetic3A = arith.constant 8 : i32
        %shift_right_arithmetic3A_392 = vector.broadcast %shift_right_arithmetic3A : i32 to vector<16xi32>
        %shift_right_arithmetic3A_393 = arith.shrsi %add3A_391, %shift_right_arithmetic3A_392 : vector<16xi32>
        %and3A_394 = arith.constant 31 : i32
        %and3A_395 = vector.broadcast %and3A_394 : i32 to vector<16xi32>
        %and3A_396 = arith.andi %shift_right_arithmetic3A_393, %and3A_395 : vector<16xi32>
        %eq3A = vector.broadcast %add3A : i32 to vector<16xi32>
        %eq3A_397 = arith.cmpi eq, %and3A_396, %eq3A : vector<16xi32>
        %shift_right_arithmetic3A_398 = arith.constant 5 : i32
        %shift_right_arithmetic3A_399 = vector.broadcast %shift_right_arithmetic3A_398 : i32 to vector<16xi32>
        %shift_right_arithmetic3A_400 = arith.shrsi %shift_right_arithmetic3A_393, %shift_right_arithmetic3A_399 : vector<16xi32>
        %shift_left3A = arith.constant 8 : i32
        %shift_left3A_401 = vector.broadcast %shift_left3A : i32 to vector<16xi32>
        %shift_left3A_402 = arith.shli %shift_right_arithmetic3A_400, %shift_left3A_401 : vector<16xi32>
        %and3A_403 = arith.constant 255 : i32
        %and3A_404 = vector.broadcast %and3A_403 : i32 to vector<16xi32>
        %and3A_405 = arith.andi %add3A_391, %and3A_404 : vector<16xi32>
        %or3A = arith.ori %shift_left3A_402, %and3A_405 : vector<16xi32>
        %shift_left3A_406 = arith.constant 16 : i32
        %shift_left3A_407 = vector.broadcast %shift_left3A_406 : i32 to vector<16xi32>
        %shift_left3A_408 = arith.shli %or3A, %shift_left3A_407 : vector<16xi32>
        %or3A_409 = arith.ori %shift_left3A_408, %add3A_365 : vector<16xi32>
        %jit3A_410 = arith.constant 2147483647 : i32
        %broadcast_in_dim3A_411 = vector.broadcast %jit3A_410 : i32 to vector<16xi32>
        %select_n3A_412 = arith.select %eq3A_397, %or3A_409, %broadcast_in_dim3A_411 : vector<16xi1>, vector<16xi32>
        %mul3A_413 = arith.constant 32 : i32
        %mul3A_414 = arith.muli %scan3A_359, %mul3A_413 : i32
        %add3A_415 = arith.constant 16 : i32
        %add3A_416 = arith.addi %mul3A_414, %add3A_415 : i32
        %get3A_417 = arith.index_cast %add3A_416 : i32 to index
        %get3A_418 = tpu.vector_load %arg13[%get3A_417] {strides = array<i32>} : memref<512xi32, #tpu.memory_space<vmem>>, vector<16xi32>,
        %get3A_419 = arith.index_cast %add3A_416 : i32 to index
        %get3A_420 = tpu.vector_load %arg14[%get3A_419] {strides = array<i32>} : memref<512xi32, #tpu.memory_space<vmem>>, vector<16xi32>,
        %get3A_421 = arith.index_cast %add3A_416 : i32 to index
        %get3A_422 = tpu.vector_load %arg15[%get3A_421] {strides = array<i32>} : memref<512xi32, #tpu.memory_space<vmem>>, vector<16xi32>,
        %get3A_423 = arith.index_cast %add3A_416 : i32 to index
        %get3A_424 = tpu.vector_load %arg16[%get3A_423] {strides = array<i32>} : memref<512xi32, #tpu.memory_space<vmem>>, vector<16xi32>,
        %mul3A_425 = arith.constant 2 : i32
        %mul3A_426 = vector.broadcast %mul3A_425 : i32 to vector<16xi32>
        %mul3A_427 = arith.muli %get3A_418, %mul3A_426 : vector<16xi32>
        %add3A_428 = arith.addi %mul3A_427, %get3A_420 : vector<16xi32>
        %mul3A_429 = arith.constant 200 : i32
        %mul3A_430 = vector.broadcast %mul3A_429 : i32 to vector<16xi32>
        %mul3A_431 = arith.muli %add3A_428, %mul3A_430 : vector<16xi32>
        %add3A_432 = arith.addi %mul3A_431, %get3A_422 : vector<16xi32>
        %mul3A_433 = arith.constant 176 : i32
        %mul3A_434 = vector.broadcast %mul3A_433 : i32 to vector<16xi32>
        %mul3A_435 = arith.muli %add3A_432, %mul3A_434 : vector<16xi32>
        %add3A_436 = arith.addi %mul3A_435, %get3A_424 : vector<16xi32>
        %shift_right_arithmetic3A_437 = arith.constant 8 : i32
        %shift_right_arithmetic3A_438 = vector.broadcast %shift_right_arithmetic3A_437 : i32 to vector<16xi32>
        %shift_right_arithmetic3A_439 = arith.shrsi %add3A_436, %shift_right_arithmetic3A_438 : vector<16xi32>
        %and3A_440 = arith.constant 31 : i32
        %and3A_441 = vector.broadcast %and3A_440 : i32 to vector<16xi32>
        %and3A_442 = arith.andi %shift_right_arithmetic3A_439, %and3A_441 : vector<16xi32>
        %eq3A_443 = vector.broadcast %add3A : i32 to vector<16xi32>
        %eq3A_444 = arith.cmpi eq, %and3A_442, %eq3A_443 : vector<16xi32>
        %shift_right_arithmetic3A_445 = arith.constant 5 : i32
        %shift_right_arithmetic3A_446 = vector.broadcast %shift_right_arithmetic3A_445 : i32 to vector<16xi32>
        %shift_right_arithmetic3A_447 = arith.shrsi %shift_right_arithmetic3A_439, %shift_right_arithmetic3A_446 : vector<16xi32>
        %shift_left3A_448 = arith.constant 8 : i32
        %shift_left3A_449 = vector.broadcast %shift_left3A_448 : i32 to vector<16xi32>
        %shift_left3A_450 = arith.shli %shift_right_arithmetic3A_447, %shift_left3A_449 : vector<16xi32>
        %and3A_451 = arith.constant 255 : i32
        %and3A_452 = vector.broadcast %and3A_451 : i32 to vector<16xi32>
        %and3A_453 = arith.andi %add3A_436, %and3A_452 : vector<16xi32>
        %or3A_454 = arith.ori %shift_left3A_450, %and3A_453 : vector<16xi32>
        %shift_left3A_455 = arith.constant 16 : i32
        %shift_left3A_456 = vector.broadcast %shift_left3A_455 : i32 to vector<16xi32>
        %shift_left3A_457 = arith.shli %or3A_454, %shift_left3A_456 : vector<16xi32>
        %or3A_458 = arith.ori %shift_left3A_457, %add3A_368 : vector<16xi32>
        %jit3A_459 = arith.constant 2147483647 : i32
        %broadcast_in_dim3A_460 = vector.broadcast %jit3A_459 : i32 to vector<16xi32>
        %select_n3A_461 = arith.select %eq3A_444, %or3A_458, %broadcast_in_dim3A_460 : vector<16xi1>, vector<16xi32>
        %add3A_462 = arith.constant 1 : i32
        %add3A_463 = vector.broadcast %add3A_462 : i32 to vector<16xi32>
        %add3A_464 = arith.addi %add3A_365, %add3A_463 : vector<16xi32>
        %masked_sort3A = arith.constant dense<true> : vector<16xi1>
        %masked_sort3A_465 = arith.constant -2147483648 : i32
        %masked_sort3A_466 = vector.broadcast %masked_sort3A_465 : i32 to vector<16xi32>
        %masked_sort3A_467 = arith.xori %select_n3A_412, %masked_sort3A_466 : vector<16xi32>
        %masked_sort3A_468, %masked_sort3A_469, %masked_sort3A_470 = tpu.sort %masked_sort3A_467, %add3A_464 masked %masked_sort3A : (vector<16xi32>, vector<16xi32>, vector<16xi1>) -> (vector<16xi1>, vector<16xi32>, vector<16xi32>)
        %masked_sort3A_471 = arith.xori %masked_sort3A_469, %masked_sort3A_466 : vector<16xi32>
        %add3A_472 = arith.constant 1 : i32
        %add3A_473 = vector.broadcast %add3A_472 : i32 to vector<16xi32>
        %add3A_474 = arith.addi %add3A_368, %add3A_473 : vector<16xi32>
        %masked_sort3A_475 = arith.constant dense<true> : vector<16xi1>
        %masked_sort3A_476 = arith.constant -2147483648 : i32
        %masked_sort3A_477 = vector.broadcast %masked_sort3A_476 : i32 to vector<16xi32>
        %masked_sort3A_478 = arith.xori %select_n3A_461, %masked_sort3A_477 : vector<16xi32>
        %masked_sort3A_479, %masked_sort3A_480, %masked_sort3A_481 = tpu.sort %masked_sort3A_478, %add3A_474 masked %masked_sort3A_475 : (vector<16xi32>, vector<16xi32>, vector<16xi1>) -> (vector<16xi1>, vector<16xi32>, vector<16xi32>)
        %masked_sort3A_482 = arith.xori %masked_sort3A_480, %masked_sort3A_477 : vector<16xi32>
        %swap3A_483 = arith.constant 0 : index
        %swap3A_484 = tpu.vector_load %arg17[%swap3A_483] {strides = array<i32>} : memref<64xi32, #tpu.memory_space<vmem>>, vector<16xi32>,
        tpu.vector_store %arg17[%swap3A_483], %masked_sort3A_471 {strides = array<i32>} : memref<64xi32, #tpu.memory_space<vmem>>, vector<16xi32>,
        %swap3A_485 = arith.constant 32 : index
        %swap3A_486 = tpu.vector_load %arg17[%swap3A_485] {strides = array<i32>} : memref<64xi32, #tpu.memory_space<vmem>>, vector<16xi32>,
        tpu.vector_store %arg17[%swap3A_485], %masked_sort3A_482 {strides = array<i32>} : memref<64xi32, #tpu.memory_space<vmem>>, vector<16xi32>,
        %add3A_487 = arith.constant 1 : i32
        %add3A_488 = vector.broadcast %add3A_487 : i32 to vector<16xi32>
        %add3A_489 = arith.addi %iota3A, %add3A_488 : vector<16xi32>
        %gather3A = tpu.vector_load_idx %arg17[%add3A_489] : memref<64xi32, #tpu.memory_space<vmem>>[vector<16xi32>], vector<16xi32>,
        %add3A_490 = arith.constant 33 : i32
        %add3A_491 = vector.broadcast %add3A_490 : i32 to vector<16xi32>
        %add3A_492 = arith.addi %iota3A, %add3A_491 : vector<16xi32>
        %gather3A_493 = tpu.vector_load_idx %arg17[%add3A_492] : memref<64xi32, #tpu.memory_space<vmem>>[vector<16xi32>], vector<16xi32>,
        %shift_right_arithmetic3A_494 = arith.constant 16 : i32
        %shift_right_arithmetic3A_495 = vector.broadcast %shift_right_arithmetic3A_494 : i32 to vector<16xi32>
        %shift_right_arithmetic3A_496 = arith.shrsi %masked_sort3A_471, %shift_right_arithmetic3A_495 : vector<16xi32>
        %shift_right_arithmetic3A_497 = arith.constant 16 : i32
        %shift_right_arithmetic3A_498 = vector.broadcast %shift_right_arithmetic3A_497 : i32 to vector<16xi32>
        %shift_right_arithmetic3A_499 = arith.shrsi %masked_sort3A_482, %shift_right_arithmetic3A_498 : vector<16xi32>
        %lt3A_500 = arith.constant 8960 : i32
        %lt3A_501 = vector.broadcast %lt3A_500 : i32 to vector<16xi32>
        %lt3A_502 = arith.cmpi slt, %shift_right_arithmetic3A_496, %lt3A_501 : vector<16xi32>
        %shift_right_arithmetic3A_503 = arith.constant 16 : i32
        %shift_right_arithmetic3A_504 = vector.broadcast %shift_right_arithmetic3A_503 : i32 to vector<16xi32>
        %shift_right_arithmetic3A_505 = arith.shrsi %gather3A, %shift_right_arithmetic3A_504 : vector<16xi32>
        %ne3A_506 = arith.cmpi ne, %shift_right_arithmetic3A_496, %shift_right_arithmetic3A_505 : vector<16xi32>
        %and3A_507 = arith.andi %lt3A_502, %ne3A_506 : vector<16xi1>
        %lt3A_508 = arith.constant 8960 : i32
        %lt3A_509 = vector.broadcast %lt3A_508 : i32 to vector<16xi32>
        %lt3A_510 = arith.cmpi slt, %shift_right_arithmetic3A_499, %lt3A_509 : vector<16xi32>
        %shift_right_arithmetic3A_511 = arith.constant 16 : i32
        %shift_right_arithmetic3A_512 = vector.broadcast %shift_right_arithmetic3A_511 : i32 to vector<16xi32>
        %shift_right_arithmetic3A_513 = arith.shrsi %gather3A_493, %shift_right_arithmetic3A_512 : vector<16xi32>
        %ne3A_514 = arith.cmpi ne, %shift_right_arithmetic3A_499, %shift_right_arithmetic3A_513 : vector<16xi32>
        %and3A_515 = arith.andi %lt3A_510, %ne3A_514 : vector<16xi1>
        tpu.vector_store_idx %arg8[%shift_right_arithmetic3A_496], %masked_sort3A_470 masked %and3A_507 : memref<8960xi32, #tpu.memory_space<vmem>>[vector<16xi32>], vector<16xi32>, vector<16xi1>
        tpu.vector_store_idx %arg8[%shift_right_arithmetic3A_499], %masked_sort3A_481 masked %and3A_515 : memref<8960xi32, #tpu.memory_space<vmem>>[vector<16xi32>], vector<16xi32>, vector<16xi1>
        %scan3A_516 = arith.constant 0 : i32
        scf.yield %scan3A_516 : i32
      }
      %scan3A_357 = arith.constant 16 : i32
      %scan3A_358 = arith.constant 0 : i32
      scf.yield %scan3A_358 : i32
    }
    %scan3A_87 = arith.constant 39 : i32
    %dma_start3A_88 = arith.constant 0 : i32
    %dma_start3A_89 = tpu.memref_slice %arg9[%dma_start3A_88] : memref<512xi32, #tpu.memory_space<vmem>> -> memref<64xi32, #tpu.memory_space<vmem>>
    %dma_start3A_90 = arith.constant 39936 : i32
    %dma_start3A_91 = tpu.memref_slice %arg3[%dma_start3A_90] : memref<40000xi32, #tpu.memory_space<hbm>> -> memref<64xi32, #tpu.memory_space<hbm>>
    %dma_start3A_92 = arith.constant 0 : i32
    %dma_start3A_93 = tpu.memref_slice %arg9[%dma_start3A_92] : memref<512xi32, #tpu.memory_space<vmem>> -> memref<64xi32, #tpu.memory_space<vmem>>
    %dma_start3A_94 = arith.constant 39936 : i32
    %dma_start3A_95 = tpu.memref_slice %arg3[%dma_start3A_94] : memref<40000xi32, #tpu.memory_space<hbm>> -> memref<64xi32, #tpu.memory_space<hbm>>
    tpu.enqueue_dma source(%dma_start3A_95 : memref<64xi32, #tpu.memory_space<hbm>>) target(%dma_start3A_93 : memref<64xi32, #tpu.memory_space<vmem>>) target_semaphore(%arg27 : memref<!tpu.dma_semaphore, #tpu.memory_space<semaphore_mem>>)
    %dma_start3A_96 = arith.constant 0 : i32
    %dma_start3A_97 = tpu.memref_slice %arg10[%dma_start3A_96] : memref<512xi32, #tpu.memory_space<vmem>> -> memref<64xi32, #tpu.memory_space<vmem>>
    %dma_start3A_98 = arith.constant 39936 : i32
    %dma_start3A_99 = tpu.memref_slice %arg4[%dma_start3A_98] : memref<40000xi32, #tpu.memory_space<hbm>> -> memref<64xi32, #tpu.memory_space<hbm>>
    %dma_start3A_100 = arith.constant 0 : i32
    %dma_start3A_101 = tpu.memref_slice %arg10[%dma_start3A_100] : memref<512xi32, #tpu.memory_space<vmem>> -> memref<64xi32, #tpu.memory_space<vmem>>
    %dma_start3A_102 = arith.constant 39936 : i32
    %dma_start3A_103 = tpu.memref_slice %arg4[%dma_start3A_102] : memref<40000xi32, #tpu.memory_space<hbm>> -> memref<64xi32, #tpu.memory_space<hbm>>
    tpu.enqueue_dma source(%dma_start3A_103 : memref<64xi32, #tpu.memory_space<hbm>>) target(%dma_start3A_101 : memref<64xi32, #tpu.memory_space<vmem>>) target_semaphore(%arg27 : memref<!tpu.dma_semaphore, #tpu.memory_space<semaphore_mem>>)
    %dma_start3A_104 = arith.constant 0 : i32
    %dma_start3A_105 = tpu.memref_slice %arg11[%dma_start3A_104] : memref<512xi32, #tpu.memory_space<vmem>> -> memref<64xi32, #tpu.memory_space<vmem>>
    %dma_start3A_106 = arith.constant 39936 : i32
    %dma_start3A_107 = tpu.memref_slice %arg5[%dma_start3A_106] : memref<40000xi32, #tpu.memory_space<hbm>> -> memref<64xi32, #tpu.memory_space<hbm>>
    %dma_start3A_108 = arith.constant 0 : i32
    %dma_start3A_109 = tpu.memref_slice %arg11[%dma_start3A_108] : memref<512xi32, #tpu.memory_space<vmem>> -> memref<64xi32, #tpu.memory_space<vmem>>
    %dma_start3A_110 = arith.constant 39936 : i32
    %dma_start3A_111 = tpu.memref_slice %arg5[%dma_start3A_110] : memref<40000xi32, #tpu.memory_space<hbm>> -> memref<64xi32, #tpu.memory_space<hbm>>
    tpu.enqueue_dma source(%dma_start3A_111 : memref<64xi32, #tpu.memory_space<hbm>>) target(%dma_start3A_109 : memref<64xi32, #tpu.memory_space<vmem>>) target_semaphore(%arg27 : memref<!tpu.dma_semaphore, #tpu.memory_space<semaphore_mem>>)
    %dma_start3A_112 = arith.constant 0 : i32
    %dma_start3A_113 = tpu.memref_slice %arg12[%dma_start3A_112] : memref<512xi32, #tpu.memory_space<vmem>> -> memref<64xi32, #tpu.memory_space<vmem>>
    %dma_start3A_114 = arith.constant 39936 : i32
    %dma_start3A_115 = tpu.memref_slice %arg6[%dma_start3A_114] : memref<40000xi32, #tpu.memory_space<hbm>> -> memref<64xi32, #tpu.memory_space<hbm>>
    %dma_start3A_116 = arith.constant 0 : i32
    %dma_start3A_117 = tpu.memref_slice %arg12[%dma_start3A_116] : memref<512xi32, #tpu.memory_space<vmem>> -> memref<64xi32, #tpu.memory_space<vmem>>
    %dma_start3A_118 = arith.constant 39936 : i32
    %dma_start3A_119 = tpu.memref_slice %arg6[%dma_start3A_118] : memref<40000xi32, #tpu.memory_space<hbm>> -> memref<64xi32, #tpu.memory_space<hbm>>
    tpu.enqueue_dma source(%dma_start3A_119 : memref<64xi32, #tpu.memory_space<hbm>>) target(%dma_start3A_117 : memref<64xi32, #tpu.memory_space<vmem>>) target_semaphore(%arg27 : memref<!tpu.dma_semaphore, #tpu.memory_space<semaphore_mem>>)
    %dma_wait3A = arith.constant 0 : i32
    %dma_wait3A_120 = tpu.memref_slice %arg9[%dma_wait3A] : memref<512xi32, #tpu.memory_space<vmem>> -> memref<64xi32, #tpu.memory_space<vmem>>
    %dma_wait3A_121 = arith.constant 0 : i32
    %dma_wait3A_122 = tpu.memref_slice %arg3[%dma_wait3A_121] : memref<40000xi32, #tpu.memory_space<hbm>> -> memref<64xi32, #tpu.memory_space<hbm>>
    %dma_wait3A_123 = arith.constant 0 : i32
    %dma_wait3A_124 = tpu.memref_slice %arg9[%dma_wait3A_123] : memref<512xi32, #tpu.memory_space<vmem>> -> memref<64xi32, #tpu.memory_space<vmem>>
    %dma_wait3A_125 = arith.constant 0 : i32
    %dma_wait3A_126 = tpu.memref_slice %arg3[%dma_wait3A_125] : memref<40000xi32, #tpu.memory_space<hbm>> -> memref<64xi32, #tpu.memory_space<hbm>>
    tpu.wait_dma2 semaphore(%arg27 : memref<!tpu.dma_semaphore, #tpu.memory_space<semaphore_mem>>) src(%dma_wait3A_126 : memref<64xi32, #tpu.memory_space<hbm>>) dst(%dma_wait3A_124 : memref<64xi32, #tpu.memory_space<vmem>>)
    %dma_wait3A_127 = arith.constant 0 : i32
    %dma_wait3A_128 = tpu.memref_slice %arg10[%dma_wait3A_127] : memref<512xi32, #tpu.memory_space<vmem>> -> memref<64xi32, #tpu.memory_space<vmem>>
    %dma_wait3A_129 = arith.constant 0 : i32
    %dma_wait3A_130 = tpu.memref_slice %arg4[%dma_wait3A_129] : memref<40000xi32, #tpu.memory_space<hbm>> -> memref<64xi32, #tpu.memory_space<hbm>>
    %dma_wait3A_131 = arith.constant 0 : i32
    %dma_wait3A_132 = tpu.memref_slice %arg10[%dma_wait3A_131] : memref<512xi32, #tpu.memory_space<vmem>> -> memref<64xi32, #tpu.memory_space<vmem>>
    %dma_wait3A_133 = arith.constant 0 : i32
    %dma_wait3A_134 = tpu.memref_slice %arg4[%dma_wait3A_133] : memref<40000xi32, #tpu.memory_space<hbm>> -> memref<64xi32, #tpu.memory_space<hbm>>
    tpu.wait_dma2 semaphore(%arg27 : memref<!tpu.dma_semaphore, #tpu.memory_space<semaphore_mem>>) src(%dma_wait3A_134 : memref<64xi32, #tpu.memory_space<hbm>>) dst(%dma_wait3A_132 : memref<64xi32, #tpu.memory_space<vmem>>)
    %dma_wait3A_135 = arith.constant 0 : i32
    %dma_wait3A_136 = tpu.memref_slice %arg11[%dma_wait3A_135] : memref<512xi32, #tpu.memory_space<vmem>> -> memref<64xi32, #tpu.memory_space<vmem>>
    %dma_wait3A_137 = arith.constant 0 : i32
    %dma_wait3A_138 = tpu.memref_slice %arg5[%dma_wait3A_137] : memref<40000xi32, #tpu.memory_space<hbm>> -> memref<64xi32, #tpu.memory_space<hbm>>
    %dma_wait3A_139 = arith.constant 0 : i32
    %dma_wait3A_140 = tpu.memref_slice %arg11[%dma_wait3A_139] : memref<512xi32, #tpu.memory_space<vmem>> -> memref<64xi32, #tpu.memory_space<vmem>>
    %dma_wait3A_141 = arith.constant 0 : i32
    %dma_wait3A_142 = tpu.memref_slice %arg5[%dma_wait3A_141] : memref<40000xi32, #tpu.memory_space<hbm>> -> memref<64xi32, #tpu.memory_space<hbm>>
    tpu.wait_dma2 semaphore(%arg27 : memref<!tpu.dma_semaphore, #tpu.memory_space<semaphore_mem>>) src(%dma_wait3A_142 : memref<64xi32, #tpu.memory_space<hbm>>) dst(%dma_wait3A_140 : memref<64xi32, #tpu.memory_space<vmem>>)
    %dma_wait3A_143 = arith.constant 0 : i32
    %dma_wait3A_144 = tpu.memref_slice %arg12[%dma_wait3A_143] : memref<512xi32, #tpu.memory_space<vmem>> -> memref<64xi32, #tpu.memory_space<vmem>>
    %dma_wait3A_145 = arith.constant 0 : i32
    %dma_wait3A_146 = tpu.memref_slice %arg6[%dma_wait3A_145] : memref<40000xi32, #tpu.memory_space<hbm>> -> memref<64xi32, #tpu.memory_space<hbm>>
    %dma_wait3A_147 = arith.constant 0 : i32
    %dma_wait3A_148 = tpu.memref_slice %arg12[%dma_wait3A_147] : memref<512xi32, #tpu.memory_space<vmem>> -> memref<64xi32, #tpu.memory_space<vmem>>
    %dma_wait3A_149 = arith.constant 0 : i32
    %dma_wait3A_150 = tpu.memref_slice %arg6[%dma_wait3A_149] : memref<40000xi32, #tpu.memory_space<hbm>> -> memref<64xi32, #tpu.memory_space<hbm>>
    tpu.wait_dma2 semaphore(%arg27 : memref<!tpu.dma_semaphore, #tpu.memory_space<semaphore_mem>>) src(%dma_wait3A_150 : memref<64xi32, #tpu.memory_space<hbm>>) dst(%dma_wait3A_148 : memref<64xi32, #tpu.memory_space<vmem>>)
    %scan3A_151 = arith.constant 0 : i32
    %scan3A_152 = arith.constant 0 : i32
    %scan3A_153 = arith.constant 2 : i32
    %scan3A_154 = arith.addi %scan3A_152, %scan3A_153 : i32
    %scan3A_155 = arith.constant 1 : i32
    %scan3A_156 = scf.for %scan3A_240 = %scan3A_152 to %scan3A_154 step %scan3A_155 iter_args(%scan3A_241 = %scan3A_151) -> (i32)  : i32 {
      %mul3A_242 = arith.constant 32 : i32
      %mul3A_243 = arith.muli %scan3A_240, %mul3A_242 : i32
      %add3A_244 = arith.constant 39936 : i32
      %add3A_245 = arith.addi %add3A_244, %mul3A_243 : i32
      %add3A_246 = vector.broadcast %add3A_245 : i32 to vector<16xi32>
      %add3A_247 = arith.addi %add3A_246, %iota3A : vector<16xi32>
      %add3A_248 = arith.constant 16 : i32
      %add3A_249 = vector.broadcast %add3A_248 : i32 to vector<16xi32>
      %add3A_250 = arith.addi %add3A_247, %add3A_249 : vector<16xi32>
      %mul3A_251 = arith.constant 32 : i32
      %mul3A_252 = arith.muli %scan3A_240, %mul3A_251 : i32
      %add3A_253 = arith.constant 0 : i32
      %add3A_254 = arith.addi %mul3A_252, %add3A_253 : i32
      %get3A = arith.index_cast %add3A_254 : i32 to index
      %get3A_255 = tpu.vector_load %arg9[%get3A] {strides = array<i32>} : memref<512xi32, #tpu.memory_space<vmem>>, vector<16xi32>,
      %get3A_256 = arith.index_cast %add3A_254 : i32 to index
      %get3A_257 = tpu.vector_load %arg10[%get3A_256] {strides = array<i32>} : memref<512xi32, #tpu.memory_space<vmem>>, vector<16xi32>,
      %get3A_258 = arith.index_cast %add3A_254 : i32 to index
      %get3A_259 = tpu.vector_load %arg11[%get3A_258] {strides = array<i32>} : memref<512xi32, #tpu.memory_space<vmem>>, vector<16xi32>,
      %get3A_260 = arith.index_cast %add3A_254 : i32 to index
      %get3A_261 = tpu.vector_load %arg12[%get3A_260] {strides = array<i32>} : memref<512xi32, #tpu.memory_space<vmem>>, vector<16xi32>,
      %mul3A_262 = arith.constant 2 : i32
      %mul3A_263 = vector.broadcast %mul3A_262 : i32 to vector<16xi32>
      %mul3A_264 = arith.muli %get3A_255, %mul3A_263 : vector<16xi32>
      %add3A_265 = arith.addi %mul3A_264, %get3A_257 : vector<16xi32>
      %mul3A_266 = arith.constant 200 : i32
      %mul3A_267 = vector.broadcast %mul3A_266 : i32 to vector<16xi32>
      %mul3A_268 = arith.muli %add3A_265, %mul3A_267 : vector<16xi32>
      %add3A_269 = arith.addi %mul3A_268, %get3A_259 : vector<16xi32>
      %mul3A_270 = arith.constant 176 : i32
      %mul3A_271 = vector.broadcast %mul3A_270 : i32 to vector<16xi32>
      %mul3A_272 = arith.muli %add3A_269, %mul3A_271 : vector<16xi32>
      %add3A_273 = arith.addi %mul3A_272, %get3A_261 : vector<16xi32>
      %shift_right_arithmetic3A = arith.constant 8 : i32
      %shift_right_arithmetic3A_274 = vector.broadcast %shift_right_arithmetic3A : i32 to vector<16xi32>
      %shift_right_arithmetic3A_275 = arith.shrsi %add3A_273, %shift_right_arithmetic3A_274 : vector<16xi32>
      %and3A_276 = arith.constant 31 : i32
      %and3A_277 = vector.broadcast %and3A_276 : i32 to vector<16xi32>
      %and3A_278 = arith.andi %shift_right_arithmetic3A_275, %and3A_277 : vector<16xi32>
      %eq3A = vector.broadcast %add3A : i32 to vector<16xi32>
      %eq3A_279 = arith.cmpi eq, %and3A_278, %eq3A : vector<16xi32>
      %shift_right_arithmetic3A_280 = arith.constant 5 : i32
      %shift_right_arithmetic3A_281 = vector.broadcast %shift_right_arithmetic3A_280 : i32 to vector<16xi32>
      %shift_right_arithmetic3A_282 = arith.shrsi %shift_right_arithmetic3A_275, %shift_right_arithmetic3A_281 : vector<16xi32>
      %shift_left3A = arith.constant 8 : i32
      %shift_left3A_283 = vector.broadcast %shift_left3A : i32 to vector<16xi32>
      %shift_left3A_284 = arith.shli %shift_right_arithmetic3A_282, %shift_left3A_283 : vector<16xi32>
      %and3A_285 = arith.constant 255 : i32
      %and3A_286 = vector.broadcast %and3A_285 : i32 to vector<16xi32>
      %and3A_287 = arith.andi %add3A_273, %and3A_286 : vector<16xi32>
      %or3A = arith.ori %shift_left3A_284, %and3A_287 : vector<16xi32>
      %shift_left3A_288 = arith.constant 16 : i32
      %shift_left3A_289 = vector.broadcast %shift_left3A_288 : i32 to vector<16xi32>
      %shift_left3A_290 = arith.shli %or3A, %shift_left3A_289 : vector<16xi32>
      %or3A_291 = arith.ori %shift_left3A_290, %add3A_247 : vector<16xi32>
      %jit3A_292 = arith.constant 2147483647 : i32
      %broadcast_in_dim3A_293 = vector.broadcast %jit3A_292 : i32 to vector<16xi32>
      %select_n3A_294 = arith.select %eq3A_279, %or3A_291, %broadcast_in_dim3A_293 : vector<16xi1>, vector<16xi32>
      %mul3A_295 = arith.constant 32 : i32
      %mul3A_296 = arith.muli %scan3A_240, %mul3A_295 : i32
      %add3A_297 = arith.constant 16 : i32
      %add3A_298 = arith.addi %mul3A_296, %add3A_297 : i32
      %get3A_299 = arith.index_cast %add3A_298 : i32 to index
      %get3A_300 = tpu.vector_load %arg9[%get3A_299] {strides = array<i32>} : memref<512xi32, #tpu.memory_space<vmem>>, vector<16xi32>,
      %get3A_301 = arith.index_cast %add3A_298 : i32 to index
      %get3A_302 = tpu.vector_load %arg10[%get3A_301] {strides = array<i32>} : memref<512xi32, #tpu.memory_space<vmem>>, vector<16xi32>,
      %get3A_303 = arith.index_cast %add3A_298 : i32 to index
      %get3A_304 = tpu.vector_load %arg11[%get3A_303] {strides = array<i32>} : memref<512xi32, #tpu.memory_space<vmem>>, vector<16xi32>,
      %get3A_305 = arith.index_cast %add3A_298 : i32 to index
      %get3A_306 = tpu.vector_load %arg12[%get3A_305] {strides = array<i32>} : memref<512xi32, #tpu.memory_space<vmem>>, vector<16xi32>,
      %mul3A_307 = arith.constant 2 : i32
      %mul3A_308 = vector.broadcast %mul3A_307 : i32 to vector<16xi32>
      %mul3A_309 = arith.muli %get3A_300, %mul3A_308 : vector<16xi32>
      %add3A_310 = arith.addi %mul3A_309, %get3A_302 : vector<16xi32>
      %mul3A_311 = arith.constant 200 : i32
      %mul3A_312 = vector.broadcast %mul3A_311 : i32 to vector<16xi32>
      %mul3A_313 = arith.muli %add3A_310, %mul3A_312 : vector<16xi32>
      %add3A_314 = arith.addi %mul3A_313, %get3A_304 : vector<16xi32>
      %mul3A_315 = arith.constant 176 : i32
      %mul3A_316 = vector.broadcast %mul3A_315 : i32 to vector<16xi32>
      %mul3A_317 = arith.muli %add3A_314, %mul3A_316 : vector<16xi32>
      %add3A_318 = arith.addi %mul3A_317, %get3A_306 : vector<16xi32>
      %shift_right_arithmetic3A_319 = arith.constant 8 : i32
      %shift_right_arithmetic3A_320 = vector.broadcast %shift_right_arithmetic3A_319 : i32 to vector<16xi32>
      %shift_right_arithmetic3A_321 = arith.shrsi %add3A_318, %shift_right_arithmetic3A_320 : vector<16xi32>
      %and3A_322 = arith.constant 31 : i32
      %and3A_323 = vector.broadcast %and3A_322 : i32 to vector<16xi32>
      %and3A_324 = arith.andi %shift_right_arithmetic3A_321, %and3A_323 : vector<16xi32>
      %eq3A_325 = vector.broadcast %add3A : i32 to vector<16xi32>
      %eq3A_326 = arith.cmpi eq, %and3A_324, %eq3A_325 : vector<16xi32>
      %shift_right_arithmetic3A_327 = arith.constant 5 : i32
      %shift_right_arithmetic3A_328 = vector.broadcast %shift_right_arithmetic3A_327 : i32 to vector<16xi32>
      %shift_right_arithmetic3A_329 = arith.shrsi %shift_right_arithmetic3A_321, %shift_right_arithmetic3A_328 : vector<16xi32>
      %shift_left3A_330 = arith.constant 8 : i32
      %shift_left3A_331 = vector.broadcast %shift_left3A_330 : i32 to vector<16xi32>
      %shift_left3A_332 = arith.shli %shift_right_arithmetic3A_329, %shift_left3A_331 : vector<16xi32>
      %and3A_333 = arith.constant 255 : i32
      %and3A_334 = vector.broadcast %and3A_333 : i32 to vector<16xi32>
      %and3A_335 = arith.andi %add3A_318, %and3A_334 : vector<16xi32>
      %or3A_336 = arith.ori %shift_left3A_332, %and3A_335 : vector<16xi32>
      %shift_left3A_337 = arith.constant 16 : i32
      %shift_left3A_338 = vector.broadcast %shift_left3A_337 : i32 to vector<16xi32>
      %shift_left3A_339 = arith.shli %or3A_336, %shift_left3A_338 : vector<16xi32>
      %or3A_340 = arith.ori %shift_left3A_339, %add3A_250 : vector<16xi32>
      %jit3A_341 = arith.constant 2147483647 : i32
      %broadcast_in_dim3A_342 = vector.broadcast %jit3A_341 : i32 to vector<16xi32>
      %select_n3A_343 = arith.select %eq3A_326, %or3A_340, %broadcast_in_dim3A_342 : vector<16xi1>, vector<16xi32>
      %add3A_344 = arith.constant 1 : i32
      %add3A_345 = vector.broadcast %add3A_344 : i32 to vector<16xi32>
      %add3A_346 = arith.addi %add3A_247, %add3A_345 : vector<16xi32>
      %masked_sort3A = arith.constant dense<true> : vector<16xi1>
      %masked_sort3A_347 = arith.constant -2147483648 : i32
      %masked_sort3A_348 = vector.broadcast %masked_sort3A_347 : i32 to vector<16xi32>
      %masked_sort3A_349 = arith.xori %select_n3A_294, %masked_sort3A_348 : vector<16xi32>
      %masked_sort3A_350, %masked_sort3A_351, %masked_sort3A_352 = tpu.sort %masked_sort3A_349, %add3A_346 masked %masked_sort3A : (vector<16xi32>, vector<16xi32>, vector<16xi1>) -> (vector<16xi1>, vector<16xi32>, vector<16xi32>)
      %masked_sort3A_353 = arith.xori %masked_sort3A_351, %masked_sort3A_348 : vector<16xi32>
      %add3A_354 = arith.constant 1 : i32
      %add3A_355 = vector.broadcast %add3A_354 : i32 to vector<16xi32>
      %add3A_356 = arith.addi %add3A_250, %add3A_355 : vector<16xi32>
      %masked_sort3A_357 = arith.constant dense<true> : vector<16xi1>
      %masked_sort3A_358 = arith.constant -2147483648 : i32
      %masked_sort3A_359 = vector.broadcast %masked_sort3A_358 : i32 to vector<16xi32>
      %masked_sort3A_360 = arith.xori %select_n3A_343, %masked_sort3A_359 : vector<16xi32>
      %masked_sort3A_361, %masked_sort3A_362, %masked_sort3A_363 = tpu.sort %masked_sort3A_360, %add3A_356 masked %masked_sort3A_357 : (vector<16xi32>, vector<16xi32>, vector<16xi1>) -> (vector<16xi1>, vector<16xi32>, vector<16xi32>)
      %masked_sort3A_364 = arith.xori %masked_sort3A_362, %masked_sort3A_359 : vector<16xi32>
      %swap3A_365 = arith.constant 0 : index
      %swap3A_366 = tpu.vector_load %arg17[%swap3A_365] {strides = array<i32>} : memref<64xi32, #tpu.memory_space<vmem>>, vector<16xi32>,
      tpu.vector_store %arg17[%swap3A_365], %masked_sort3A_353 {strides = array<i32>} : memref<64xi32, #tpu.memory_space<vmem>>, vector<16xi32>,
      %swap3A_367 = arith.constant 32 : index
      %swap3A_368 = tpu.vector_load %arg17[%swap3A_367] {strides = array<i32>} : memref<64xi32, #tpu.memory_space<vmem>>, vector<16xi32>,
      tpu.vector_store %arg17[%swap3A_367], %masked_sort3A_364 {strides = array<i32>} : memref<64xi32, #tpu.memory_space<vmem>>, vector<16xi32>,
      %add3A_369 = arith.constant 1 : i32
      %add3A_370 = vector.broadcast %add3A_369 : i32 to vector<16xi32>
      %add3A_371 = arith.addi %iota3A, %add3A_370 : vector<16xi32>
      %gather3A = tpu.vector_load_idx %arg17[%add3A_371] : memref<64xi32, #tpu.memory_space<vmem>>[vector<16xi32>], vector<16xi32>,
      %add3A_372 = arith.constant 33 : i32
      %add3A_373 = vector.broadcast %add3A_372 : i32 to vector<16xi32>
      %add3A_374 = arith.addi %iota3A, %add3A_373 : vector<16xi32>
      %gather3A_375 = tpu.vector_load_idx %arg17[%add3A_374] : memref<64xi32, #tpu.memory_space<vmem>>[vector<16xi32>], vector<16xi32>,
      %shift_right_arithmetic3A_376 = arith.constant 16 : i32
      %shift_right_arithmetic3A_377 = vector.broadcast %shift_right_arithmetic3A_376 : i32 to vector<16xi32>
      %shift_right_arithmetic3A_378 = arith.shrsi %masked_sort3A_353, %shift_right_arithmetic3A_377 : vector<16xi32>
      %shift_right_arithmetic3A_379 = arith.constant 16 : i32
      %shift_right_arithmetic3A_380 = vector.broadcast %shift_right_arithmetic3A_379 : i32 to vector<16xi32>
      %shift_right_arithmetic3A_381 = arith.shrsi %masked_sort3A_364, %shift_right_arithmetic3A_380 : vector<16xi32>
      %lt3A_382 = arith.constant 8960 : i32
      %lt3A_383 = vector.broadcast %lt3A_382 : i32 to vector<16xi32>
      %lt3A_384 = arith.cmpi slt, %shift_right_arithmetic3A_378, %lt3A_383 : vector<16xi32>
      %shift_right_arithmetic3A_385 = arith.constant 16 : i32
      %shift_right_arithmetic3A_386 = vector.broadcast %shift_right_arithmetic3A_385 : i32 to vector<16xi32>
      %shift_right_arithmetic3A_387 = arith.shrsi %gather3A, %shift_right_arithmetic3A_386 : vector<16xi32>
      %ne3A_388 = arith.cmpi ne, %shift_right_arithmetic3A_378, %shift_right_arithmetic3A_387 : vector<16xi32>
      %and3A_389 = arith.andi %lt3A_384, %ne3A_388 : vector<16xi1>
      %lt3A_390 = arith.constant 8960 : i32
      %lt3A_391 = vector.broadcast %lt3A_390 : i32 to vector<16xi32>
      %lt3A_392 = arith.cmpi slt, %shift_right_arithmetic3A_381, %lt3A_391 : vector<16xi32>
      %shift_right_arithmetic3A_393 = arith.constant 16 : i32
      %shift_right_arithmetic3A_394 = vector.broadcast %shift_right_arithmetic3A_393 : i32 to vector<16xi32>
      %shift_right_arithmetic3A_395 = arith.shrsi %gather3A_375, %shift_right_arithmetic3A_394 : vector<16xi32>
      %ne3A_396 = arith.cmpi ne, %shift_right_arithmetic3A_381, %shift_right_arithmetic3A_395 : vector<16xi32>
      %and3A_397 = arith.andi %lt3A_392, %ne3A_396 : vector<16xi1>
      tpu.vector_store_idx %arg8[%shift_right_arithmetic3A_378], %masked_sort3A_352 masked %and3A_389 : memref<8960xi32, #tpu.memory_space<vmem>>[vector<16xi32>], vector<16xi32>, vector<16xi1>
      tpu.vector_store_idx %arg8[%shift_right_arithmetic3A_381], %masked_sort3A_363 masked %and3A_397 : memref<8960xi32, #tpu.memory_space<vmem>>[vector<16xi32>], vector<16xi32>, vector<16xi1>
      %scan3A_398 = arith.constant 0 : i32
      scf.yield %scan3A_398 : i32
    }
    %scan3A_157 = arith.constant 2 : i32
    %swap3A_158 = arith.constant 0 : i32
    %swap3A_159 = arith.constant 0 : i32
    "tpu.trace_stop"() : () -> ()
    "tpu.trace_start"() <{level = 10 : i32, message = "p2a_compact"}> : () -> ()
    %swap3A_160 = arith.index_cast %swap3A_159 : i32 to index
    %swap3A_161 = memref.load %arg23[%swap3A_160] : memref<37xi32, #tpu.memory_space<smem>>
    memref.store %swap3A_158, %arg23[%swap3A_160] : memref<37xi32, #tpu.memory_space<smem>>
    %while3A = arith.constant 0 : i32
    %while3A_162 = arith.constant 0 : i32
    %while3A_163 = arith.subi %select_n3A, %while3A : i32
    %while3A_164 = arith.addi %while3A, %while3A_163 : i32
    %while3A_165 = arith.constant 1 : i32
    %while3A_166 = arith.divsi %while3A_163, %while3A_165 : i32
    %while3A_167 = arith.muli %while3A_166, %while3A_165 : i32
    %while3A_168 = arith.addi %while3A, %while3A_167 : i32
    %while3A_169 = arith.constant 1 : i32
    %while3A_170 = scf.for %while3A_240 = %while3A to %while3A_168 step %while3A_169 iter_args(%while3A_241 = %while3A_162) -> (i32)  : i32 {
      %scan3A_242 = arith.constant 0 : i32
      %scan3A_243 = arith.constant 16 : i32
      %scan3A_244 = arith.addi %scan3A_242, %scan3A_243 : i32
      %scan3A_245 = arith.constant 1 : i32
      %scan3A_246 = scf.for %scan3A_252 = %scan3A_242 to %scan3A_244 step %scan3A_245 iter_args(%scan3A_253 = %while3A_241) -> (i32)  : i32 {
        %mul3A_254 = arith.constant 256 : i32
        %mul3A_255 = arith.muli %while3A_240, %mul3A_254 : i32
        %mul3A_256 = arith.constant 16 : i32
        %mul3A_257 = arith.muli %scan3A_252, %mul3A_256 : i32
        %add3A_258 = arith.addi %mul3A_255, %mul3A_257 : i32
        %get3A = arith.index_cast %add3A_258 : i32 to index
        %get3A_259 = tpu.vector_load %arg8[%get3A] {strides = array<i32>} : memref<8960xi32, #tpu.memory_space<vmem>>, vector<16xi32>,
        %gt3A = arith.constant 0 : i32
        %gt3A_260 = vector.broadcast %gt3A : i32 to vector<16xi32>
        %gt3A_261 = arith.cmpi sgt, %get3A_259, %gt3A_260 : vector<16xi32>
        %mul3A_262 = arith.constant 16 : i32
        %mul3A_263 = arith.muli %scan3A_252, %mul3A_262 : i32
        %add3A_264 = vector.broadcast %mul3A_263 : i32 to vector<16xi32>
        %add3A_265 = arith.addi %add3A_264, %iota3A : vector<16xi32>
        %swap3A_266 = arith.index_cast %scan3A_253 : i32 to index
        %swap3A_267 = tpu.vector_load %arg18[%swap3A_266] masked %gt3A_261 {strides = array<i32>} : memref<9216xi32, #tpu.memory_space<vmem>>, vector<16xi32>, vector<16xi1>
        tpu.vector_store %arg18[%swap3A_266], %add3A_265 masked %gt3A_261 {strides = array<i32>} : memref<9216xi32, #tpu.memory_space<vmem>>, vector<16xi32>, vector<16xi1>
        %sub3A_268 = arith.constant 1 : i32
        %sub3A_269 = vector.broadcast %sub3A_268 : i32 to vector<16xi32>
        %sub3A_270 = arith.subi %get3A_259, %sub3A_269 : vector<16xi32>
        %swap3A_271 = arith.index_cast %scan3A_253 : i32 to index
        %swap3A_272 = tpu.vector_load %arg19[%swap3A_271] masked %gt3A_261 {strides = array<i32>} : memref<9216xi32, #tpu.memory_space<vmem>>, vector<16xi32>, vector<16xi1>
        tpu.vector_store %arg19[%swap3A_271], %sub3A_270 masked %gt3A_261 {strides = array<i32>} : memref<9216xi32, #tpu.memory_space<vmem>>, vector<16xi32>, vector<16xi1>
        %all_reduce_population_count3A = tpu.all_reduce %gt3A_261 {dim = 0 : i64, kind = #tpu.reduction_kind<sum>} : vector<16xi1> -> vector<16xi32>
        %reduce_max3A = arith.constant true
        %reduce_max3A_273 = vector.broadcast %reduce_max3A : i1 to vector<16xi1>
        %reduce_max3A_274 = arith.constant -2147483648 : i32
        %reduce_max3A_275 = vector.broadcast %reduce_max3A_274 : i32 to vector<16xi32>
        %reduce_max3A_276 = arith.xori %all_reduce_population_count3A, %reduce_max3A_275 : vector<16xi32>
        %reduce_max3A_277 = tpu.scan <max>, %reduce_max3A_276 masked %reduce_max3A_273 : vector<16xi32>, vector<16xi1> -> vector<16xi32>
        %reduce_max3A_278 = arith.xori %reduce_max3A_277, %reduce_max3A_275 : vector<16xi32>
        %reduce_max3A_279 = vector.extract %reduce_max3A_278[15] : i32 from vector<16xi32>
        %add3A_280 = arith.addi %scan3A_253, %reduce_max3A_279 : i32
        scf.yield %add3A_280 : i32
      }
      %scan3A_247 = arith.constant 16 : i32
      %add3A_248 = arith.constant 1 : i32
      %add3A_249 = arith.addi %while3A_240, %add3A_248 : i32
      %swap3A_250 = arith.index_cast %add3A_249 : i32 to index
      %swap3A_251 = memref.load %arg23[%swap3A_250] : memref<37xi32, #tpu.memory_space<smem>>
      memref.store %scan3A_246, %arg23[%swap3A_250] : memref<37xi32, #tpu.memory_space<smem>>
      scf.yield %scan3A_246 : i32
    }
    %while3A_171 = arith.constant 1 : i32
    %while3A_172 = scf.for %while3A_240 = %while3A_168 to %while3A_164 step %while3A_171 iter_args(%while3A_241 = %while3A_170) -> (i32)  : i32 {
      %scan3A_242 = arith.constant 0 : i32
      %scan3A_243 = arith.constant 16 : i32
      %scan3A_244 = arith.addi %scan3A_242, %scan3A_243 : i32
      %scan3A_245 = arith.constant 1 : i32
      %scan3A_246 = scf.for %scan3A_252 = %scan3A_242 to %scan3A_244 step %scan3A_245 iter_args(%scan3A_253 = %while3A_241) -> (i32)  : i32 {
        %mul3A_254 = arith.constant 256 : i32
        %mul3A_255 = arith.muli %while3A_240, %mul3A_254 : i32
        %mul3A_256 = arith.constant 16 : i32
        %mul3A_257 = arith.muli %scan3A_252, %mul3A_256 : i32
        %add3A_258 = arith.addi %mul3A_255, %mul3A_257 : i32
        %get3A = arith.index_cast %add3A_258 : i32 to index
        %get3A_259 = tpu.vector_load %arg8[%get3A] {strides = array<i32>} : memref<8960xi32, #tpu.memory_space<vmem>>, vector<16xi32>,
        %gt3A = arith.constant 0 : i32
        %gt3A_260 = vector.broadcast %gt3A : i32 to vector<16xi32>
        %gt3A_261 = arith.cmpi sgt, %get3A_259, %gt3A_260 : vector<16xi32>
        %mul3A_262 = arith.constant 16 : i32
        %mul3A_263 = arith.muli %scan3A_252, %mul3A_262 : i32
        %add3A_264 = vector.broadcast %mul3A_263 : i32 to vector<16xi32>
        %add3A_265 = arith.addi %add3A_264, %iota3A : vector<16xi32>
        %swap3A_266 = arith.index_cast %scan3A_253 : i32 to index
        %swap3A_267 = tpu.vector_load %arg18[%swap3A_266] masked %gt3A_261 {strides = array<i32>} : memref<9216xi32, #tpu.memory_space<vmem>>, vector<16xi32>, vector<16xi1>
        tpu.vector_store %arg18[%swap3A_266], %add3A_265 masked %gt3A_261 {strides = array<i32>} : memref<9216xi32, #tpu.memory_space<vmem>>, vector<16xi32>, vector<16xi1>
        %sub3A_268 = arith.constant 1 : i32
        %sub3A_269 = vector.broadcast %sub3A_268 : i32 to vector<16xi32>
        %sub3A_270 = arith.subi %get3A_259, %sub3A_269 : vector<16xi32>
        %swap3A_271 = arith.index_cast %scan3A_253 : i32 to index
        %swap3A_272 = tpu.vector_load %arg19[%swap3A_271] masked %gt3A_261 {strides = array<i32>} : memref<9216xi32, #tpu.memory_space<vmem>>, vector<16xi32>, vector<16xi1>
        tpu.vector_store %arg19[%swap3A_271], %sub3A_270 masked %gt3A_261 {strides = array<i32>} : memref<9216xi32, #tpu.memory_space<vmem>>, vector<16xi32>, vector<16xi1>
        %all_reduce_population_count3A = tpu.all_reduce %gt3A_261 {dim = 0 : i64, kind = #tpu.reduction_kind<sum>} : vector<16xi1> -> vector<16xi32>
        %reduce_max3A = arith.constant true
        %reduce_max3A_273 = vector.broadcast %reduce_max3A : i1 to vector<16xi1>
        %reduce_max3A_274 = arith.constant -2147483648 : i32
        %reduce_max3A_275 = vector.broadcast %reduce_max3A_274 : i32 to vector<16xi32>
        %reduce_max3A_276 = arith.xori %all_reduce_population_count3A, %reduce_max3A_275 : vector<16xi32>
        %reduce_max3A_277 = tpu.scan <max>, %reduce_max3A_276 masked %reduce_max3A_273 : vector<16xi32>, vector<16xi1> -> vector<16xi32>
        %reduce_max3A_278 = arith.xori %reduce_max3A_277, %reduce_max3A_275 : vector<16xi32>
        %reduce_max3A_279 = vector.extract %reduce_max3A_278[15] : i32 from vector<16xi32>
        %add3A_280 = arith.addi %scan3A_253, %reduce_max3A_279 : i32
        scf.yield %add3A_280 : i32
      }
      %scan3A_247 = arith.constant 16 : i32
      %add3A_248 = arith.constant 1 : i32
      %add3A_249 = arith.addi %while3A_240, %add3A_248 : i32
      %swap3A_250 = arith.index_cast %add3A_249 : i32 to index
      %swap3A_251 = memref.load %arg23[%swap3A_250] : memref<37xi32, #tpu.memory_space<smem>>
      memref.store %scan3A_246, %arg23[%swap3A_250] : memref<37xi32, #tpu.memory_space<smem>>
      scf.yield %scan3A_246 : i32
    }
    %while3A_173 = arith.constant 36 : i32
    %while3A_174 = arith.constant 0 : i32
    %while3A_175 = arith.subi %while3A_173, %select_n3A : i32
    %while3A_176 = arith.addi %select_n3A, %while3A_175 : i32
    %while3A_177 = arith.constant 1 : i32
    %while3A_178 = arith.divsi %while3A_175, %while3A_177 : i32
    %while3A_179 = arith.muli %while3A_178, %while3A_177 : i32
    %while3A_180 = arith.addi %select_n3A, %while3A_179 : i32
    %while3A_181 = arith.constant 1 : i32
    %while3A_182 = scf.for %while3A_240 = %select_n3A to %while3A_180 step %while3A_181 iter_args(%while3A_241 = %while3A_174) -> (i32)  : i32 {
      %add3A_242 = arith.constant 1 : i32
      %add3A_243 = arith.addi %while3A_240, %add3A_242 : i32
      %swap3A_244 = arith.index_cast %add3A_243 : i32 to index
      %swap3A_245 = memref.load %arg23[%swap3A_244] : memref<37xi32, #tpu.memory_space<smem>>
      memref.store %while3A_172, %arg23[%swap3A_244] : memref<37xi32, #tpu.memory_space<smem>>
      %while3A_246 = arith.constant 0 : i32
      scf.yield %while3A_246 : i32
    }
    %while3A_183 = arith.constant 1 : i32
    %while3A_184 = scf.for %while3A_240 = %while3A_180 to %while3A_176 step %while3A_183 iter_args(%while3A_241 = %while3A_182) -> (i32)  : i32 {
      %add3A_242 = arith.constant 1 : i32
      %add3A_243 = arith.addi %while3A_240, %add3A_242 : i32
      %swap3A_244 = arith.index_cast %add3A_243 : i32 to index
      %swap3A_245 = memref.load %arg23[%swap3A_244] : memref<37xi32, #tpu.memory_space<smem>>
      memref.store %while3A_172, %arg23[%swap3A_244] : memref<37xi32, #tpu.memory_space<smem>>
      %while3A_246 = arith.constant 0 : i32
      scf.yield %while3A_246 : i32
    }
    %scan3A_185 = arith.constant 0 : i32
    %scan3A_186 = arith.constant 0 : i32
    %scan3A_187 = arith.constant 16 : i32
    %scan3A_188 = arith.addi %scan3A_186, %scan3A_187 : i32
    %scan3A_189 = arith.constant 1 : i32
    %scan3A_190 = scf.for %scan3A_240 = %scan3A_186 to %scan3A_188 step %scan3A_189 iter_args(%scan3A_241 = %scan3A_185) -> (i32)  : i32 {
      %mul3A_242 = arith.constant 16 : i32
      %mul3A_243 = arith.muli %scan3A_240, %mul3A_242 : i32
      %add3A_244 = arith.addi %while3A_172, %mul3A_243 : i32
      %swap3A_245 = arith.index_cast %add3A_244 : i32 to index
      %swap3A_246 = tpu.vector_load %arg19[%swap3A_245] {strides = array<i32>} : memref<9216xi32, #tpu.memory_space<vmem>>, vector<16xi32>,
      tpu.vector_store %arg19[%swap3A_245], %broadcast_in_dim3A_5 {strides = array<i32>} : memref<9216xi32, #tpu.memory_space<vmem>>, vector<16xi32>,
      %scan3A_247 = arith.constant 0 : i32
      scf.yield %scan3A_247 : i32
    }
    %scan3A_191 = arith.constant 16 : i32
    %add3A_192 = arith.constant 32 : i32
    %add3A_193 = arith.addi %while3A_172, %add3A_192 : i32
    %sub3A = arith.constant 1 : i32
    %sub3A_194 = arith.subi %add3A_193, %sub3A : i32
    %jit3A_195 = arith.constant 32 : i32
    %div3A = arith.divsi %sub3A_194, %jit3A_195 : i32
    %sign3A = arith.constant 0 : i32
    %sign3A_196 = arith.cmpi sgt, %sub3A_194, %sign3A : i32
    %sign3A_197 = arith.extui %sign3A_196 : i1 to i32
    %sign3A_198 = arith.constant 0 : i32
    %sign3A_199 = arith.cmpi slt, %sub3A_194, %sign3A_198 : i32
    %sign3A_200 = arith.extui %sign3A_199 : i1 to i32
    %sign3A_201 = arith.subi %sign3A_197, %sign3A_200 : i32
    %sign3A_202 = arith.constant 0 : i32
    %sign3A_203 = arith.cmpi sgt, %jit3A_195, %sign3A_202 : i32
    %sign3A_204 = arith.extui %sign3A_203 : i1 to i32
    %sign3A_205 = arith.constant 0 : i32
    %sign3A_206 = arith.cmpi slt, %jit3A_195, %sign3A_205 : i32
    %sign3A_207 = arith.extui %sign3A_206 : i1 to i32
    %sign3A_208 = arith.subi %sign3A_204, %sign3A_207 : i32
    %ne3A = arith.cmpi ne, %sign3A_201, %sign3A_208 : i32
    %rem3A = arith.remsi %sub3A_194, %jit3A_195 : i32
    %ne3A_209 = arith.constant 0 : i32
    %ne3A_210 = arith.cmpi ne, %rem3A, %ne3A_209 : i32
    %and3A = arith.andi %ne3A, %ne3A_210 : i1
    %sub3A_211 = arith.constant 1 : i32
    %sub3A_212 = arith.subi %div3A, %sub3A_211 : i32
    %select_n3A_213 = arith.select %and3A, %sub3A_212, %div3A : i32
    "tpu.trace_stop"() : () -> ()
    "tpu.trace_start"() <{level = 10 : i32, message = "p2b_windows"}> : () -> ()
    %scan3A_214 = arith.constant 0 : i32
    %scan3A_215 = arith.constant 0 : i32
    %scan3A_216 = arith.constant 0 : i32
    %scan3A_217 = arith.constant 18 : i32
    %scan3A_218 = arith.addi %scan3A_216, %scan3A_217 : i32
    %scan3A_219 = arith.constant 1 : i32
    %scan3A_220:2 = scf.for %scan3A_240 = %scan3A_216 to %scan3A_218 step %scan3A_219 iter_args(%scan3A_241 = %scan3A_214, %scan3A_242 = %scan3A_215) -> (i32, i32)  : i32 {
      %mul3A_243 = arith.constant 2 : i32
      %mul3A_244 = arith.muli %mul3A_243, %scan3A_240 : i32
      %lt3A_245 = arith.cmpi slt, %mul3A_244, %select_n3A : i32
      %min3A = arith.constant 35 : i32
      %min3A_246 = arith.minsi %mul3A_244, %min3A : i32
      %get3A = arith.index_cast %min3A_246 : i32 to index
      %get3A_247 = memref.load %arg23[%get3A] : memref<37xi32, #tpu.memory_space<smem>>
      %min3A_248 = arith.constant 35 : i32
      %min3A_249 = arith.minsi %mul3A_244, %min3A_248 : i32
      %add3A_250 = arith.constant 1 : i32
      %add3A_251 = arith.addi %min3A_249, %add3A_250 : i32
      %get3A_252 = arith.index_cast %add3A_251 : i32 to index
      %get3A_253 = memref.load %arg23[%get3A_252] : memref<37xi32, #tpu.memory_space<smem>>
      %ge3A = arith.constant 2 : i32
      %ge3A_254 = arith.cmpi sge, %mul3A_244, %ge3A : i32
      %and3A_255 = arith.andi %ge3A_254, %lt3A_245 : i1
      %convert_element_type3A = arith.extui %and3A_255 : i1 to i32
      %cond3A = arith.constant 0 : i32
      %cond3A_256 = arith.cmpi ne, %convert_element_type3A, %cond3A : i32
      scf.if %cond3A_256 {
        %dma_wait3A_366 = arith.constant 0 : i32
        %dma_wait3A_367 = arith.constant 0 : i32
        %dma_wait3A_368 = arith.constant 0 : i32
        %dma_wait3A_369 = tpu.memref_slice %arg7[%dma_wait3A_366, %dma_wait3A_367, %dma_wait3A_368] : memref<4x128x70400xf32, #tpu.memory_space<hbm>> -> memref<1x128x256xf32, #tpu.memory_space<hbm>>
        %dma_wait3A_370 = tpu.memref_squeeze %dma_wait3A_369 : memref<1x128x256xf32, #tpu.memory_space<hbm>> -> memref<128x256xf32, #tpu.memory_space<hbm>>
        %dma_wait3A_371 = arith.constant 0 : i32
        %dma_wait3A_372 = arith.constant 0 : i32
        %dma_wait3A_373 = tpu.memref_slice %arg7[%dma_wait3A_366, %dma_wait3A_371, %dma_wait3A_372] : memref<4x128x70400xf32, #tpu.memory_space<hbm>> -> memref<1x128x256xf32, #tpu.memory_space<hbm>>
        %dma_wait3A_374 = tpu.memref_squeeze %dma_wait3A_373 : memref<1x128x256xf32, #tpu.memory_space<hbm>> -> memref<128x256xf32, #tpu.memory_space<hbm>>
        tpu.wait_dma2 semaphore(%arg25 : memref<!tpu.dma_semaphore, #tpu.memory_space<semaphore_mem>>) src(%arg21 : memref<128x256xf32, #tpu.memory_space<vmem>>) dst(%dma_wait3A_374 : memref<128x256xf32, #tpu.memory_space<hbm>>)
        %sub3A_375 = arith.constant 2 : i32
        %sub3A_376 = arith.subi %mul3A_244, %sub3A_375 : i32
        %get3A_377 = arith.index_cast %sub3A_376 : i32 to index
        %get3A_378 = memref.load %arg23[%get3A_377] : memref<37xi32, #tpu.memory_space<smem>>
        %sub3A_379 = arith.constant 1 : i32
        %sub3A_380 = arith.subi %mul3A_244, %sub3A_379 : i32
        %get3A_381 = arith.index_cast %sub3A_380 : i32 to index
        %get3A_382 = memref.load %arg23[%get3A_381] : memref<37xi32, #tpu.memory_space<smem>>
        %while3A_383 = arith.constant 0 : i32
        %while3A_384 = arith.subi %get3A_382, %get3A_378 : i32
        %while3A_385 = arith.addi %get3A_378, %while3A_384 : i32
        %while3A_386 = arith.constant 1 : i32
        %while3A_387 = arith.divsi %while3A_384, %while3A_386 : i32
        %while3A_388 = arith.muli %while3A_387, %while3A_386 : i32
        %while3A_389 = arith.addi %get3A_378, %while3A_388 : i32
        %while3A_390 = arith.constant 1 : i32
        %while3A_391 = scf.for %while3A_394 = %get3A_378 to %while3A_389 step %while3A_390 iter_args(%while3A_395 = %while3A_383) -> (i32)  : i32 {
          %get3A_396 = arith.index_cast %while3A_394 : i32 to index
          %get3A_397 = tpu.vector_load %arg18[%get3A_396] {strides = array<i32>} : memref<9216xi32, #tpu.memory_space<vmem>>, vector<16xi32>,
          %slice3A = vector.extract_strided_slice %get3A_397 {offsets = [0], sizes = [1], strides = [1]} : vector<16xi32> to vector<1xi32>
          %squeeze3A = vector.extract %slice3A[0] : i32 from vector<1xi32>
          %broadcast_in_dim3A_398 = vector.broadcast %squeeze3A : i32 to vector<16xi32>
          tpu.vector_store_idx %arg21[%add3A_8, %broadcast_in_dim3A_398], %broadcast_in_dim3A_3 : memref<128x256xf32, #tpu.memory_space<vmem>>[vector<16xi32>, vector<16xi32>], vector<16xf32>,
          tpu.vector_store_idx %arg21[%add3A_11, %broadcast_in_dim3A_398], %broadcast_in_dim3A_3 : memref<128x256xf32, #tpu.memory_space<vmem>>[vector<16xi32>, vector<16xi32>], vector<16xf32>,
          tpu.vector_store_idx %arg21[%add3A_14, %broadcast_in_dim3A_398], %broadcast_in_dim3A_3 : memref<128x256xf32, #tpu.memory_space<vmem>>[vector<16xi32>, vector<16xi32>], vector<16xf32>,
          tpu.vector_store_idx %arg21[%add3A_17, %broadcast_in_dim3A_398], %broadcast_in_dim3A_3 : memref<128x256xf32, #tpu.memory_space<vmem>>[vector<16xi32>, vector<16xi32>], vector<16xf32>,
          tpu.vector_store_idx %arg21[%add3A_20, %broadcast_in_dim3A_398], %broadcast_in_dim3A_3 : memref<128x256xf32, #tpu.memory_space<vmem>>[vector<16xi32>, vector<16xi32>], vector<16xf32>,
          tpu.vector_store_idx %arg21[%add3A_23, %broadcast_in_dim3A_398], %broadcast_in_dim3A_3 : memref<128x256xf32, #tpu.memory_space<vmem>>[vector<16xi32>, vector<16xi32>], vector<16xf32>,
          tpu.vector_store_idx %arg21[%add3A_26, %broadcast_in_dim3A_398], %broadcast_in_dim3A_3 : memref<128x256xf32, #tpu.memory_space<vmem>>[vector<16xi32>, vector<16xi32>], vector<16xf32>,
          tpu.vector_store_idx %arg21[%add3A_29, %broadcast_in_dim3A_398], %broadcast_in_dim3A_3 : memref<128x256xf32, #tpu.memory_space<vmem>>[vector<16xi32>, vector<16xi32>], vector<16xf32>,
          %while3A_399 = arith.constant 0 : i32
          scf.yield %while3A_399 : i32
        }
        %while3A_392 = arith.constant 1 : i32
        %while3A_393 = scf.for %while3A_394 = %while3A_389 to %while3A_385 step %while3A_392 iter_args(%while3A_395 = %while3A_391) -> (i32)  : i32 {
          %get3A_396 = arith.index_cast %while3A_394 : i32 to index
          %get3A_397 = tpu.vector_load %arg18[%get3A_396] {strides = array<i32>} : memref<9216xi32, #tpu.memory_space<vmem>>, vector<16xi32>,
          %slice3A = vector.extract_strided_slice %get3A_397 {offsets = [0], sizes = [1], strides = [1]} : vector<16xi32> to vector<1xi32>
          %squeeze3A = vector.extract %slice3A[0] : i32 from vector<1xi32>
          %broadcast_in_dim3A_398 = vector.broadcast %squeeze3A : i32 to vector<16xi32>
          tpu.vector_store_idx %arg21[%add3A_8, %broadcast_in_dim3A_398], %broadcast_in_dim3A_3 : memref<128x256xf32, #tpu.memory_space<vmem>>[vector<16xi32>, vector<16xi32>], vector<16xf32>,
          tpu.vector_store_idx %arg21[%add3A_11, %broadcast_in_dim3A_398], %broadcast_in_dim3A_3 : memref<128x256xf32, #tpu.memory_space<vmem>>[vector<16xi32>, vector<16xi32>], vector<16xf32>,
          tpu.vector_store_idx %arg21[%add3A_14, %broadcast_in_dim3A_398], %broadcast_in_dim3A_3 : memref<128x256xf32, #tpu.memory_space<vmem>>[vector<16xi32>, vector<16xi32>], vector<16xf32>,
          tpu.vector_store_idx %arg21[%add3A_17, %broadcast_in_dim3A_398], %broadcast_in_dim3A_3 : memref<128x256xf32, #tpu.memory_space<vmem>>[vector<16xi32>, vector<16xi32>], vector<16xf32>,
          tpu.vector_store_idx %arg21[%add3A_20, %broadcast_in_dim3A_398], %broadcast_in_dim3A_3 : memref<128x256xf32, #tpu.memory_space<vmem>>[vector<16xi32>, vector<16xi32>], vector<16xf32>,
          tpu.vector_store_idx %arg21[%add3A_23, %broadcast_in_dim3A_398], %broadcast_in_dim3A_3 : memref<128x256xf32, #tpu.memory_space<vmem>>[vector<16xi32>, vector<16xi32>], vector<16xf32>,
          tpu.vector_store_idx %arg21[%add3A_26, %broadcast_in_dim3A_398], %broadcast_in_dim3A_3 : memref<128x256xf32, #tpu.memory_space<vmem>>[vector<16xi32>, vector<16xi32>], vector<16xf32>,
          tpu.vector_store_idx %arg21[%add3A_29, %broadcast_in_dim3A_398], %broadcast_in_dim3A_3 : memref<128x256xf32, #tpu.memory_space<vmem>>[vector<16xi32>, vector<16xi32>], vector<16xf32>,
          %while3A_399 = arith.constant 0 : i32
          scf.yield %while3A_399 : i32
        }
      } else {
      }
      %while3A_257 = scf.while (%while3A_366 = %scan3A_241) : (i32) -> i32 {
        %lt3A_367 = arith.cmpi slt, %while3A_366, %select_n3A_213 : i32
        %mul3A_368 = arith.constant 32 : i32
        %mul3A_369 = arith.muli %while3A_366, %mul3A_368 : i32
        %add3A_370 = arith.constant 128 : i32
        %add3A_371 = arith.addi %get3A_253, %add3A_370 : i32
        %lt3A_372 = arith.cmpi slt, %mul3A_369, %add3A_371 : i32
        %and3A_373 = arith.andi %lt3A_367, %lt3A_372 : i1
        %lt3A_374 = arith.constant 8 : i32
        %lt3A_375 = arith.cmpi slt, %while3A_366, %lt3A_374 : i32
        %sub3A_376 = arith.constant 7 : i32
        %sub3A_377 = arith.subi %while3A_366, %sub3A_376 : i32
        %mul3A_378 = arith.constant 32 : i32
        %mul3A_379 = arith.muli %sub3A_377, %mul3A_378 : i32
        %le3A = arith.cmpi sle, %mul3A_379, %get3A_247 : i32
        %or3A = arith.ori %lt3A_375, %le3A : i1
        %and3A_380 = arith.andi %and3A_373, %or3A : i1
        scf.condition(%and3A_380) %while3A_366 : i32
      } do {
      ^bb0(%while3A_366: i32):
        %and3A_367 = arith.constant 7 : i32
        %and3A_368 = arith.andi %while3A_366, %and3A_367 : i32
        %mul3A_369 = arith.constant 32 : i32
        %mul3A_370 = arith.muli %and3A_368, %mul3A_369 : i32
        %mul3A_371 = arith.constant 32 : i32
        %mul3A_372 = arith.muli %while3A_366, %mul3A_371 : i32
        %dma_start3A_373 = arith.constant 0 : i32
        %dma_start3A_374 = tpu.memref_slice %arg20[%mul3A_370, %dma_start3A_373] : memref<256x128xf32, #tpu.memory_space<vmem>> -> memref<32x128xf32, #tpu.memory_space<vmem>>
        %dma_start3A_375 = tpu.memref_slice %arg19[%mul3A_372] : memref<9216xi32, #tpu.memory_space<vmem>> -> memref<32xi32, #tpu.memory_space<vmem>>
        %dma_start3A_376 = arith.constant 0 : i32
        %dma_start3A_377 = arith.constant 0 : i32
        %dma_start3A_378 = tpu.memref_slice %arg2[%dma_start3A_376, %dma_start3A_377] : memref<40000x128xf32, #tpu.memory_space<hbm>> -> memref<40000x128xf32, #tpu.memory_space<hbm>>
        tpu.enqueue_indirect_dma source(%dma_start3A_378 : memref<40000x128xf32, #tpu.memory_space<hbm>>) target(%dma_start3A_374 : memref<32x128xf32, #tpu.memory_space<vmem>>) offsets(%dma_start3A_375 : memref<32xi32, #tpu.memory_space<vmem>>) semaphore(%arg24 : memref<!tpu.dma_semaphore, #tpu.memory_space<semaphore_mem>>)
        %add3A_379 = arith.constant 1 : i32
        %add3A_380 = arith.addi %while3A_366, %add3A_379 : i32
        scf.yield %add3A_380 : i32
      }
      %add3A_258 = arith.constant 32 : i32
      %add3A_259 = arith.addi %get3A_253, %add3A_258 : i32
      %sub3A_260 = arith.constant 1 : i32
      %sub3A_261 = arith.subi %add3A_259, %sub3A_260 : i32
      %jit3A_262 = arith.constant 32 : i32
      %div3A_263 = arith.divsi %sub3A_261, %jit3A_262 : i32
      %sign3A_264 = arith.constant 0 : i32
      %sign3A_265 = arith.cmpi sgt, %sub3A_261, %sign3A_264 : i32
      %sign3A_266 = arith.extui %sign3A_265 : i1 to i32
      %sign3A_267 = arith.constant 0 : i32
      %sign3A_268 = arith.cmpi slt, %sub3A_261, %sign3A_267 : i32
      %sign3A_269 = arith.extui %sign3A_268 : i1 to i32
      %sign3A_270 = arith.subi %sign3A_266, %sign3A_269 : i32
      %sign3A_271 = arith.constant 0 : i32
      %sign3A_272 = arith.cmpi sgt, %jit3A_262, %sign3A_271 : i32
      %sign3A_273 = arith.extui %sign3A_272 : i1 to i32
      %sign3A_274 = arith.constant 0 : i32
      %sign3A_275 = arith.cmpi slt, %jit3A_262, %sign3A_274 : i32
      %sign3A_276 = arith.extui %sign3A_275 : i1 to i32
      %sign3A_277 = arith.subi %sign3A_273, %sign3A_276 : i32
      %ne3A_278 = arith.cmpi ne, %sign3A_270, %sign3A_277 : i32
      %rem3A_279 = arith.remsi %sub3A_261, %jit3A_262 : i32
      %ne3A_280 = arith.constant 0 : i32
      %ne3A_281 = arith.cmpi ne, %rem3A_279, %ne3A_280 : i32
      %and3A_282 = arith.andi %ne3A_278, %ne3A_281 : i1
      %sub3A_283 = arith.constant 1 : i32
      %sub3A_284 = arith.subi %div3A_263, %sub3A_283 : i32
      %select_n3A_285 = arith.select %and3A_282, %sub3A_284, %div3A_263 : i32
      %while3A_286 = scf.while (%while3A_366 = %scan3A_242) : (i32) -> i32 {
        %lt3A_367 = arith.cmpi slt, %while3A_366, %select_n3A_285 : i32
        scf.condition(%lt3A_367) %while3A_366 : i32
      } do {
      ^bb0(%while3A_366: i32):
        %dma_wait3A_367 = arith.constant 0 : i32
        %dma_wait3A_368 = arith.constant 0 : i32
        %dma_wait3A_369 = tpu.memref_slice %arg20[%dma_wait3A_367, %dma_wait3A_368] : memref<256x128xf32, #tpu.memory_space<vmem>> -> memref<32x128xf32, #tpu.memory_space<vmem>>
        %dma_wait3A_370 = arith.constant 0 : i32
        %dma_wait3A_371 = tpu.memref_slice %arg19[%dma_wait3A_370] : memref<9216xi32, #tpu.memory_space<vmem>> -> memref<32xi32, #tpu.memory_space<vmem>>
        %dma_wait3A_372 = arith.constant 0 : i32
        %dma_wait3A_373 = arith.constant 0 : i32
        %dma_wait3A_374 = tpu.memref_slice %arg2[%dma_wait3A_372, %dma_wait3A_373] : memref<40000x128xf32, #tpu.memory_space<hbm>> -> memref<40000x128xf32, #tpu.memory_space<hbm>>
        tpu.wait_indirect_dma semaphore(%arg24 : memref<!tpu.dma_semaphore, #tpu.memory_space<semaphore_mem>>) src(%dma_wait3A_374 : memref<40000x128xf32, #tpu.memory_space<hbm>>) dst(%dma_wait3A_369 : memref<32x128xf32, #tpu.memory_space<vmem>>)
        %add3A_375 = arith.constant 1 : i32
        %add3A_376 = arith.addi %while3A_366, %add3A_375 : i32
        scf.yield %add3A_376 : i32
      }
      %while3A_287 = arith.constant 0 : i32
      %while3A_288 = arith.subi %get3A_253, %get3A_247 : i32
      %while3A_289 = arith.addi %get3A_247, %while3A_288 : i32
      %while3A_290 = arith.constant 1 : i32
      %while3A_291 = arith.divsi %while3A_288, %while3A_290 : i32
      %while3A_292 = arith.muli %while3A_291, %while3A_290 : i32
      %while3A_293 = arith.addi %get3A_247, %while3A_292 : i32
      %while3A_294 = arith.constant 1 : i32
      %while3A_295 = scf.for %while3A_366 = %get3A_247 to %while3A_293 step %while3A_294 iter_args(%while3A_367 = %while3A_287) -> (i32)  : i32 {
        %get3A_368 = arith.index_cast %while3A_366 : i32 to index
        %get3A_369 = tpu.vector_load %arg18[%get3A_368] {strides = array<i32>} : memref<9216xi32, #tpu.memory_space<vmem>>, vector<16xi32>,
        %slice3A = vector.extract_strided_slice %get3A_369 {offsets = [0], sizes = [1], strides = [1]} : vector<16xi32> to vector<1xi32>
        %squeeze3A = vector.extract %slice3A[0] : i32 from vector<1xi32>
        %broadcast_in_dim3A_370 = vector.broadcast %squeeze3A : i32 to vector<16xi32>
        %and3A_371 = arith.constant 255 : i32
        %and3A_372 = arith.andi %while3A_366, %and3A_371 : i32
        %get3A_373 = arith.index_cast %and3A_372 : i32 to index
        %get3A_374 = arith.constant 0 : index
        %get3A_375 = tpu.vector_load %arg20[%get3A_373, %get3A_374] {strides = array<i32>} : memref<256x128xf32, #tpu.memory_space<vmem>>, vector<16xf32>,
        tpu.vector_store_idx %arg21[%add3A_8, %broadcast_in_dim3A_370], %get3A_375 : memref<128x256xf32, #tpu.memory_space<vmem>>[vector<16xi32>, vector<16xi32>], vector<16xf32>,
        %get3A_376 = arith.index_cast %and3A_372 : i32 to index
        %get3A_377 = arith.constant 16 : index
        %get3A_378 = tpu.vector_load %arg20[%get3A_376, %get3A_377] {strides = array<i32>} : memref<256x128xf32, #tpu.memory_space<vmem>>, vector<16xf32>,
        tpu.vector_store_idx %arg21[%add3A_11, %broadcast_in_dim3A_370], %get3A_378 : memref<128x256xf32, #tpu.memory_space<vmem>>[vector<16xi32>, vector<16xi32>], vector<16xf32>,
        %get3A_379 = arith.index_cast %and3A_372 : i32 to index
        %get3A_380 = arith.constant 32 : index
        %get3A_381 = tpu.vector_load %arg20[%get3A_379, %get3A_380] {strides = array<i32>} : memref<256x128xf32, #tpu.memory_space<vmem>>, vector<16xf32>,
        tpu.vector_store_idx %arg21[%add3A_14, %broadcast_in_dim3A_370], %get3A_381 : memref<128x256xf32, #tpu.memory_space<vmem>>[vector<16xi32>, vector<16xi32>], vector<16xf32>,
        %get3A_382 = arith.index_cast %and3A_372 : i32 to index
        %get3A_383 = arith.constant 48 : index
        %get3A_384 = tpu.vector_load %arg20[%get3A_382, %get3A_383] {strides = array<i32>} : memref<256x128xf32, #tpu.memory_space<vmem>>, vector<16xf32>,
        tpu.vector_store_idx %arg21[%add3A_17, %broadcast_in_dim3A_370], %get3A_384 : memref<128x256xf32, #tpu.memory_space<vmem>>[vector<16xi32>, vector<16xi32>], vector<16xf32>,
        %get3A_385 = arith.index_cast %and3A_372 : i32 to index
        %get3A_386 = arith.constant 64 : index
        %get3A_387 = tpu.vector_load %arg20[%get3A_385, %get3A_386] {strides = array<i32>} : memref<256x128xf32, #tpu.memory_space<vmem>>, vector<16xf32>,
        tpu.vector_store_idx %arg21[%add3A_20, %broadcast_in_dim3A_370], %get3A_387 : memref<128x256xf32, #tpu.memory_space<vmem>>[vector<16xi32>, vector<16xi32>], vector<16xf32>,
        %get3A_388 = arith.index_cast %and3A_372 : i32 to index
        %get3A_389 = arith.constant 80 : index
        %get3A_390 = tpu.vector_load %arg20[%get3A_388, %get3A_389] {strides = array<i32>} : memref<256x128xf32, #tpu.memory_space<vmem>>, vector<16xf32>,
        tpu.vector_store_idx %arg21[%add3A_23, %broadcast_in_dim3A_370], %get3A_390 : memref<128x256xf32, #tpu.memory_space<vmem>>[vector<16xi32>, vector<16xi32>], vector<16xf32>,
        %get3A_391 = arith.index_cast %and3A_372 : i32 to index
        %get3A_392 = arith.constant 96 : index
        %get3A_393 = tpu.vector_load %arg20[%get3A_391, %get3A_392] {strides = array<i32>} : memref<256x128xf32, #tpu.memory_space<vmem>>, vector<16xf32>,
        tpu.vector_store_idx %arg21[%add3A_26, %broadcast_in_dim3A_370], %get3A_393 : memref<128x256xf32, #tpu.memory_space<vmem>>[vector<16xi32>, vector<16xi32>], vector<16xf32>,
        %get3A_394 = arith.index_cast %and3A_372 : i32 to index
        %get3A_395 = arith.constant 112 : index
        %get3A_396 = tpu.vector_load %arg20[%get3A_394, %get3A_395] {strides = array<i32>} : memref<256x128xf32, #tpu.memory_space<vmem>>, vector<16xf32>,
        tpu.vector_store_idx %arg21[%add3A_29, %broadcast_in_dim3A_370], %get3A_396 : memref<128x256xf32, #tpu.memory_space<vmem>>[vector<16xi32>, vector<16xi32>], vector<16xf32>,
        %while3A_397 = arith.constant 0 : i32
        scf.yield %while3A_397 : i32
      }
      %while3A_296 = arith.constant 1 : i32
      %while3A_297 = scf.for %while3A_366 = %while3A_293 to %while3A_289 step %while3A_296 iter_args(%while3A_367 = %while3A_295) -> (i32)  : i32 {
        %get3A_368 = arith.index_cast %while3A_366 : i32 to index
        %get3A_369 = tpu.vector_load %arg18[%get3A_368] {strides = array<i32>} : memref<9216xi32, #tpu.memory_space<vmem>>, vector<16xi32>,
        %slice3A = vector.extract_strided_slice %get3A_369 {offsets = [0], sizes = [1], strides = [1]} : vector<16xi32> to vector<1xi32>
        %squeeze3A = vector.extract %slice3A[0] : i32 from vector<1xi32>
        %broadcast_in_dim3A_370 = vector.broadcast %squeeze3A : i32 to vector<16xi32>
        %and3A_371 = arith.constant 255 : i32
        %and3A_372 = arith.andi %while3A_366, %and3A_371 : i32
        %get3A_373 = arith.index_cast %and3A_372 : i32 to index
        %get3A_374 = arith.constant 0 : index
        %get3A_375 = tpu.vector_load %arg20[%get3A_373, %get3A_374] {strides = array<i32>} : memref<256x128xf32, #tpu.memory_space<vmem>>, vector<16xf32>,
        tpu.vector_store_idx %arg21[%add3A_8, %broadcast_in_dim3A_370], %get3A_375 : memref<128x256xf32, #tpu.memory_space<vmem>>[vector<16xi32>, vector<16xi32>], vector<16xf32>,
        %get3A_376 = arith.index_cast %and3A_372 : i32 to index
        %get3A_377 = arith.constant 16 : index
        %get3A_378 = tpu.vector_load %arg20[%get3A_376, %get3A_377] {strides = array<i32>} : memref<256x128xf32, #tpu.memory_space<vmem>>, vector<16xf32>,
        tpu.vector_store_idx %arg21[%add3A_11, %broadcast_in_dim3A_370], %get3A_378 : memref<128x256xf32, #tpu.memory_space<vmem>>[vector<16xi32>, vector<16xi32>], vector<16xf32>,
        %get3A_379 = arith.index_cast %and3A_372 : i32 to index
        %get3A_380 = arith.constant 32 : index
        %get3A_381 = tpu.vector_load %arg20[%get3A_379, %get3A_380] {strides = array<i32>} : memref<256x128xf32, #tpu.memory_space<vmem>>, vector<16xf32>,
        tpu.vector_store_idx %arg21[%add3A_14, %broadcast_in_dim3A_370], %get3A_381 : memref<128x256xf32, #tpu.memory_space<vmem>>[vector<16xi32>, vector<16xi32>], vector<16xf32>,
        %get3A_382 = arith.index_cast %and3A_372 : i32 to index
        %get3A_383 = arith.constant 48 : index
        %get3A_384 = tpu.vector_load %arg20[%get3A_382, %get3A_383] {strides = array<i32>} : memref<256x128xf32, #tpu.memory_space<vmem>>, vector<16xf32>,
        tpu.vector_store_idx %arg21[%add3A_17, %broadcast_in_dim3A_370], %get3A_384 : memref<128x256xf32, #tpu.memory_space<vmem>>[vector<16xi32>, vector<16xi32>], vector<16xf32>,
        %get3A_385 = arith.index_cast %and3A_372 : i32 to index
        %get3A_386 = arith.constant 64 : index
        %get3A_387 = tpu.vector_load %arg20[%get3A_385, %get3A_386] {strides = array<i32>} : memref<256x128xf32, #tpu.memory_space<vmem>>, vector<16xf32>,
        tpu.vector_store_idx %arg21[%add3A_20, %broadcast_in_dim3A_370], %get3A_387 : memref<128x256xf32, #tpu.memory_space<vmem>>[vector<16xi32>, vector<16xi32>], vector<16xf32>,
        %get3A_388 = arith.index_cast %and3A_372 : i32 to index
        %get3A_389 = arith.constant 80 : index
        %get3A_390 = tpu.vector_load %arg20[%get3A_388, %get3A_389] {strides = array<i32>} : memref<256x128xf32, #tpu.memory_space<vmem>>, vector<16xf32>,
        tpu.vector_store_idx %arg21[%add3A_23, %broadcast_in_dim3A_370], %get3A_390 : memref<128x256xf32, #tpu.memory_space<vmem>>[vector<16xi32>, vector<16xi32>], vector<16xf32>,
        %get3A_391 = arith.index_cast %and3A_372 : i32 to index
        %get3A_392 = arith.constant 96 : index
        %get3A_393 = tpu.vector_load %arg20[%get3A_391, %get3A_392] {strides = array<i32>} : memref<256x128xf32, #tpu.memory_space<vmem>>, vector<16xf32>,
        tpu.vector_store_idx %arg21[%add3A_26, %broadcast_in_dim3A_370], %get3A_393 : memref<128x256xf32, #tpu.memory_space<vmem>>[vector<16xi32>, vector<16xi32>], vector<16xf32>,
        %get3A_394 = arith.index_cast %and3A_372 : i32 to index
        %get3A_395 = arith.constant 112 : index
        %get3A_396 = tpu.vector_load %arg20[%get3A_394, %get3A_395] {strides = array<i32>} : memref<256x128xf32, #tpu.memory_space<vmem>>, vector<16xf32>,
        tpu.vector_store_idx %arg21[%add3A_29, %broadcast_in_dim3A_370], %get3A_396 : memref<128x256xf32, #tpu.memory_space<vmem>>[vector<16xi32>, vector<16xi32>], vector<16xf32>,
        %while3A_397 = arith.constant 0 : i32
        scf.yield %while3A_397 : i32
      }
      %convert_element_type3A_298 = arith.extui %lt3A_245 : i1 to i32
      %cond3A_299 = arith.constant 0 : i32
      %cond3A_300 = arith.cmpi ne, %convert_element_type3A_298, %cond3A_299 : i32
      scf.if %cond3A_300 {
        %mul3A_366 = arith.constant 32 : i32
        %mul3A_367 = arith.muli %mul3A_366, %mul3A_244 : i32
        %add3A_368 = arith.addi %add3A, %mul3A_367 : i32
        %jit3A_369 = arith.constant 275 : i32
        %div3A_370 = arith.divsi %add3A_368, %jit3A_369 : i32
        %sign3A_371 = arith.constant 0 : i32
        %sign3A_372 = arith.cmpi sgt, %add3A_368, %sign3A_371 : i32
        %sign3A_373 = arith.extui %sign3A_372 : i1 to i32
        %sign3A_374 = arith.constant 0 : i32
        %sign3A_375 = arith.cmpi slt, %add3A_368, %sign3A_374 : i32
        %sign3A_376 = arith.extui %sign3A_375 : i1 to i32
        %sign3A_377 = arith.subi %sign3A_373, %sign3A_376 : i32
        %sign3A_378 = arith.constant 0 : i32
        %sign3A_379 = arith.cmpi sgt, %jit3A_369, %sign3A_378 : i32
        %sign3A_380 = arith.extui %sign3A_379 : i1 to i32
        %sign3A_381 = arith.constant 0 : i32
        %sign3A_382 = arith.cmpi slt, %jit3A_369, %sign3A_381 : i32
        %sign3A_383 = arith.extui %sign3A_382 : i1 to i32
        %sign3A_384 = arith.subi %sign3A_380, %sign3A_383 : i32
        %ne3A_385 = arith.cmpi ne, %sign3A_377, %sign3A_384 : i32
        %rem3A_386 = arith.remsi %add3A_368, %jit3A_369 : i32
        %ne3A_387 = arith.constant 0 : i32
        %ne3A_388 = arith.cmpi ne, %rem3A_386, %ne3A_387 : i32
        %and3A_389 = arith.andi %ne3A_385, %ne3A_388 : i1
        %sub3A_390 = arith.constant 1 : i32
        %sub3A_391 = arith.subi %div3A_370, %sub3A_390 : i32
        %select_n3A_392 = arith.select %and3A_389, %sub3A_391, %div3A_370 : i32
        %jit3A_393 = arith.constant 275 : i32
        %eq3A = arith.constant 0 : i32
        %eq3A_394 = arith.cmpi eq, %jit3A_393, %eq3A : i32
        %jit3A_395 = arith.constant 1 : i32
        %select_n3A_396 = arith.select %eq3A_394, %jit3A_395, %jit3A_393 : i32
        %rem3A_397 = arith.remsi %add3A_368, %select_n3A_396 : i32
        %ne3A_398 = arith.constant 0 : i32
        %ne3A_399 = arith.cmpi ne, %rem3A_397, %ne3A_398 : i32
        %lt3A_400 = arith.constant 0 : i32
        %lt3A_401 = arith.cmpi slt, %rem3A_397, %lt3A_400 : i32
        %lt3A_402 = arith.constant 0 : i32
        %lt3A_403 = arith.cmpi slt, %select_n3A_396, %lt3A_402 : i32
        %ne3A_404 = arith.xori %lt3A_401, %lt3A_403 : i1
        %and3A_405 = arith.andi %ne3A_404, %ne3A_399 : i1
        %add3A_406 = arith.addi %rem3A_397, %select_n3A_396 : i32
        %select_n3A_407 = arith.select %and3A_405, %add3A_406, %rem3A_397 : i32
        %mul3A_408 = arith.constant 256 : i32
        %mul3A_409 = arith.muli %select_n3A_407, %mul3A_408 : i32
        %multiple_of3A = tpu.assume_multiple %mul3A_409, 256 : i32
        %dma_start3A_410 = arith.constant 0 : i32
        %dma_start3A_411 = tpu.memref_slice %arg7[%select_n3A_392, %dma_start3A_410, %multiple_of3A] : memref<4x128x70400xf32, #tpu.memory_space<hbm>> -> memref<1x128x256xf32, #tpu.memory_space<hbm>>
        %dma_start3A_412 = tpu.memref_squeeze %dma_start3A_411 : memref<1x128x256xf32, #tpu.memory_space<hbm>> -> memref<128x256xf32, #tpu.memory_space<hbm>>
        %dma_start3A_413 = arith.constant 0 : i32
        %dma_start3A_414 = tpu.memref_slice %arg7[%select_n3A_392, %dma_start3A_413, %multiple_of3A] : memref<4x128x70400xf32, #tpu.memory_space<hbm>> -> memref<1x128x256xf32, #tpu.memory_space<hbm>>
        %dma_start3A_415 = tpu.memref_squeeze %dma_start3A_414 : memref<1x128x256xf32, #tpu.memory_space<hbm>> -> memref<128x256xf32, #tpu.memory_space<hbm>>
        tpu.enqueue_dma source(%arg21 : memref<128x256xf32, #tpu.memory_space<vmem>>) target(%dma_start3A_415 : memref<128x256xf32, #tpu.memory_space<hbm>>) target_semaphore(%arg25 : memref<!tpu.dma_semaphore, #tpu.memory_space<semaphore_mem>>)
      } else {
      }
      %mul3A_301 = arith.constant 2 : i32
      %mul3A_302 = arith.muli %mul3A_301, %scan3A_240 : i32
      %add3A_303 = arith.constant 1 : i32
      %add3A_304 = arith.addi %mul3A_302, %add3A_303 : i32
      %lt3A_305 = arith.cmpi slt, %add3A_304, %select_n3A : i32
      %min3A_306 = arith.constant 35 : i32
      %min3A_307 = arith.minsi %add3A_304, %min3A_306 : i32
      %get3A_308 = arith.index_cast %min3A_307 : i32 to index
      %get3A_309 = memref.load %arg23[%get3A_308] : memref<37xi32, #tpu.memory_space<smem>>
      %min3A_310 = arith.constant 35 : i32
      %min3A_311 = arith.minsi %add3A_304, %min3A_310 : i32
      %add3A_312 = arith.constant 1 : i32
      %add3A_313 = arith.addi %min3A_311, %add3A_312 : i32
      %get3A_314 = arith.index_cast %add3A_313 : i32 to index
      %get3A_315 = memref.load %arg23[%get3A_314] : memref<37xi32, #tpu.memory_space<smem>>
      %ge3A_316 = arith.constant 2 : i32
      %ge3A_317 = arith.cmpi sge, %add3A_304, %ge3A_316 : i32
      %and3A_318 = arith.andi %ge3A_317, %lt3A_305 : i1
      %convert_element_type3A_319 = arith.extui %and3A_318 : i1 to i32
      %cond3A_320 = arith.constant 0 : i32
      %cond3A_321 = arith.cmpi ne, %convert_element_type3A_319, %cond3A_320 : i32
      scf.if %cond3A_321 {
        %dma_wait3A_366 = arith.constant 0 : i32
        %dma_wait3A_367 = arith.constant 0 : i32
        %dma_wait3A_368 = arith.constant 0 : i32
        %dma_wait3A_369 = tpu.memref_slice %arg7[%dma_wait3A_366, %dma_wait3A_367, %dma_wait3A_368] : memref<4x128x70400xf32, #tpu.memory_space<hbm>> -> memref<1x128x256xf32, #tpu.memory_space<hbm>>
        %dma_wait3A_370 = tpu.memref_squeeze %dma_wait3A_369 : memref<1x128x256xf32, #tpu.memory_space<hbm>> -> memref<128x256xf32, #tpu.memory_space<hbm>>
        %dma_wait3A_371 = arith.constant 0 : i32
        %dma_wait3A_372 = arith.constant 0 : i32
        %dma_wait3A_373 = tpu.memref_slice %arg7[%dma_wait3A_366, %dma_wait3A_371, %dma_wait3A_372] : memref<4x128x70400xf32, #tpu.memory_space<hbm>> -> memref<1x128x256xf32, #tpu.memory_space<hbm>>
        %dma_wait3A_374 = tpu.memref_squeeze %dma_wait3A_373 : memref<1x128x256xf32, #tpu.memory_space<hbm>> -> memref<128x256xf32, #tpu.memory_space<hbm>>
        tpu.wait_dma2 semaphore(%arg26 : memref<!tpu.dma_semaphore, #tpu.memory_space<semaphore_mem>>) src(%arg22 : memref<128x256xf32, #tpu.memory_space<vmem>>) dst(%dma_wait3A_374 : memref<128x256xf32, #tpu.memory_space<hbm>>)
        %sub3A_375 = arith.constant 2 : i32
        %sub3A_376 = arith.subi %add3A_304, %sub3A_375 : i32
        %get3A_377 = arith.index_cast %sub3A_376 : i32 to index
        %get3A_378 = memref.load %arg23[%get3A_377] : memref<37xi32, #tpu.memory_space<smem>>
        %sub3A_379 = arith.constant 1 : i32
        %sub3A_380 = arith.subi %add3A_304, %sub3A_379 : i32
        %get3A_381 = arith.index_cast %sub3A_380 : i32 to index
        %get3A_382 = memref.load %arg23[%get3A_381] : memref<37xi32, #tpu.memory_space<smem>>
        %while3A_383 = arith.constant 0 : i32
        %while3A_384 = arith.subi %get3A_382, %get3A_378 : i32
        %while3A_385 = arith.addi %get3A_378, %while3A_384 : i32
        %while3A_386 = arith.constant 1 : i32
        %while3A_387 = arith.divsi %while3A_384, %while3A_386 : i32
        %while3A_388 = arith.muli %while3A_387, %while3A_386 : i32
        %while3A_389 = arith.addi %get3A_378, %while3A_388 : i32
        %while3A_390 = arith.constant 1 : i32
        %while3A_391 = scf.for %while3A_394 = %get3A_378 to %while3A_389 step %while3A_390 iter_args(%while3A_395 = %while3A_383) -> (i32)  : i32 {
          %get3A_396 = arith.index_cast %while3A_394 : i32 to index
          %get3A_397 = tpu.vector_load %arg18[%get3A_396] {strides = array<i32>} : memref<9216xi32, #tpu.memory_space<vmem>>, vector<16xi32>,
          %slice3A = vector.extract_strided_slice %get3A_397 {offsets = [0], sizes = [1], strides = [1]} : vector<16xi32> to vector<1xi32>
          %squeeze3A = vector.extract %slice3A[0] : i32 from vector<1xi32>
          %broadcast_in_dim3A_398 = vector.broadcast %squeeze3A : i32 to vector<16xi32>
          tpu.vector_store_idx %arg22[%add3A_8, %broadcast_in_dim3A_398], %broadcast_in_dim3A_3 : memref<128x256xf32, #tpu.memory_space<vmem>>[vector<16xi32>, vector<16xi32>], vector<16xf32>,
          tpu.vector_store_idx %arg22[%add3A_11, %broadcast_in_dim3A_398], %broadcast_in_dim3A_3 : memref<128x256xf32, #tpu.memory_space<vmem>>[vector<16xi32>, vector<16xi32>], vector<16xf32>,
          tpu.vector_store_idx %arg22[%add3A_14, %broadcast_in_dim3A_398], %broadcast_in_dim3A_3 : memref<128x256xf32, #tpu.memory_space<vmem>>[vector<16xi32>, vector<16xi32>], vector<16xf32>,
          tpu.vector_store_idx %arg22[%add3A_17, %broadcast_in_dim3A_398], %broadcast_in_dim3A_3 : memref<128x256xf32, #tpu.memory_space<vmem>>[vector<16xi32>, vector<16xi32>], vector<16xf32>,
          tpu.vector_store_idx %arg22[%add3A_20, %broadcast_in_dim3A_398], %broadcast_in_dim3A_3 : memref<128x256xf32, #tpu.memory_space<vmem>>[vector<16xi32>, vector<16xi32>], vector<16xf32>,
          tpu.vector_store_idx %arg22[%add3A_23, %broadcast_in_dim3A_398], %broadcast_in_dim3A_3 : memref<128x256xf32, #tpu.memory_space<vmem>>[vector<16xi32>, vector<16xi32>], vector<16xf32>,
          tpu.vector_store_idx %arg22[%add3A_26, %broadcast_in_dim3A_398], %broadcast_in_dim3A_3 : memref<128x256xf32, #tpu.memory_space<vmem>>[vector<16xi32>, vector<16xi32>], vector<16xf32>,
          tpu.vector_store_idx %arg22[%add3A_29, %broadcast_in_dim3A_398], %broadcast_in_dim3A_3 : memref<128x256xf32, #tpu.memory_space<vmem>>[vector<16xi32>, vector<16xi32>], vector<16xf32>,
          %while3A_399 = arith.constant 0 : i32
          scf.yield %while3A_399 : i32
        }
        %while3A_392 = arith.constant 1 : i32
        %while3A_393 = scf.for %while3A_394 = %while3A_389 to %while3A_385 step %while3A_392 iter_args(%while3A_395 = %while3A_391) -> (i32)  : i32 {
          %get3A_396 = arith.index_cast %while3A_394 : i32 to index
          %get3A_397 = tpu.vector_load %arg18[%get3A_396] {strides = array<i32>} : memref<9216xi32, #tpu.memory_space<vmem>>, vector<16xi32>,
          %slice3A = vector.extract_strided_slice %get3A_397 {offsets = [0], sizes = [1], strides = [1]} : vector<16xi32> to vector<1xi32>
          %squeeze3A = vector.extract %slice3A[0] : i32 from vector<1xi32>
          %broadcast_in_dim3A_398 = vector.broadcast %squeeze3A : i32 to vector<16xi32>
          tpu.vector_store_idx %arg22[%add3A_8, %broadcast_in_dim3A_398], %broadcast_in_dim3A_3 : memref<128x256xf32, #tpu.memory_space<vmem>>[vector<16xi32>, vector<16xi32>], vector<16xf32>,
          tpu.vector_store_idx %arg22[%add3A_11, %broadcast_in_dim3A_398], %broadcast_in_dim3A_3 : memref<128x256xf32, #tpu.memory_space<vmem>>[vector<16xi32>, vector<16xi32>], vector<16xf32>,
          tpu.vector_store_idx %arg22[%add3A_14, %broadcast_in_dim3A_398], %broadcast_in_dim3A_3 : memref<128x256xf32, #tpu.memory_space<vmem>>[vector<16xi32>, vector<16xi32>], vector<16xf32>,
          tpu.vector_store_idx %arg22[%add3A_17, %broadcast_in_dim3A_398], %broadcast_in_dim3A_3 : memref<128x256xf32, #tpu.memory_space<vmem>>[vector<16xi32>, vector<16xi32>], vector<16xf32>,
          tpu.vector_store_idx %arg22[%add3A_20, %broadcast_in_dim3A_398], %broadcast_in_dim3A_3 : memref<128x256xf32, #tpu.memory_space<vmem>>[vector<16xi32>, vector<16xi32>], vector<16xf32>,
          tpu.vector_store_idx %arg22[%add3A_23, %broadcast_in_dim3A_398], %broadcast_in_dim3A_3 : memref<128x256xf32, #tpu.memory_space<vmem>>[vector<16xi32>, vector<16xi32>], vector<16xf32>,
          tpu.vector_store_idx %arg22[%add3A_26, %broadcast_in_dim3A_398], %broadcast_in_dim3A_3 : memref<128x256xf32, #tpu.memory_space<vmem>>[vector<16xi32>, vector<16xi32>], vector<16xf32>,
          tpu.vector_store_idx %arg22[%add3A_29, %broadcast_in_dim3A_398], %broadcast_in_dim3A_3 : memref<128x256xf32, #tpu.memory_space<vmem>>[vector<16xi32>, vector<16xi32>], vector<16xf32>,
          %while3A_399 = arith.constant 0 : i32
          scf.yield %while3A_399 : i32
        }
      } else {
      }
      %while3A_322 = scf.while (%while3A_366 = %while3A_257) : (i32) -> i32 {
        %lt3A_367 = arith.cmpi slt, %while3A_366, %select_n3A_213 : i32
        %mul3A_368 = arith.constant 32 : i32
        %mul3A_369 = arith.muli %while3A_366, %mul3A_368 : i32
        %add3A_370 = arith.constant 128 : i32
        %add3A_371 = arith.addi %get3A_315, %add3A_370 : i32
        %lt3A_372 = arith.cmpi slt, %mul3A_369, %add3A_371 : i32
        %and3A_373 = arith.andi %lt3A_367, %lt3A_372 : i1
        %lt3A_374 = arith.constant 8 : i32
        %lt3A_375 = arith.cmpi slt, %while3A_366, %lt3A_374 : i32
        %sub3A_376 = arith.constant 7 : i32
        %sub3A_377 = arith.subi %while3A_366, %sub3A_376 : i32
        %mul3A_378 = arith.constant 32 : i32
        %mul3A_379 = arith.muli %sub3A_377, %mul3A_378 : i32
        %le3A = arith.cmpi sle, %mul3A_379, %get3A_309 : i32
        %or3A = arith.ori %lt3A_375, %le3A : i1
        %and3A_380 = arith.andi %and3A_373, %or3A : i1
        scf.condition(%and3A_380) %while3A_366 : i32
      } do {
      ^bb0(%while3A_366: i32):
        %and3A_367 = arith.constant 7 : i32
        %and3A_368 = arith.andi %while3A_366, %and3A_367 : i32
        %mul3A_369 = arith.constant 32 : i32
        %mul3A_370 = arith.muli %and3A_368, %mul3A_369 : i32
        %mul3A_371 = arith.constant 32 : i32
        %mul3A_372 = arith.muli %while3A_366, %mul3A_371 : i32
        %dma_start3A_373 = arith.constant 0 : i32
        %dma_start3A_374 = tpu.memref_slice %arg20[%mul3A_370, %dma_start3A_373] : memref<256x128xf32, #tpu.memory_space<vmem>> -> memref<32x128xf32, #tpu.memory_space<vmem>>
        %dma_start3A_375 = tpu.memref_slice %arg19[%mul3A_372] : memref<9216xi32, #tpu.memory_space<vmem>> -> memref<32xi32, #tpu.memory_space<vmem>>
        %dma_start3A_376 = arith.constant 0 : i32
        %dma_start3A_377 = arith.constant 0 : i32
        %dma_start3A_378 = tpu.memref_slice %arg2[%dma_start3A_376, %dma_start3A_377] : memref<40000x128xf32, #tpu.memory_space<hbm>> -> memref<40000x128xf32, #tpu.memory_space<hbm>>
        tpu.enqueue_indirect_dma source(%dma_start3A_378 : memref<40000x128xf32, #tpu.memory_space<hbm>>) target(%dma_start3A_374 : memref<32x128xf32, #tpu.memory_space<vmem>>) offsets(%dma_start3A_375 : memref<32xi32, #tpu.memory_space<vmem>>) semaphore(%arg24 : memref<!tpu.dma_semaphore, #tpu.memory_space<semaphore_mem>>)
        %add3A_379 = arith.constant 1 : i32
        %add3A_380 = arith.addi %while3A_366, %add3A_379 : i32
        scf.yield %add3A_380 : i32
      }
      %add3A_323 = arith.constant 32 : i32
      %add3A_324 = arith.addi %get3A_315, %add3A_323 : i32
      %sub3A_325 = arith.constant 1 : i32
      %sub3A_326 = arith.subi %add3A_324, %sub3A_325 : i32
      %jit3A_327 = arith.constant 32 : i32
      %div3A_328 = arith.divsi %sub3A_326, %jit3A_327 : i32
      %sign3A_329 = arith.constant 0 : i32
      %sign3A_330 = arith.cmpi sgt, %sub3A_326, %sign3A_329 : i32
      %sign3A_331 = arith.extui %sign3A_330 : i1 to i32
      %sign3A_332 = arith.constant 0 : i32
      %sign3A_333 = arith.cmpi slt, %sub3A_326, %sign3A_332 : i32
      %sign3A_334 = arith.extui %sign3A_333 : i1 to i32
      %sign3A_335 = arith.subi %sign3A_331, %sign3A_334 : i32
      %sign3A_336 = arith.constant 0 : i32
      %sign3A_337 = arith.cmpi sgt, %jit3A_327, %sign3A_336 : i32
      %sign3A_338 = arith.extui %sign3A_337 : i1 to i32
      %sign3A_339 = arith.constant 0 : i32
      %sign3A_340 = arith.cmpi slt, %jit3A_327, %sign3A_339 : i32
      %sign3A_341 = arith.extui %sign3A_340 : i1 to i32
      %sign3A_342 = arith.subi %sign3A_338, %sign3A_341 : i32
      %ne3A_343 = arith.cmpi ne, %sign3A_335, %sign3A_342 : i32
      %rem3A_344 = arith.remsi %sub3A_326, %jit3A_327 : i32
      %ne3A_345 = arith.constant 0 : i32
      %ne3A_346 = arith.cmpi ne, %rem3A_344, %ne3A_345 : i32
      %and3A_347 = arith.andi %ne3A_343, %ne3A_346 : i1
      %sub3A_348 = arith.constant 1 : i32
      %sub3A_349 = arith.subi %div3A_328, %sub3A_348 : i32
      %select_n3A_350 = arith.select %and3A_347, %sub3A_349, %div3A_328 : i32
      %while3A_351 = scf.while (%while3A_366 = %while3A_286) : (i32) -> i32 {
        %lt3A_367 = arith.cmpi slt, %while3A_366, %select_n3A_350 : i32
        scf.condition(%lt3A_367) %while3A_366 : i32
      } do {
      ^bb0(%while3A_366: i32):
        %dma_wait3A_367 = arith.constant 0 : i32
        %dma_wait3A_368 = arith.constant 0 : i32
        %dma_wait3A_369 = tpu.memref_slice %arg20[%dma_wait3A_367, %dma_wait3A_368] : memref<256x128xf32, #tpu.memory_space<vmem>> -> memref<32x128xf32, #tpu.memory_space<vmem>>
        %dma_wait3A_370 = arith.constant 0 : i32
        %dma_wait3A_371 = tpu.memref_slice %arg19[%dma_wait3A_370] : memref<9216xi32, #tpu.memory_space<vmem>> -> memref<32xi32, #tpu.memory_space<vmem>>
        %dma_wait3A_372 = arith.constant 0 : i32
        %dma_wait3A_373 = arith.constant 0 : i32
        %dma_wait3A_374 = tpu.memref_slice %arg2[%dma_wait3A_372, %dma_wait3A_373] : memref<40000x128xf32, #tpu.memory_space<hbm>> -> memref<40000x128xf32, #tpu.memory_space<hbm>>
        tpu.wait_indirect_dma semaphore(%arg24 : memref<!tpu.dma_semaphore, #tpu.memory_space<semaphore_mem>>) src(%dma_wait3A_374 : memref<40000x128xf32, #tpu.memory_space<hbm>>) dst(%dma_wait3A_369 : memref<32x128xf32, #tpu.memory_space<vmem>>)
        %add3A_375 = arith.constant 1 : i32
        %add3A_376 = arith.addi %while3A_366, %add3A_375 : i32
        scf.yield %add3A_376 : i32
      }
      %while3A_352 = arith.constant 0 : i32
      %while3A_353 = arith.subi %get3A_315, %get3A_309 : i32
      %while3A_354 = arith.addi %get3A_309, %while3A_353 : i32
      %while3A_355 = arith.constant 1 : i32
      %while3A_356 = arith.divsi %while3A_353, %while3A_355 : i32
      %while3A_357 = arith.muli %while3A_356, %while3A_355 : i32
      %while3A_358 = arith.addi %get3A_309, %while3A_357 : i32
      %while3A_359 = arith.constant 1 : i32
      %while3A_360 = scf.for %while3A_366 = %get3A_309 to %while3A_358 step %while3A_359 iter_args(%while3A_367 = %while3A_352) -> (i32)  : i32 {
        %get3A_368 = arith.index_cast %while3A_366 : i32 to index
        %get3A_369 = tpu.vector_load %arg18[%get3A_368] {strides = array<i32>} : memref<9216xi32, #tpu.memory_space<vmem>>, vector<16xi32>,
        %slice3A = vector.extract_strided_slice %get3A_369 {offsets = [0], sizes = [1], strides = [1]} : vector<16xi32> to vector<1xi32>
        %squeeze3A = vector.extract %slice3A[0] : i32 from vector<1xi32>
        %broadcast_in_dim3A_370 = vector.broadcast %squeeze3A : i32 to vector<16xi32>
        %and3A_371 = arith.constant 255 : i32
        %and3A_372 = arith.andi %while3A_366, %and3A_371 : i32
        %get3A_373 = arith.index_cast %and3A_372 : i32 to index
        %get3A_374 = arith.constant 0 : index
        %get3A_375 = tpu.vector_load %arg20[%get3A_373, %get3A_374] {strides = array<i32>} : memref<256x128xf32, #tpu.memory_space<vmem>>, vector<16xf32>,
        tpu.vector_store_idx %arg22[%add3A_8, %broadcast_in_dim3A_370], %get3A_375 : memref<128x256xf32, #tpu.memory_space<vmem>>[vector<16xi32>, vector<16xi32>], vector<16xf32>,
        %get3A_376 = arith.index_cast %and3A_372 : i32 to index
        %get3A_377 = arith.constant 16 : index
        %get3A_378 = tpu.vector_load %arg20[%get3A_376, %get3A_377] {strides = array<i32>} : memref<256x128xf32, #tpu.memory_space<vmem>>, vector<16xf32>,
        tpu.vector_store_idx %arg22[%add3A_11, %broadcast_in_dim3A_370], %get3A_378 : memref<128x256xf32, #tpu.memory_space<vmem>>[vector<16xi32>, vector<16xi32>], vector<16xf32>,
        %get3A_379 = arith.index_cast %and3A_372 : i32 to index
        %get3A_380 = arith.constant 32 : index
        %get3A_381 = tpu.vector_load %arg20[%get3A_379, %get3A_380] {strides = array<i32>} : memref<256x128xf32, #tpu.memory_space<vmem>>, vector<16xf32>,
        tpu.vector_store_idx %arg22[%add3A_14, %broadcast_in_dim3A_370], %get3A_381 : memref<128x256xf32, #tpu.memory_space<vmem>>[vector<16xi32>, vector<16xi32>], vector<16xf32>,
        %get3A_382 = arith.index_cast %and3A_372 : i32 to index
        %get3A_383 = arith.constant 48 : index
        %get3A_384 = tpu.vector_load %arg20[%get3A_382, %get3A_383] {strides = array<i32>} : memref<256x128xf32, #tpu.memory_space<vmem>>, vector<16xf32>,
        tpu.vector_store_idx %arg22[%add3A_17, %broadcast_in_dim3A_370], %get3A_384 : memref<128x256xf32, #tpu.memory_space<vmem>>[vector<16xi32>, vector<16xi32>], vector<16xf32>,
        %get3A_385 = arith.index_cast %and3A_372 : i32 to index
        %get3A_386 = arith.constant 64 : index
        %get3A_387 = tpu.vector_load %arg20[%get3A_385, %get3A_386] {strides = array<i32>} : memref<256x128xf32, #tpu.memory_space<vmem>>, vector<16xf32>,
        tpu.vector_store_idx %arg22[%add3A_20, %broadcast_in_dim3A_370], %get3A_387 : memref<128x256xf32, #tpu.memory_space<vmem>>[vector<16xi32>, vector<16xi32>], vector<16xf32>,
        %get3A_388 = arith.index_cast %and3A_372 : i32 to index
        %get3A_389 = arith.constant 80 : index
        %get3A_390 = tpu.vector_load %arg20[%get3A_388, %get3A_389] {strides = array<i32>} : memref<256x128xf32, #tpu.memory_space<vmem>>, vector<16xf32>,
        tpu.vector_store_idx %arg22[%add3A_23, %broadcast_in_dim3A_370], %get3A_390 : memref<128x256xf32, #tpu.memory_space<vmem>>[vector<16xi32>, vector<16xi32>], vector<16xf32>,
        %get3A_391 = arith.index_cast %and3A_372 : i32 to index
        %get3A_392 = arith.constant 96 : index
        %get3A_393 = tpu.vector_load %arg20[%get3A_391, %get3A_392] {strides = array<i32>} : memref<256x128xf32, #tpu.memory_space<vmem>>, vector<16xf32>,
        tpu.vector_store_idx %arg22[%add3A_26, %broadcast_in_dim3A_370], %get3A_393 : memref<128x256xf32, #tpu.memory_space<vmem>>[vector<16xi32>, vector<16xi32>], vector<16xf32>,
        %get3A_394 = arith.index_cast %and3A_372 : i32 to index
        %get3A_395 = arith.constant 112 : index
        %get3A_396 = tpu.vector_load %arg20[%get3A_394, %get3A_395] {strides = array<i32>} : memref<256x128xf32, #tpu.memory_space<vmem>>, vector<16xf32>,
        tpu.vector_store_idx %arg22[%add3A_29, %broadcast_in_dim3A_370], %get3A_396 : memref<128x256xf32, #tpu.memory_space<vmem>>[vector<16xi32>, vector<16xi32>], vector<16xf32>,
        %while3A_397 = arith.constant 0 : i32
        scf.yield %while3A_397 : i32
      }
      %while3A_361 = arith.constant 1 : i32
      %while3A_362 = scf.for %while3A_366 = %while3A_358 to %while3A_354 step %while3A_361 iter_args(%while3A_367 = %while3A_360) -> (i32)  : i32 {
        %get3A_368 = arith.index_cast %while3A_366 : i32 to index
        %get3A_369 = tpu.vector_load %arg18[%get3A_368] {strides = array<i32>} : memref<9216xi32, #tpu.memory_space<vmem>>, vector<16xi32>,
        %slice3A = vector.extract_strided_slice %get3A_369 {offsets = [0], sizes = [1], strides = [1]} : vector<16xi32> to vector<1xi32>
        %squeeze3A = vector.extract %slice3A[0] : i32 from vector<1xi32>
        %broadcast_in_dim3A_370 = vector.broadcast %squeeze3A : i32 to vector<16xi32>
        %and3A_371 = arith.constant 255 : i32
        %and3A_372 = arith.andi %while3A_366, %and3A_371 : i32
        %get3A_373 = arith.index_cast %and3A_372 : i32 to index
        %get3A_374 = arith.constant 0 : index
        %get3A_375 = tpu.vector_load %arg20[%get3A_373, %get3A_374] {strides = array<i32>} : memref<256x128xf32, #tpu.memory_space<vmem>>, vector<16xf32>,
        tpu.vector_store_idx %arg22[%add3A_8, %broadcast_in_dim3A_370], %get3A_375 : memref<128x256xf32, #tpu.memory_space<vmem>>[vector<16xi32>, vector<16xi32>], vector<16xf32>,
        %get3A_376 = arith.index_cast %and3A_372 : i32 to index
        %get3A_377 = arith.constant 16 : index
        %get3A_378 = tpu.vector_load %arg20[%get3A_376, %get3A_377] {strides = array<i32>} : memref<256x128xf32, #tpu.memory_space<vmem>>, vector<16xf32>,
        tpu.vector_store_idx %arg22[%add3A_11, %broadcast_in_dim3A_370], %get3A_378 : memref<128x256xf32, #tpu.memory_space<vmem>>[vector<16xi32>, vector<16xi32>], vector<16xf32>,
        %get3A_379 = arith.index_cast %and3A_372 : i32 to index
        %get3A_380 = arith.constant 32 : index
        %get3A_381 = tpu.vector_load %arg20[%get3A_379, %get3A_380] {strides = array<i32>} : memref<256x128xf32, #tpu.memory_space<vmem>>, vector<16xf32>,
        tpu.vector_store_idx %arg22[%add3A_14, %broadcast_in_dim3A_370], %get3A_381 : memref<128x256xf32, #tpu.memory_space<vmem>>[vector<16xi32>, vector<16xi32>], vector<16xf32>,
        %get3A_382 = arith.index_cast %and3A_372 : i32 to index
        %get3A_383 = arith.constant 48 : index
        %get3A_384 = tpu.vector_load %arg20[%get3A_382, %get3A_383] {strides = array<i32>} : memref<256x128xf32, #tpu.memory_space<vmem>>, vector<16xf32>,
        tpu.vector_store_idx %arg22[%add3A_17, %broadcast_in_dim3A_370], %get3A_384 : memref<128x256xf32, #tpu.memory_space<vmem>>[vector<16xi32>, vector<16xi32>], vector<16xf32>,
        %get3A_385 = arith.index_cast %and3A_372 : i32 to index
        %get3A_386 = arith.constant 64 : index
        %get3A_387 = tpu.vector_load %arg20[%get3A_385, %get3A_386] {strides = array<i32>} : memref<256x128xf32, #tpu.memory_space<vmem>>, vector<16xf32>,
        tpu.vector_store_idx %arg22[%add3A_20, %broadcast_in_dim3A_370], %get3A_387 : memref<128x256xf32, #tpu.memory_space<vmem>>[vector<16xi32>, vector<16xi32>], vector<16xf32>,
        %get3A_388 = arith.index_cast %and3A_372 : i32 to index
        %get3A_389 = arith.constant 80 : index
        %get3A_390 = tpu.vector_load %arg20[%get3A_388, %get3A_389] {strides = array<i32>} : memref<256x128xf32, #tpu.memory_space<vmem>>, vector<16xf32>,
        tpu.vector_store_idx %arg22[%add3A_23, %broadcast_in_dim3A_370], %get3A_390 : memref<128x256xf32, #tpu.memory_space<vmem>>[vector<16xi32>, vector<16xi32>], vector<16xf32>,
        %get3A_391 = arith.index_cast %and3A_372 : i32 to index
        %get3A_392 = arith.constant 96 : index
        %get3A_393 = tpu.vector_load %arg20[%get3A_391, %get3A_392] {strides = array<i32>} : memref<256x128xf32, #tpu.memory_space<vmem>>, vector<16xf32>,
        tpu.vector_store_idx %arg22[%add3A_26, %broadcast_in_dim3A_370], %get3A_393 : memref<128x256xf32, #tpu.memory_space<vmem>>[vector<16xi32>, vector<16xi32>], vector<16xf32>,
        %get3A_394 = arith.index_cast %and3A_372 : i32 to index
        %get3A_395 = arith.constant 112 : index
        %get3A_396 = tpu.vector_load %arg20[%get3A_394, %get3A_395] {strides = array<i32>} : memref<256x128xf32, #tpu.memory_space<vmem>>, vector<16xf32>,
        tpu.vector_store_idx %arg22[%add3A_29, %broadcast_in_dim3A_370], %get3A_396 : memref<128x256xf32, #tpu.memory_space<vmem>>[vector<16xi32>, vector<16xi32>], vector<16xf32>,
        %while3A_397 = arith.constant 0 : i32
        scf.yield %while3A_397 : i32
      }
      %convert_element_type3A_363 = arith.extui %lt3A_305 : i1 to i32
      %cond3A_364 = arith.constant 0 : i32
      %cond3A_365 = arith.cmpi ne, %convert_element_type3A_363, %cond3A_364 : i32
      scf.if %cond3A_365 {
        %mul3A_366 = arith.constant 32 : i32
        %mul3A_367 = arith.muli %mul3A_366, %add3A_304 : i32
        %add3A_368 = arith.addi %add3A, %mul3A_367 : i32
        %jit3A_369 = arith.constant 275 : i32
        %div3A_370 = arith.divsi %add3A_368, %jit3A_369 : i32
        %sign3A_371 = arith.constant 0 : i32
        %sign3A_372 = arith.cmpi sgt, %add3A_368, %sign3A_371 : i32
        %sign3A_373 = arith.extui %sign3A_372 : i1 to i32
        %sign3A_374 = arith.constant 0 : i32
        %sign3A_375 = arith.cmpi slt, %add3A_368, %sign3A_374 : i32
        %sign3A_376 = arith.extui %sign3A_375 : i1 to i32
        %sign3A_377 = arith.subi %sign3A_373, %sign3A_376 : i32
        %sign3A_378 = arith.constant 0 : i32
        %sign3A_379 = arith.cmpi sgt, %jit3A_369, %sign3A_378 : i32
        %sign3A_380 = arith.extui %sign3A_379 : i1 to i32
        %sign3A_381 = arith.constant 0 : i32
        %sign3A_382 = arith.cmpi slt, %jit3A_369, %sign3A_381 : i32
        %sign3A_383 = arith.extui %sign3A_382 : i1 to i32
        %sign3A_384 = arith.subi %sign3A_380, %sign3A_383 : i32
        %ne3A_385 = arith.cmpi ne, %sign3A_377, %sign3A_384 : i32
        %rem3A_386 = arith.remsi %add3A_368, %jit3A_369 : i32
        %ne3A_387 = arith.constant 0 : i32
        %ne3A_388 = arith.cmpi ne, %rem3A_386, %ne3A_387 : i32
        %and3A_389 = arith.andi %ne3A_385, %ne3A_388 : i1
        %sub3A_390 = arith.constant 1 : i32
        %sub3A_391 = arith.subi %div3A_370, %sub3A_390 : i32
        %select_n3A_392 = arith.select %and3A_389, %sub3A_391, %div3A_370 : i32
        %jit3A_393 = arith.constant 275 : i32
        %eq3A = arith.constant 0 : i32
        %eq3A_394 = arith.cmpi eq, %jit3A_393, %eq3A : i32
        %jit3A_395 = arith.constant 1 : i32
        %select_n3A_396 = arith.select %eq3A_394, %jit3A_395, %jit3A_393 : i32
        %rem3A_397 = arith.remsi %add3A_368, %select_n3A_396 : i32
        %ne3A_398 = arith.constant 0 : i32
        %ne3A_399 = arith.cmpi ne, %rem3A_397, %ne3A_398 : i32
        %lt3A_400 = arith.constant 0 : i32
        %lt3A_401 = arith.cmpi slt, %rem3A_397, %lt3A_400 : i32
        %lt3A_402 = arith.constant 0 : i32
        %lt3A_403 = arith.cmpi slt, %select_n3A_396, %lt3A_402 : i32
        %ne3A_404 = arith.xori %lt3A_401, %lt3A_403 : i1
        %and3A_405 = arith.andi %ne3A_404, %ne3A_399 : i1
        %add3A_406 = arith.addi %rem3A_397, %select_n3A_396 : i32
        %select_n3A_407 = arith.select %and3A_405, %add3A_406, %rem3A_397 : i32
        %mul3A_408 = arith.constant 256 : i32
        %mul3A_409 = arith.muli %select_n3A_407, %mul3A_408 : i32
        %multiple_of3A = tpu.assume_multiple %mul3A_409, 256 : i32
        %dma_start3A_410 = arith.constant 0 : i32
        %dma_start3A_411 = tpu.memref_slice %arg7[%select_n3A_392, %dma_start3A_410, %multiple_of3A] : memref<4x128x70400xf32, #tpu.memory_space<hbm>> -> memref<1x128x256xf32, #tpu.memory_space<hbm>>
        %dma_start3A_412 = tpu.memref_squeeze %dma_start3A_411 : memref<1x128x256xf32, #tpu.memory_space<hbm>> -> memref<128x256xf32, #tpu.memory_space<hbm>>
        %dma_start3A_413 = arith.constant 0 : i32
        %dma_start3A_414 = tpu.memref_slice %arg7[%select_n3A_392, %dma_start3A_413, %multiple_of3A] : memref<4x128x70400xf32, #tpu.memory_space<hbm>> -> memref<1x128x256xf32, #tpu.memory_space<hbm>>
        %dma_start3A_415 = tpu.memref_squeeze %dma_start3A_414 : memref<1x128x256xf32, #tpu.memory_space<hbm>> -> memref<128x256xf32, #tpu.memory_space<hbm>>
        tpu.enqueue_dma source(%arg22 : memref<128x256xf32, #tpu.memory_space<vmem>>) target(%dma_start3A_415 : memref<128x256xf32, #tpu.memory_space<hbm>>) target_semaphore(%arg26 : memref<!tpu.dma_semaphore, #tpu.memory_space<semaphore_mem>>)
      } else {
      }
      scf.yield %while3A_322, %while3A_351 : i32, i32
    }
    %scan3A_221 = arith.constant 18 : i32
    %dma_wait3A_222 = arith.constant 0 : i32
    "tpu.trace_stop"() : () -> ()
    %dma_wait3A_223 = arith.constant 0 : i32
    %dma_wait3A_224 = arith.constant 0 : i32
    %dma_wait3A_225 = tpu.memref_slice %arg7[%dma_wait3A_222, %dma_wait3A_223, %dma_wait3A_224] : memref<4x128x70400xf32, #tpu.memory_space<hbm>> -> memref<1x128x256xf32, #tpu.memory_space<hbm>>
    %dma_wait3A_226 = tpu.memref_squeeze %dma_wait3A_225 : memref<1x128x256xf32, #tpu.memory_space<hbm>> -> memref<128x256xf32, #tpu.memory_space<hbm>>
    %dma_wait3A_227 = arith.constant 0 : i32
    %dma_wait3A_228 = arith.constant 0 : i32
    %dma_wait3A_229 = tpu.memref_slice %arg7[%dma_wait3A_222, %dma_wait3A_227, %dma_wait3A_228] : memref<4x128x70400xf32, #tpu.memory_space<hbm>> -> memref<1x128x256xf32, #tpu.memory_space<hbm>>
    %dma_wait3A_230 = tpu.memref_squeeze %dma_wait3A_229 : memref<1x128x256xf32, #tpu.memory_space<hbm>> -> memref<128x256xf32, #tpu.memory_space<hbm>>
    tpu.wait_dma2 semaphore(%arg25 : memref<!tpu.dma_semaphore, #tpu.memory_space<semaphore_mem>>) src(%arg21 : memref<128x256xf32, #tpu.memory_space<vmem>>) dst(%dma_wait3A_230 : memref<128x256xf32, #tpu.memory_space<hbm>>)
    %dma_wait3A_231 = arith.constant 0 : i32
    %dma_wait3A_232 = arith.constant 0 : i32
    %dma_wait3A_233 = arith.constant 0 : i32
    %dma_wait3A_234 = tpu.memref_slice %arg7[%dma_wait3A_231, %dma_wait3A_232, %dma_wait3A_233] : memref<4x128x70400xf32, #tpu.memory_space<hbm>> -> memref<1x128x256xf32, #tpu.memory_space<hbm>>
    %dma_wait3A_235 = tpu.memref_squeeze %dma_wait3A_234 : memref<1x128x256xf32, #tpu.memory_space<hbm>> -> memref<128x256xf32, #tpu.memory_space<hbm>>
    %dma_wait3A_236 = arith.constant 0 : i32
    %dma_wait3A_237 = arith.constant 0 : i32
    %dma_wait3A_238 = tpu.memref_slice %arg7[%dma_wait3A_231, %dma_wait3A_236, %dma_wait3A_237] : memref<4x128x70400xf32, #tpu.memory_space<hbm>> -> memref<1x128x256xf32, #tpu.memory_space<hbm>>
    %dma_wait3A_239 = tpu.memref_squeeze %dma_wait3A_238 : memref<1x128x256xf32, #tpu.memory_space<hbm>> -> memref<128x256xf32, #tpu.memory_space<hbm>>
    tpu.wait_dma2 semaphore(%arg26 : memref<!tpu.dma_semaphore, #tpu.memory_space<semaphore_mem>>) src(%arg22 : memref<128x256xf32, #tpu.memory_space<vmem>>) dst(%dma_wait3A_239 : memref<128x256xf32, #tpu.memory_space<hbm>>)
    return
  }
}

</mosaic_0001>

<sc_bundles>
// kernel: kernel.3.cloned.1.call-start
scs
__scs_entry_jumppad:
0x0: {  	(pc) =	sbr.rel $0x88, $3  }
0x1: {  	(tag) =	ssettag $0x0;
	lr =	simm.s32 $0x1  }
0x2: {  	[smem:$0x3F9C] =	sst lr;
	_ =	strace $0xD0000000  }
0x3: {  	_ = 	snop  }
0x4: {  	_ = 	snop  }
0x5: {  	_ = 	snop  }
0x6: {  	_ = 	snop  }
0x7: {  	_ = 	snop  }
__scs_overlays_trampoline_lowered:
0x8: {  	[smem:$0x3FAB] =	sst s0  }
0x9: {  	[smem:$0x3FAC] =	sst s1  }
0xa: {  	[smem:$0x3FAD] =	sst s2  }
0xb: {  	[smem:$0x3FAE] =	sst s3  }
0xc: {  	[smem:$0x3FAF] =	sst s4  }
0xd: {  	[smem:$0x3FB0] =	sst s5  }
0xe: {  	[smem:$0x3FB1] =	sst s6  }
0xf: {  	[smem:$0x3FB2] =	sst s7  }
0x10: {  	[smem:$0x3FB3] =	sst s8  }
0x11: {  	[smem:$0x3FB4] =	sst s9;
	s0 =	simm.s32 @!p0 $0x0  }
0x12: {  	s1 =	sld [smem:$0x3F9A];
	s0 =	simm.s32 @p0 $0x1  }
0x13: {  	[smem:$0x3FB5] =	sst s0;
	s0 =	simm.s32 @!p1 $0x0  }
0x14: {  	s2 =	sld [smem:$0x3F99];
	s0 =	simm.s32 @p1 $0x1  }
0x15: {  	[smem:$0x3FB6] =	sst s0;
	s0 =	simm.s32 @!p2 $0x0  }
0x16: {  	s3 =	sld [smem:$0x3FDB];
	s0 =	simm.s32 @p2 $0x1  }
0x17: {  	s4 =	simm.s32 $0x1BF5;
	[smem:$0x3FB8] =	sst s0  }
0x18: {  	s0 =	sld [smem:$0x3F9B];
	_ =	swait.ge [sflag:s4], $0x0  }
0x19: {  	s7 =	sld [smem:$0x3F9C]  }
0x1a: {  	s8 =	sadd.s32 $0xFFFFE003, lr  }
0x1b: {  	s9 =	sadd.s32 $0xFFFFFEF7, lr;
	s5 =	simm.s32 $0xFFFFFFFF;
	p2 =	slt.u32 s8, $0xFFFFF086  }
0x1c: {  	p1 =	slt.u32 s9, $0xF7A;
	s5 =	simm.s32 @!p2 $0x0  }
0x1d: {  	s5 =	simm.s32 @p1 $0x1;
	p0 =	seq.s32 s7, s2  }
0x1e: {  	s7 =	smul.u32 @!p0 $0xF7A, s2;
	p2 =	seq.s32 @!p0 s5, $0x0  }
0x1f: {  	s9 =	smul.u32 $0xF7A, s1;
	s8 =	simm.s32 @!p0 $0x1BF5;
	p2 =	por !p2, p0  }
0x20: {  	[sflag:s8] =	ssyncset.s32 @!p0 $0xFFFFF086;
	s6 =	sadd.s32 @!p0 s3, s7;
	s7 =	simm.s32 @!p0 $0x108  }
0x21: {  	s3 =	sadd.s32 s3, s9;
	s6 =	sadd.s32 @!p0 $0x88, s6;
	s7 =	simm.s32 @p2 $0x1082  }
0x22: {  	[simem:s7], [sflag:s8] =	dma.local @!p0 [hbm:s6], $0xF7A  }
0x23: {  	s9 =	sor.u32 $0xD0000000, s2;
	s6 =	simm.s32 $0x108;
	_ =	swait.ge @!p0 [sflag:s8], $0x0  }
0x24: {  	s3 =	sadd.s32 $0x88, s3;
	s6 =	simm.s32 @!p1 $0x1082;
	[sflag:s4] =	ssyncset.s32 $0xFFFFF086  }
0x25: {  	[simem:s6], [sflag:s4] =	dma.local [hbm:s3], $0xF7A  }
0x26: {  	[smem:$0x3F9C] =	sst s1;
	(tag) =	ssettag s2;
	_ =	strace s9  }
0x27: {  	s1 =	sld [smem:$0x3FAC]  }
0x28: {  	s2 =	sld [smem:$0x3FAD]  }
0x29: {  	s4 =	sld [smem:$0x3FAF]  }
0x2a: {  	p0 =	seq.s32 s5, $0x0;
	s5 =	sld [smem:$0x3FB0]  }
0x2b: {  	s6 =	sld [smem:$0x3FB1]  }
0x2c: {  	s7 =	sld [smem:$0x3FB2]  }
0x2d: {  	s3 =	simm.s32 $0x108;
	s8 =	sld [smem:$0x3FB3]  }
0x2e: {  	s3 =	simm.s32 @!p0 $0x1082;
	s9 =	sld [smem:$0x3FB4]  }
0x2f: {  	lr =	sadd.s32 s0, s3;
	s0 =	sld [smem:$0x3FAB]  }
0x30: {  	s3 =	sld [smem:$0x3FAE]  }
0x31: {  	[smem:$0x3FB7] =	sst s10  }
0x32: {  	s10 =	sld [smem:$0x3FB5];
	_ =	sdelay $0x3  }
0x33: {  	p0 =	seq.s32 s10, $0x1;
	s10 =	sld [smem:$0x3FB7];
	_ =	sdelay $0x3  }
0x34: {  	[smem:$0x3FB7] =	sst s10  }
0x35: {  	s10 =	sld [smem:$0x3FB6];
	_ =	sdelay $0x3  }
0x36: {  	p1 =	seq.s32 s10, $0x1;
	s10 =	sld [smem:$0x3FB7];
	_ =	sdelay $0x3  }
0x37: {  	[smem:$0x3FB7] =	sst s10  }
0x38: {  	s10 =	sld [smem:$0x3FB8]  }
0x39: {  	_ = 	snop;
	(pc) =	sbr.ind lr, $3  }
0x3a: {  	_ = 	snop  }
0x3b: {  	_ = 	snop  }
0x3c: {  	p2 =	seq.s32 s10, $0x1;
	s10 =	sld [smem:$0x3FB7]  }
0x3d: {  	_ =	shalt  }
0x3e: {  	_ =	shalt  }
0x3f: {  	_ =	shalt  }
0x40: {  	_ =	shalt  }
0x41: {  	_ =	shalt  }
0x42: {  	_ =	shalt  }
0x43: {  	_ =	shalt  }
0x44: {  	_ =	shalt  }
0x45: {  	_ =	shalt  }
0x46: {  	_ =	shalt  }
0x47: {  	_ =	shalt  }
0x48: {  	_ =	shalt  }
0x49: {  	_ =	shalt  }
0x4a: {  	_ =	shalt  }
0x4b: {  	_ =	shalt  }
0x4c: {  	_ =	shalt  }
0x4d: {  	_ =	shalt  }
0x4e: {  	_ =	shalt  }
0x4f: {  	_ =	shalt  }
0x50: {  	_ =	shalt  }
0x51: {  	_ =	shalt  }
0x52: {  	_ =	shalt  }
0x53: {  	_ =	shalt  }
0x54: {  	_ =	shalt  }
0x55: {  	_ =	shalt  }
0x56: {  	_ =	shalt  }
0x57: {  	_ =	shalt  }
0x58: {  	_ =	shalt  }
0x59: {  	_ =	shalt  }
0x5a: {  	_ =	shalt  }
0x5b: {  	_ =	shalt  }
0x5c: {  	_ =	shalt  }
0x5d: {  	_ =	shalt  }
0x5e: {  	_ =	shalt  }
0x5f: {  	_ =	shalt  }
0x60: {  	_ =	shalt  }
0x61: {  	_ =	shalt  }
0x62: {  	_ =	shalt  }
0x63: {  	_ =	shalt  }
0x64: {  	_ =	shalt  }
0x65: {  	_ =	shalt  }
0x66: {  	_ =	shalt  }
0x67: {  	_ =	shalt  }
0x68: {  	_ =	shalt  }
0x69: {  	_ =	shalt  }
0x6a: {  	_ =	shalt  }
0x6b: {  	_ =	shalt  }
0x6c: {  	_ =	shalt  }
0x6d: {  	_ =	shalt  }
0x6e: {  	_ =	shalt  }
0x6f: {  	_ =	shalt  }
0x70: {  	_ =	shalt  }
0x71: {  	_ =	shalt  }
0x72: {  	_ =	shalt  }
0x73: {  	_ =	shalt  }
0x74: {  	_ =	shalt  }
0x75: {  	_ =	shalt  }
0x76: {  	_ =	shalt  }
0x77: {  	_ =	shalt  }
0x78: {  	_ =	shalt  }
0x79: {  	_ =	shalt  }
0x7a: {  	_ =	shalt  }
0x7b: {  	_ =	shalt  }
0x7c: {  	_ =	shalt  }
0x7d: {  	_ =	shalt  }
0x7e: {  	_ =	shalt  }
0x7f: {  	_ =	shalt  }
0x80: {  	_ =	shalt  }
0x81: {  	_ =	shalt  }
0x82: {  	_ =	shalt  }
0x83: {  	_ =	shalt  }
0x84: {  	_ =	shalt  }
0x85: {  	_ =	shalt  }
0x86: {  	_ =	shalt  }
0x87: {  	_ =	shalt  }
.Lfunc_end0:
.L_simem_size_0:
called_computation_lowered:
.L_overlay_start_0:
0x88: {  	s2 =	sld [smem:$0x3FD9]  }
0x89: {  	s3 =	sld [smem:$0x3FFE];
	_ =	sdelay $0x1  }
0x8a: {  	s1 =	srdreg.scid  }
0x8b: {  	s0 =	sand.u32 $0x1, s1  }
0x8c: {  	s17 =	sshll.u32 s0, $0xA;
	s2 =	sadd.s32 s3, s2  }
0x8d: {  	s2 =	sadd.s32 s2, s17  }
0x8e: {  	[smem:$0x3FC3] =	sst s2  }
0x8f: {  	_ = 	snop  }
0x90: {  	s2 =	sld [smem:$0x3FC9]  }
0x91: {  	s18 =	sld [smem:$0x3FC8]  }
0x92: {  	s4 =	sld [smem:$0x3FC7]  }
0x93: {  	s5 =	sld [smem:$0x3FC6]  }
0x94: {  	s6 =	sld [smem:$0x3FC5];
	(tm) =	ssettm $0x1  }
0x95: {  	s7 =	sld [smem:$0x3FFB];
	_ =	sdelay $0x3  }
0x96: {  	_ =	strace s7  }
0x97: {  	s7 =	sld [smem:$0x3FFC];
	_ =	sdelay $0x3  }
0x98: {  	_ =	strace s7  }
0x99: {  	s7 =	sld [smem:$0x3FFD];
	_ =	sdelay $0x3  }
0x9a: {  	_ =	strace s7  }
0x9b: {  	_ =	strace $0x8FFFFFFF  }
0x9c: {  	s19 =	sld [smem:$0x3FDB];
	_ =	sdelay $0x1  }
0x9d: {  	s8 =	simm.s32 $_scs_section_size  }
0x9e: {  	s9 =	simm.s32 $_size__tile_overlayer_lowered;
	s10 =	simm.s32 $_tile_overlayer_lowered  }
0x9f: {  	s22 =	simm.s32 $0x1BFF;
	s21 =	sshll.u32 s10, $0x1;
	s7 =	sadd.s32 s8, s19  }
0xa0: {  	s11 =	simm.s32 $0x0;
	s20 =	sshll.u32 s9, $0x1;
	s9 =	sadd.s32 s21, s7  }
0xa1: {  	[timem:s11], [sflag:s22] =	dma.local [hbm:s9], s20  }
0xa2: {  	_ =	swait.ge [sflag:s22], s20  }
0xa3: {  	s8 =	ssub.s32 $0x0, s20;
	[sflag:s22] =	ssyncset.done $0x0  }
0xa4: {  	[sflag:s22] =	ssyncadd.s32 s8;
	_ =	sdelay $0x1  }
0xa5: {  	s23 =	simm.s32 $0x1B8B  }
0xa6: {  	_ =	swait.ge [sflag:s23], $0x1  }
0xa7: {  	[sflag:s23] =	ssyncset.done $0x0  }
0xa8: {  	s25 =	simm.s32 $0x1B8E;
	s24 =	sld [smem:$0x3FFE];
	[sflag:s23] =	ssyncadd.s32 $0xFFFFFFFF  }
0xa9: {  	s26 =	simm.s32 $execute0_lowered;
	[smem:$0x3FD2] =	sst s25  }
0xaa: {  	s9 =	sshll.u32 s26, $0x1;
	_ =	strace $0x80000046;
	[dreg:$0x1] =	wrdreg $0xFFFFFFFF  }
0xab: {  	s28 =	simm.s32 $_size_execute0_lowered;
	s7 =	sadd.s32 s7, s9;
	[dreg:$0x0] =	wrdreg $0x0  }
0xac: {  	s9 =	sshll.u32 s28, $0x1;
	[dreg:$0x2] =	wrdreg s7  }
0xad: {  	[dreg:$0x3] =	wrdreg s9  }
0xae: {  	[dreg:$0x4] =	wrdreg $0xC0  }
0xaf: {  	_ =	task [dreg:s11], $0x5FFFF  }
0xb0: {  	[dreg:$0x1] =	wrdreg $0xFFFFFFFF  }
0xb1: {  	[dreg:$0x0] =	wrdreg $0x60  }
0xb2: {  	[dreg:$0x2] =	wrdreg s2  }
0xb3: {  	[dreg:$0x3] =	wrdreg s18  }
0xb4: {  	[dreg:$0x4] =	wrdreg s4  }
0xb5: {  	[dreg:$0x5] =	wrdreg s5  }
0xb6: {  	[dreg:$0x6] =	wrdreg s6  }
0xb7: {  	[dreg:$0x7] =	wrdreg s24  }
0xb8: {  	[dreg:$0x8] =	wrdreg $0x9  }
0xb9: {  	_ =	task.clear_ibuf [dreg:s11], $0x9FFFF;
	_ =	strace $0x90000046  }
0xba: {  	s29 =	simm.s32 $0x9;
	_ =	strace $0x8000004B  }
0xbb: {  	_ =	swait.ge [sflag:s29], $0x1  }
0xbc: {  	[sflag:s29] =	ssyncadd.s32 $0xFFFFFFFF  }
0xbd: {  	_ =	strace $0x9000004B  }
0xbe: {  	_ =	sfence  }
0xbf: {  	s30 =	sld [smem:$0x0];
	_ =	sdelay $0x2  }
0xc0: {  	s31 =	sshll.u32 s1, $0xD;
	s1 =	sshrl.u32 s1, $0x2  }
0xc1: {  	s3 =	sand.u32 $0x4000, s31;
	s1 =	sadd.s32 s1, s30  }
0xc2: {  	s0 =	sor.u32 s3, s0;
	s1 =	sshll.u32 s1, $0x11  }
0xc3: {  	s0 =	sor.u32 s1, s0  }
0xc4: {  	s0 =	sadd.s32 $0x8F2B, s0  }
0xc5: {  	[sflag:s0] =	ssyncadd.remote.s32 $0x1  }
0xc6: {  	_ =	sfence.sel $0xFFFF  }
0xc7: {  	[dreg:$0x0] =	wrdreg $0xFFFFFFFF;
	(pc) =	sbr.abs _section_cstart, $3  }
0xc8: {  	[dreg:$0x1] =	wrdreg $0xFFFFFFFF  }
0xc9: {  	_ =	task.clear_ibuf [dreg:s11], $0x2FFFF;
	_ =	strace $0x9FFFFFFF  }
0xca: {  	(tm) =	ssettm $0x7FFFFFFF  }
0xcb: {  	_ =	shalt  }
tec
execute0_lowered:
.L_overlay_start_1:
0x0: {  	(tag) =	ssettag $0x1  }
0x1: {  	v1 =	vimm.s32 $0x0  }
0x2: {  	v2 =	vimm.s32 $0xFFFFFFFF;
	v3 =	vlaneseq.u32;
	v4 =	vimm.f32 $0.0e+00  }
0x3: {  	v16 =	vimm.s32 $0xB80;
	vm14 =	vcmask $0x300;
	v17 =	vimm.s32 $0x1B80  }
0x4: {  	vm13 =	vcmask $0x704;
	vm12 =	vcmask $0xB08;
	vm11 =	vcmask $0xF0C  }
0x5: {  	vm10 =	vcmask $0x1310;
	vm9 =	vcmask $0x1714;
	vm8 =	vcmask $0x1B18  }
0x6: {  	vm7 =	vcmask $0x1F1C;
	vm6 =	vcmask $0x2320;
	vm5 =	vcmask $0x2724  }
0x7: {  	vm4 =	vcmask $0x2B28;
	vm2 =	vcmask $0x2F2C;
	vm3 =	vcmask $0x3330  }
0x8: {  	vm1 =	vcmask $0x3734;
	vm0 =	vcmask $0x3B38;
	v20 =	vimm.s32 $0x3B80  }
0x9: {  	v21 =	vimm.s32 $0x4B80;
	v22 =	vimm.s32 $0x5B80;
	v23 =	vimm.s32 $0x6B80  }
0xa: {  	v24 =	vimm.s32 $0x7B80;
	v5 =	vor.u32 $0x10, v3;
	v6 =	vadd.s32 $0x1, v3  }
0xb: {  	v7 =	vadd.s32 $0x11, v3;
	v8 =	vadd.s32 $0x21, v3;
	v9 =	vor.u32 $0x80009C00, v3  }
0xc: {  	v10 =	vadd.s32 $0x9C01, v3;
	v11 =	vor.u32 $0x80009C10, v3;
	v12 =	vadd.s32 $0x9C11, v3  }
0xd: {  	v13 =	vor.u32 $0x80009C20, v3;
	v14 =	vadd.s32 $0x9C21, v3;
	v15 =	vor.u32 $0x80009C30, v3  }
0xe: {  	v16 =	vsel vm14, $0x0, v16;
	v17 =	vsel vm14, $0x1000, v17;
	v20 =	vsel vm14, $0x3000, v20  }
0xf: {  	v21 =	vsel vm14, $0x4000, v21;
	v22 =	vsel vm14, $0x5000, v22;
	v23 =	vsel vm14, $0x6000, v23  }
0x10: {  	v24 =	vsel vm14, $0x7000, v24;
	v16 =	vsel vm13, $0x80, v16;
	v17 =	vsel vm13, $0x1080, v17  }
0x11: {  	s0 =	srdreg.scid;
	v20 =	vsel vm13, $0x3080, v20;
	v21 =	vsel vm13, $0x4080, v21;
	v22 =	vsel vm13, $0x5080, v22  }
0x12: {  	s0 =	sand.u32 $0x1, s0;
	v23 =	vsel vm13, $0x6080, v23;
	v24 =	vsel vm13, $0x7080, v24;
	v16 =	vsel vm12, $0x100, v16  }
0x13: {  	s2 =	stileid.u32;
	s1 =	sshll.u32 s0, $0x4;
	v17 =	vsel vm12, $0x1100, v17;
	v20 =	vsel vm12, $0x3100, v20;
	v21 =	vsel vm12, $0x4100, v21  }
0x14: {  	s1 =	sor.u32 s2, s1;
	v22 =	vsel vm12, $0x5100, v22;
	v23 =	vsel vm12, $0x6100, v23;
	v24 =	vsel vm12, $0x7100, v24  }
0x15: {  	v0 =	vmov s1;
	v16 =	vsel vm11, $0x180, v16;
	v17 =	vsel vm11, $0x1180, v17  }
0x16: {  	v20 =	vsel vm11, $0x3180, v20;
	v21 =	vsel vm11, $0x4180, v21;
	v22 =	vsel vm11, $0x5180, v22  }
0x17: {  	v23 =	vsel vm11, $0x6180, v23;
	v24 =	vsel vm11, $0x7180, v24;
	v16 =	vsel vm10, $0x200, v16  }
0x18: {  	v17 =	vsel vm10, $0x1200, v17;
	v20 =	vsel vm10, $0x3200, v20;
	v21 =	vsel vm10, $0x4200, v21  }
0x19: {  	v22 =	vsel vm10, $0x5200, v22;
	v23 =	vsel vm10, $0x6200, v23;
	v24 =	vsel vm10, $0x7200, v24  }
0x1a: {  	v16 =	vsel vm9, $0x280, v16;
	v17 =	vsel vm9, $0x1280, v17;
	v20 =	vsel vm9, $0x3280, v20  }
0x1b: {  	v21 =	vsel vm9, $0x4280, v21;
	v22 =	vsel vm9, $0x5280, v22;
	v23 =	vsel vm9, $0x6280, v23  }
0x1c: {  	v24 =	vsel vm9, $0x7280, v24;
	v16 =	vsel vm8, $0x300, v16;
	v17 =	vsel vm8, $0x1300, v17  }
0x1d: {  	v20 =	vsel vm8, $0x3300, v20;
	v21 =	vsel vm8, $0x4300, v21;
	v22 =	vsel vm8, $0x5300, v22  }
0x1e: {  	v23 =	vsel vm8, $0x6300, v23;
	v24 =	vsel vm8, $0x7300, v24;
	v16 =	vsel vm7, $0x380, v16  }
0x1f: {  	v17 =	vsel vm7, $0x1380, v17;
	v20 =	vsel vm7, $0x3380, v20;
	v21 =	vsel vm7, $0x4380, v21  }
0x20: {  	v22 =	vsel vm7, $0x5380, v22;
	v23 =	vsel vm7, $0x6380, v23;
	v24 =	vsel vm7, $0x7380, v24  }
0x21: {  	v16 =	vsel vm6, $0x800, v16;
	v17 =	vsel vm6, $0x1800, v17;
	v20 =	vsel vm6, $0x3800, v20  }
0x22: {  	v21 =	vsel vm6, $0x4800, v21;
	v16 =	vsel vm5, $0x880, v16;
	v17 =	vsel vm5, $0x1880, v17  }
0x23: {  	v22 =	vsel vm6, $0x5800, v22;
	v16 =	vsel vm4, $0x900, v16;
	v17 =	vsel vm4, $0x1900, v17  }
0x24: {  	v23 =	vsel vm6, $0x6800, v23;
	v16 =	vsel vm2, $0x980, v16;
	v17 =	vsel vm2, $0x1980, v17  }
0x25: {  	v24 =	vsel vm6, $0x7800, v24;
	v16 =	vsel vm3, $0xA00, v16;
	v17 =	vsel vm3, $0x1A00, v17  }
0x26: {  	s3 =	rddreg [dreg:$0x1];
	v20 =	vsel vm5, $0x3880, v20;
	v18 =	vsel vm1, $0xA80, v16;
	v19 =	vsel vm1, $0x1A80, v17  }
0x27: {  	s4 =	rddreg [dreg:$0x2];
	v17 =	vsel vm0, $0xB00, v18;
	v18 =	vsel vm0, $0x1B00, v19;
	v19 =	vimm.s32 $0x2B80  }
0x28: {  	s5 =	rddreg [dreg:$0x3];
	v21 =	vsel vm5, $0x4880, v21;
	v22 =	vsel vm5, $0x5880, v22;
	v19 =	vsel vm14, $0x2000, v19  }
0x29: {  	s6 =	rddreg [dreg:$0x4];
	v23 =	vsel vm5, $0x6880, v23;
	v24 =	vsel vm5, $0x7880, v24;
	v19 =	vsel vm13, $0x2080, v19  }
0x2a: {  	s7 =	rddreg [dreg:$0x5];
	s8 =	simm.s32 $0x0;
	s9 =	simm.s32 $0x23;
	v20 =	vsel vm4, $0x3900, v20;
	v21 =	vsel vm4, $0x4900, v21;
	v19 =	vsel vm12, $0x2100, v19  }
0x2b: {  	s17 =	simm.s32 $0x2300;
	s18 =	simm.s32 $0x2500;
	s21 =	simm.s32 $0x2700;
	v22 =	vsel vm4, $0x5900, v22;
	v23 =	vsel vm4, $0x6900, v23;
	v19 =	vsel vm11, $0x2180, v19  }
0x2c: {  	s28 =	simm.s32 $0x5;
	s29 =	simm.s32 $0x1;
	s30 =	simm.s32 $0xFB80;
	v24 =	vsel vm4, $0x7900, v24;
	v20 =	vsel vm2, $0x3980, v20;
	v19 =	vsel vm10, $0x2200, v19  }
0x2d: {  	s31 =	simm.s32 $0x20;
	s12 =	simm.s32 $0x0;
	[smem:$0x7FF] =	sst s8;
	v21 =	vsel vm2, $0x4980, v21;
	v22 =	vsel vm2, $0x5980, v22;
	v19 =	vsel vm9, $0x2280, v19  }
0x2e: {  	s10 =	sadd.s32 $0x400, s7;
	s22 =	sadd.s32 $0x1380, s3;
	s2 =	rddreg [dreg:$0x0];
	v23 =	vsel vm2, $0x6980, v23;
	v24 =	vsel vm2, $0x7980, v24;
	v19 =	vsel vm8, $0x2300, v19  }
0x2f: {  	s23 =	sadd.s32 $0x1380, s4;
	_ =	strace $0x80000047;
	[dreg:$0x7] =	wrdreg s22;
	v20 =	vsel vm3, $0x3A00, v20;
	v21 =	vsel vm3, $0x4A00, v21;
	v19 =	vsel vm7, $0x2380, v19  }
0x30: {  	s24 =	sadd.s32 $0x1380, s5;
	s25 =	sadd.s32 $0x1380, s6;
	[dreg:$0x8] =	wrdreg s23;
	v22 =	vsel vm3, $0x5A00, v22;
	v23 =	vsel vm3, $0x6A00, v23;
	v19 =	vsel vm6, $0x2800, v19  }
0x31: {  	s7 =	simm.s32 $0x17B80;
	s0 =	ssub.s32 $0x2, s0;
	[dreg:$0x9] =	wrdreg s24;
	v24 =	vsel vm3, $0x7A00, v24;
	v16 =	vadd.s32 $0x9C31, v3;
	v19 =	vsel vm5, $0x2880, v19  }
.Ltmp0:
0x32: {  	s11 =	sshrl.u32 s0, $0x1;
	[dreg:$0xa] =	wrdreg s25;
	v20 =	vsel vm1, $0x3A80, v20;
	v21 =	vsel vm1, $0x4A80, v21;
	v19 =	vsel vm4, $0x2900, v19;
	(pc) =	sbr.rel .LBB2_1-.Ltmp0, $4  }
0x33: {  	s22 =	simm.s32 $0x2900;
	p0 =	slt.u32 s1, $0xC;
	s0 =	ssub.s32 s0, s11;
	v22 =	vsel vm1, $0x5A80, v22;
	v23 =	vsel vm1, $0x6A80, v23;
	v19 =	vsel vm2, $0x2980, v19  }
0x34: {  	s23 =	simm.s32 $0x2F00;
	s9 =	simm.s32 @!p0 $0x22;
	s0 =	smax.u32 s0, $0x1;
	v24 =	vsel vm1, $0x7A80, v24;
	v20 =	vsel vm0, $0x3B00, v20;
	v19 =	vsel vm3, $0x2A00, v19  }
0x35: {  	s24 =	simm.s32 $0x3100;
	[dreg:$0xb] =	wrdreg s0;
	s26 =	sshll.u32 s9, $0x2;
	v21 =	vsel vm0, $0x4B00, v21;
	v22 =	vsel vm0, $0x5B00, v22;
	v19 =	vsel vm1, $0x2A80, v19  }
0x36: {  	s25 =	simm.s32 $0x4;
	[dreg:$0xc] =	wrdreg s26;
	s26 =	simm.s32 $0x3300;
	v23 =	vsel vm0, $0x6B00, v23;
	v24 =	vsel vm0, $0x7B00, v24;
	v19 =	vsel vm0, $0x2B00, v19  }
.LBB2_52:
0x37: {  	_ =	strace $0x9000004A;
	s0 =	simm.s32 $0x2  }
0x38: {  	_ =	swait.ge [sflag:s0], $0x8000  }
0x39: {  	[sflag:s0] =	ssyncset.done $0x0  }
0x3a: {  	s11 =	simm.s32 $0x3;
	[sflag:s0] =	ssyncadd.s32 $0xFFFF8000  }
0x3b: {  	_ =	swait.ge [sflag:s11], $0x8000  }
0x3c: {  	s12 =	rddreg [dreg:$0xd]  }
0x3d: {  	s22 =	rddreg [dreg:$0xb];
	s12 =	sadd.s32 $0x1, s12  }
0x3e: {  	p0 =	sne.s32 s12, s22  }
.Ltmp1:
0x3f: {  	_ = 	snop;
	(pc) =	sbr.rel @!p0 .LBB2_53-.Ltmp1, $3  }
0x40: {  	_ =	sdelay $0x1  }
0x41: {  	s17 =	simm.s32 $0x2300;
	s18 =	simm.s32 $0x2500;
	[sflag:s11] =	ssyncset.done $0x0  }
0x42: {  	s21 =	simm.s32 $0x2700;
	[sflag:s11] =	ssyncadd.s32 $0xFFFF8000;
	s22 =	simm.s32 $0x2900  }
.LBB2_1:
0x43: {  	[dreg:$0xd] =	wrdreg s12;
	s0 =	simm.s32 $0x40;
	s11 =	simm.s32 $0x0  }
.LBB2_2:
0x44: {  	p0 =	sne.s32 s0, $0x8BC0;
	[tilespmem:s11+$0x0] =	vst v1;
	s11 =	smov.u32 s0;
	s0 =	sadd.s32 $0x40, s0  }
.Ltmp2:
0x45: {  	(pc) =	sbr.rel @p0 .LBB2_2-.Ltmp2, $2  }
0x46: {  	_ =	sdelay $0x2  }
0x47: {  	s11 =	sshra.s32 s11, $0x2  }
0x48: {  	s0 =	simm.s32 $0x0  }
0x49: {  	s13 =	simm.s32 $0x0;
	s12 =	sand.u32 $0x70, s0;
	s14 =	sand.u32 $0x400, s0  }
0x4a: {  	[tilespmem:s11+$0x0] =	vst v1;
	s20 =	simm.s32 $0x0;
	s19 =	sand.u32 $0x7800, s13;
	s12 =	sor.u32 s14, s12  }
0x4b: {  	[tilespmem:$0x3310] =	vst v2;
	s13 =	sand.u32 $0x380, s20;
	s11 =	sor.u32 s19, s12  }
0x4c: {  	[tilespmem:$0x3330] =	vst v2;
	s13 =	sor.u32 s13, s11  }
0x4d: {  	s12 =	simm.s32 $0x10;
	s11 =	simm.s32 $0x1;
	[tilespmem:s13+$0x17B80] =	vst v4  }
.LBB2_4:
0x4e: {  	s14 =	sand.u32 $0x70, s12;
	s15 =	sshll.u32 s11, $0x4  }
0x4f: {  	[tilespmem:s13+$0xFB80] =	vst v4;
	s0 =	sadd.s32 $0x80, s0;
	s13 =	smov.u32 s11;
	p0 =	sne.s32 s11, $0x7FF  }
.Ltmp3:
0x50: {  	s11 =	sadd.s32 $0x1, s11;
	s16 =	sand.u32 $0x400, s0;
	(pc) =	sbr.rel @p0 .LBB2_4-.Ltmp3, $4  }
0x51: {  	s15 =	sand.u32 $0x7800, s15;
	s13 =	sshll.u32 s13, $0x3;
	s14 =	sor.u32 s16, s14  }
0x52: {  	s13 =	sand.u32 $0x380, s13;
	s14 =	sor.u32 s15, s14  }
0x53: {  	s13 =	sor.u32 s13, s14  }
0x54: {  	s12 =	sadd.s32 $0x10, s12;
	[tilespmem:s13+$0x17B80] =	vst v4  }
0x55: {  	[tilespmem:s13+$0xFB80] =	vst v4  }
0x56: {  	s11 =	simm.s32 $0x0;
	_ =	strace $0x80000048  }
0x57: {  	[tilespmem:s17], [sflag:$0x4] =	stream.linear.gather [hbm4b:s3+s11], $0x200, $0x200038;
	[tilespmem:$0x1FB80] =	vst v63  }
0x58: {  	_ = 	snop  }
0x59: {  	[tilespmem:s18], [sflag:$0x4] =	stream.linear.gather [hbm4b:s4+s11], $0x200, $0x200038;
	[tilespmem:$0x1FB80] =	vst v63  }
0x5a: {  	s19 =	simm.s32 $0x200  }
0x5b: {  	[tilespmem:s21], [sflag:$0x4] =	stream.linear.gather [hbm4b:s5+s11], $0x200, $0x200038;
	[tilespmem:$0x1FB80] =	vst v63  }
0x5c: {  	s20 =	simm.s32 $0x0;
	s12 =	simm.s32 $0x0;
	s16 =	simm.s32 $0x2B00  }
0x5d: {  	[tilespmem:s22], [sflag:$0x4] =	stream.linear.gather [hbm4b:s6+s11], $0x200, $0x200038;
	[tilespmem:$0x1FB80] =	vst v63  }
.LBB2_6:
0x5e: {  	s0 =	sshll.u32 s12, $0x7  }
0x5f: {  	s0 =	sand.u32 $0x1FFFFF80, s0  }
0x60: {  	s0 =	sor.u32 $0x40, s0  }
0x61: {  	s13 =	sadd.s32 s3, s0  }
0x62: {  	[tilespmem:s16], [sflag:$0x5] =	stream.linear.gather [hbm4b:s13+s11], $0x200, $0x200038;
	[tilespmem:$0x1FB80] =	vst v63  }
0x63: {  	s14 =	simm.s32 $0x2D00;
	s15 =	sadd.s32 s4, s0  }
0x64: {  	[tilespmem:s14], [sflag:$0x5] =	stream.linear.gather [hbm4b:s15+s11], $0x200, $0x200038;
	[tilespmem:$0x1FB80] =	vst v63  }
0x65: {  	s14 =	sadd.s32 s5, s0  }
0x66: {  	[tilespmem:s23], [sflag:$0x5] =	stream.linear.gather [hbm4b:s14+s11], $0x200, $0x200038;
	[tilespmem:$0x1FB80] =	vst v63  }
0x67: {  	s0 =	sadd.s32 s6, s0  }
0x68: {  	[tilespmem:s24], [sflag:$0x5] =	stream.linear.gather [hbm4b:s0+s11], $0x200, $0x200038;
	[tilespmem:$0x1FB80] =	vst v63  }
0x69: {  	_ =	swait.ge [sflag:s25], $0x200  }
0x6a: {  	[sflag:s25] =	ssyncset.done $0x0  }
0x6b: {  	[sflag:s25] =	ssyncadd.s32 $0xFFFFFE00  }
0x6c: {  	_ =	swait.ge [sflag:s25], $0x200  }
0x6d: {  	[sflag:s25] =	ssyncset.done $0x0  }
0x6e: {  	[sflag:s25] =	ssyncadd.s32 $0xFFFFFE00  }
0x6f: {  	_ =	swait.ge [sflag:s25], $0x200  }
0x70: {  	[sflag:s25] =	ssyncset.done $0x0  }
0x71: {  	[sflag:s25] =	ssyncadd.s32 $0xFFFFFE00  }
0x72: {  	_ =	swait.ge [sflag:s25], $0x200  }
0x73: {  	[sflag:s25] =	ssyncset.done $0x0  }
0x74: {  	s15 =	simm.s32 $0x0;
	[sflag:s25] =	ssyncadd.s32 $0xFFFFFE00  }
0x75: {  	v26 =	vld [tilespmem:s15+$0x2300]  }
0x76: {  	v25 =	vld [tilespmem:s15+$0x2500]  }
0x77: {  	v27 =	vld [tilespmem:s15+$0x2310]  }
0x78: {  	v28 =	vld [tilespmem:s15+$0x2510]  }
0x79: {  	v29 =	vld [tilespmem:s15+$0x2700]  }
0x7a: {  	v26 =	vshll.u32 v26, $0x1  }
0x7b: {  	v30 =	vld [tilespmem:s15+$0x2710];
	v25 =	vadd.s32 v25, v26  }
0x7c: {  	v26 =	vshll.u32 v27, $0x1;
	v27 =	vld [tilespmem:s15+$0x2900];
	v25 =	vmul.u32 $0xC8, v25  }
0x7d: {  	v26 =	vadd.s32 v28, v26  }
0x7e: {  	v28 =	vld [tilespmem:s15+$0x2910];
	v26 =	vmul.u32 $0xC8, v26;
	v25 =	vadd.s32 v29, v25  }
0x7f: {  	v25 =	vmul.u32 $0xB0, v25  }
0x80: {  	v26 =	vadd.s32 v30, v26  }
0x81: {  	v26 =	vmul.u32 $0xB0, v26;
	v25 =	vadd.s32 v27, v25  }
0x82: {  	v27 =	vor.u32 s20, v6;
	v29 =	vshrl.u32 v25, $0x5;
	v30 =	vand.u32 $0xFF, v25  }
0x83: {  	v26 =	vadd.s32 v28, v26;
	v25 =	vshrl.u32 v25, $0x8;
	v28 =	vand.u32 $0xFF00, v29  }
0x84: {  	v29 =	vshrl.u32 v26, $0x5;
	v31 =	vand.u32 $0xFF, v26;
	v28 =	vor.u32 v30, v28  }
0x85: {  	v26 =	vshrl.u32 v26, $0x8;
	v29 =	vand.u32 $0xFF00, v29;
	v28 =	vshll.u32 v28, $0x10  }
0x86: {  	v25 =	vand.u32 $0x1F, v25;
	v29 =	vor.u32 v31, v29;
	v28 =	vadd.s32 s20, v28  }
0x87: {  	v26 =	vand.u32 $0x1F, v26;
	v29 =	vshll.u32 v29, $0x10;
	v28 =	vadd.s32 v3, v28  }
0x88: {  	vm0 =	veq.s32 v25, v0;
	v29 =	vadd.s32 s20, v29;
	v28 =	vxor.u32 $0x80000000, v28  }
0x89: {  	vm1 =	veq.s32 v26, v0;
	v25 =	vadd.s32 v5, v29;
	v26 =	vnsel vm0, $0xFFFFFFFF, v28  }
0x8a: {  	v25 =	vxor.u32 $0x80000000, v25;
	(xrf1) =	vsort.ascd.msk.u32 $0xffff, v26, v27  }
0x8b: {  	v28 =	vadd.s32 s20, v7;
	v25 =	vnsel vm1, $0xFFFFFFFF, v25  }
0x8c: {  	(xrf1) =	vsort.ascd.msk.u32 $0xffff, v25, v28;
	_ =	sdelay $0xb  }
0x8d: {  	v26, v25, _ =	vpop (xrf1);
	_ =	sdelay $0x1  }
0x8e: {  	v27 =	vxor.u32 $0x80000000, v26;
	v28, v26, _ =	vpop (xrf1)  }
0x8f: {  	[tilespmem:$0x3300] =	vst v27;
	v29 =	vxor.u32 $0x80000000, v28  }
0x90: {  	[tilespmem:$0x3320] =	vst v29  }
0x91: {  	v30 =	vld.idx.msk [tilespmem:v6+s26+$0x0], $0xffff  }
0x92: {  	v31 =	vld.idx.msk [tilespmem:v8+s26+$0x0], $0xffff;
	_ =	sdelay $0x3  }
0x93: {  	v28 =	vshra.s32 v27, $0x10;
	v27 =	vshra.s32 v29, $0x10;
	v29 =	vshra.s32 v30, $0x10  }
0x94: {  	vm0 =	vlt.s32 v28, $0x2300;
	v30 =	vshra.s32 v31, $0x10;
	vm1 =	vne.s32 v28, v29  }
0x95: {  	vm2 =	vlt.s32 v27, $0x2300;
	vm3 =	vne.s32 v27, v30;
	vm0 =	vmand vm0, vm1  }
0x96: {  	s13 =	smov.u32 s20;
	s0 =	simm.s32 $0x80;
	vm1 =	vmand vm2, vm3  }
.LBB2_7:
0x97: {  	_ = 	snop  }
0x98: {  	p0 =	sne.s32 s0, $0x780  }
0x99: {  	s13 =	sadd.s32 $0x20, s13;
	s14 =	smov.u32 s0;
	s0 =	sadd.s32 $0x80, s0  }
0x9a: {  	_ = 	snop  }
0x9b: {  	s14 =	sshra.s32 s14, $0x2;
	[tilespmem:v28+s8+$0x0] =	vst.idx.msk vm0, v25  }
0x9c: {  	[tilespmem:v27+s8+$0x0] =	vst.idx.msk vm1, v26  }
0x9d: {  	v25 =	vld [tilespmem:s14+$0x2500]  }
0x9e: {  	v26 =	vld [tilespmem:s14+$0x2300]  }
0x9f: {  	v27 =	vld [tilespmem:s14+$0x2310]  }
0xa0: {  	v28 =	vld [tilespmem:s14+$0x2510]  }
0xa1: {  	v29 =	vld [tilespmem:s14+$0x2710]  }
0xa2: {  	v30 =	vld [tilespmem:s14+$0x2700]  }
0xa3: {  	v26 =	vshll.u32 v26, $0x1  }
0xa4: {  	v25 =	vadd.s32 v25, v26;
	v26 =	vld [tilespmem:s14+$0x2910];
	v27 =	vshll.u32 v27, $0x1  }
0xa5: {  	v31 =	vld [tilespmem:s14+$0x2900];
	v25 =	vmul.u32 $0xC8, v25;
	v27 =	vadd.s32 v28, v27  }
0xa6: {  	v27 =	vmul.u32 $0xC8, v27  }
0xa7: {  	v25 =	vadd.s32 v30, v25  }
0xa8: {  	v25 =	vmul.u32 $0xB0, v25;
	v27 =	vadd.s32 v29, v27  }
0xa9: {  	v27 =	vmul.u32 $0xB0, v27  }
0xaa: {  	v28 =	vor.u32 s13, v6;
	v29 =	vadd.s32 s13, v7;
	v25 =	vadd.s32 v31, v25  }
0xab: {  	v30 =	vshrl.u32 v25, $0x5;
	v31 =	vand.u32 $0xFF, v25;
	v26 =	vadd.s32 v26, v27  }
0xac: {  	v27 =	vand.u32 $0xFF00, v30;
	v30 =	vshrl.u32 v26, $0x5;
	v32 =	vand.u32 $0xFF, v26  }
0xad: {  	v26 =	vshrl.u32 v26, $0x8;
	v27 =	vor.u32 v31, v27;
	v30 =	vand.u32 $0xFF00, v30  }
0xae: {  	v26 =	vand.u32 $0x1F, v26;
	v27 =	vshll.u32 v27, $0x10;
	v30 =	vor.u32 v32, v30  }
0xaf: {  	v25 =	vshrl.u32 v25, $0x8;
	v27 =	vadd.s32 s13, v27;
	v30 =	vshll.u32 v30, $0x10  }
0xb0: {  	v25 =	vand.u32 $0x1F, v25;
	v27 =	vadd.s32 v3, v27;
	v30 =	vadd.s32 s13, v30  }
0xb1: {  	vm0 =	veq.s32 v25, v0;
	v25 =	vadd.s32 v5, v30;
	v27 =	vxor.u32 $0x80000000, v27  }
0xb2: {  	vm1 =	veq.s32 v26, v0;
	v26 =	vnsel vm0, $0xFFFFFFFF, v27;
	v25 =	vxor.u32 $0x80000000, v25  }
0xb3: {  	v25 =	vnsel vm1, $0xFFFFFFFF, v25;
	(xrf1) =	vsort.ascd.msk.u32 $0xffff, v26, v28  }
0xb4: {  	(xrf1) =	vsort.ascd.msk.u32 $0xffff, v25, v29;
	_ =	sdelay $0xc  }
0xb5: {  	v29, v25, _ =	vpop (xrf1)  }
0xb6: {  	v27 =	vxor.u32 $0x80000000, v29;
	v28, v26, _ =	vpop (xrf1)  }
0xb7: {  	v29 =	vxor.u32 $0x80000000, v28;
	[tilespmem:$0x3300] =	vst v27  }
0xb8: {  	[tilespmem:$0x3320] =	vst v29  }
0xb9: {  	v30 =	vld.idx.msk [tilespmem:v6+s26+$0x0], $0xffff  }
0xba: {  	v31 =	vld.idx.msk [tilespmem:v8+s26+$0x0], $0xffff;
	_ =	sdelay $0x3  }
.Ltmp4:
0xbb: {  	v28 =	vshra.s32 v27, $0x10;
	(pc) =	sbr.rel @p0 .LBB2_7-.Ltmp4, $4  }
0xbc: {  	v27 =	vshra.s32 v29, $0x10;
	vm0 =	vlt.s32 v28, $0x2300;
	v29 =	vshra.s32 v30, $0x10  }
0xbd: {  	vm2 =	vlt.s32 v27, $0x2300;
	vm1 =	vne.s32 v28, v29;
	v29 =	vshra.s32 v31, $0x10  }
0xbe: {  	vm0 =	vmand vm0, vm1;
	vm1 =	vne.s32 v27, v29  }
0xbf: {  	vm1 =	vmand vm2, vm1  }
0xc0: {  	_ =	sdelay $0x2  }
0xc1: {  	p0 =	seq.s32 s12, $0x26  }
0xc2: {  	s0 =	sshll.u32 @!p0 s12, $0x7  }
0xc3: {  	[tilespmem:v28+s8+$0x0] =	vst.idx.msk vm0, v25;
	s0 =	sadd.s32 @!p0 $0x80, s0  }
0xc4: {  	[tilespmem:v27+s8+$0x0] =	vst.idx.msk vm1, v26;
	s14 =	simm.s32 @!p0 $0x0;
	s15 =	simm.s32 @!p0 $0x2300;
	s13 =	sadd.s32 @!p0 s3, s0  }
0xc5: {  	[tilespmem:s15], [sflag:$0x4] =	stream.linear.gather @!p0 [hbm4b:s13+s14], $0x200, $0x200038;
	[tilespmem:$0x1FB80] =	vst v63  }
0xc6: {  	s13 =	sadd.s32 @!p0 s4, s0;
	s15 =	simm.s32 @!p0 $0x2500  }
0xc7: {  	[tilespmem:s15], [sflag:$0x4] =	stream.linear.gather @!p0 [hbm4b:s13+s14], $0x200, $0x200038;
	[tilespmem:$0x1FB80] =	vst v63  }
0xc8: {  	s13 =	sadd.s32 @!p0 s5, s0;
	s15 =	simm.s32 @!p0 $0x2700  }
0xc9: {  	[tilespmem:s15], [sflag:$0x4] =	stream.linear.gather @!p0 [hbm4b:s13+s14], $0x200, $0x200038;
	[tilespmem:$0x1FB80] =	vst v63  }
0xca: {  	s0 =	sadd.s32 @!p0 s6, s0;
	s13 =	simm.s32 @!p0 $0x2900  }
0xcb: {  	[tilespmem:s13], [sflag:$0x4] =	stream.linear.gather @!p0 [hbm4b:s0+s14], $0x200, $0x200038;
	[tilespmem:$0x1FB80] =	vst v63  }
0xcc: {  	_ =	swait.ge [sflag:s28], $0x200  }
0xcd: {  	[sflag:s28] =	ssyncset.done $0x0  }
0xce: {  	[sflag:s28] =	ssyncadd.s32 $0xFFFFFE00  }
0xcf: {  	_ =	swait.ge [sflag:s28], $0x200  }
0xd0: {  	[sflag:s28] =	ssyncset.done $0x0  }
0xd1: {  	[sflag:s28] =	ssyncadd.s32 $0xFFFFFE00  }
0xd2: {  	_ =	swait.ge [sflag:s28], $0x200  }
0xd3: {  	[sflag:s28] =	ssyncset.done $0x0  }
0xd4: {  	[sflag:s28] =	ssyncadd.s32 $0xFFFFFE00  }
0xd5: {  	_ =	swait.ge [sflag:s28], $0x200  }
0xd6: {  	[sflag:s28] =	ssyncset.done $0x0  }
0xd7: {  	s15 =	simm.s32 $0x0;
	[sflag:s28] =	ssyncadd.s32 $0xFFFFFE00  }
0xd8: {  	v26 =	vld [tilespmem:s15+$0x2B00]  }
0xd9: {  	v25 =	vld [tilespmem:s15+$0x2D00]  }
0xda: {  	v27 =	vld [tilespmem:s15+$0x2B10]  }
0xdb: {  	v28 =	vld [tilespmem:s15+$0x2D10]  }
0xdc: {  	v29 =	vld [tilespmem:s15+$0x2F00]  }
0xdd: {  	v26 =	vshll.u32 v26, $0x1  }
0xde: {  	v30 =	vld [tilespmem:s15+$0x2F10];
	v25 =	vadd.s32 v25, v26  }
0xdf: {  	v26 =	vshll.u32 v27, $0x1;
	v27 =	vld [tilespmem:s15+$0x3100];
	v25 =	vmul.u32 $0xC8, v25  }
0xe0: {  	v26 =	vadd.s32 v28, v26  }
0xe1: {  	v28 =	vld [tilespmem:s15+$0x3110];
	v26 =	vmul.u32 $0xC8, v26;
	v25 =	vadd.s32 v29, v25  }
0xe2: {  	v25 =	vmul.u32 $0xB0, v25  }
0xe3: {  	v26 =	vadd.s32 v30, v26  }
0xe4: {  	v26 =	vmul.u32 $0xB0, v26;
	v25 =	vadd.s32 v27, v25  }
0xe5: {  	v27 =	vor.u32 s19, v6;
	v29 =	vshrl.u32 v25, $0x5;
	v30 =	vand.u32 $0xFF, v25  }
0xe6: {  	v26 =	vadd.s32 v28, v26;
	v25 =	vshrl.u32 v25, $0x8;
	v28 =	vand.u32 $0xFF00, v29  }
0xe7: {  	v29 =	vshrl.u32 v26, $0x5;
	v31 =	vand.u32 $0xFF, v26;
	v28 =	vor.u32 v30, v28  }
0xe8: {  	v26 =	vshrl.u32 v26, $0x8;
	v29 =	vand.u32 $0xFF00, v29;
	v28 =	vshll.u32 v28, $0x10  }
0xe9: {  	v25 =	vand.u32 $0x1F, v25;
	v29 =	vor.u32 v31, v29;
	v28 =	vor.u32 s19, v28  }
0xea: {  	v26 =	vand.u32 $0x1F, v26;
	v29 =	vshll.u32 v29, $0x10;
	v28 =	vor.u32 v3, v28  }
0xeb: {  	vm0 =	veq.s32 v25, v0;
	v29 =	vor.u32 s19, v29;
	v28 =	vxor.u32 $0x80000000, v28  }
0xec: {  	vm1 =	veq.s32 v26, v0;
	v25 =	vor.u32 v5, v29;
	v26 =	vnsel vm0, $0xFFFFFFFF, v28  }
0xed: {  	v25 =	vxor.u32 $0x80000000, v25;
	(xrf1) =	vsort.ascd.msk.u32 $0xffff, v26, v27  }
0xee: {  	v28 =	vadd.s32 s19, v7;
	v25 =	vnsel vm1, $0xFFFFFFFF, v25  }
0xef: {  	(xrf1) =	vsort.ascd.msk.u32 $0xffff, v25, v28;
	_ =	sdelay $0xb  }
0xf0: {  	v26, v25, _ =	vpop (xrf1);
	_ =	sdelay $0x1  }
0xf1: {  	v27 =	vxor.u32 $0x80000000, v26;
	v28, v26, _ =	vpop (xrf1)  }
0xf2: {  	[tilespmem:$0x3300] =	vst v27;
	v29 =	vxor.u32 $0x80000000, v28  }
0xf3: {  	[tilespmem:$0x3320] =	vst v29  }
0xf4: {  	v30 =	vld.idx.msk [tilespmem:v6+s26+$0x0], $0xffff  }
0xf5: {  	v31 =	vld.idx.msk [tilespmem:v8+s26+$0x0], $0xffff;
	_ =	sdelay $0x3  }
0xf6: {  	v28 =	vshra.s32 v27, $0x10;
	v27 =	vshra.s32 v29, $0x10;
	v29 =	vshra.s32 v30, $0x10  }
0xf7: {  	vm0 =	vlt.s32 v28, $0x2300;
	v30 =	vshra.s32 v31, $0x10;
	vm1 =	vne.s32 v28, v29  }
0xf8: {  	vm2 =	vlt.s32 v27, $0x2300;
	vm3 =	vne.s32 v27, v30;
	vm0 =	vmand vm0, vm1  }
0xf9: {  	s0 =	simm.s32 $0x80;
	s13 =	smov.u32 s19;
	vm1 =	vmand vm2, vm3  }
.LBB2_9:
0xfa: {  	_ = 	snop  }
0xfb: {  	p0 =	sne.s32 s0, $0x780  }
0xfc: {  	s13 =	sadd.s32 $0x20, s13;
	s14 =	smov.u32 s0;
	s0 =	sadd.s32 $0x80, s0  }
0xfd: {  	_ = 	snop  }
0xfe: {  	s14 =	sshra.s32 s14, $0x2;
	[tilespmem:v28+s8+$0x0] =	vst.idx.msk vm0, v25  }
0xff: {  	[tilespmem:v27+s8+$0x0] =	vst.idx.msk vm1, v26  }
0x100: {  	v25 =	vld [tilespmem:s14+$0x2D00]  }
0x101: {  	v26 =	vld [tilespmem:s14+$0x2B00]  }
0x102: {  	v27 =	vld [tilespmem:s14+$0x2B10]  }
0x103: {  	v28 =	vld [tilespmem:s14+$0x2D10]  }
0x104: {  	v29 =	vld [tilespmem:s14+$0x2F10]  }
0x105: {  	v30 =	vld [tilespmem:s14+$0x2F00]  }
0x106: {  	v26 =	vshll.u32 v26, $0x1  }
0x107: {  	v25 =	vadd.s32 v25, v26;
	v26 =	vld [tilespmem:s14+$0x3110];
	v27 =	vshll.u32 v27, $0x1  }
0x108: {  	v31 =	vld [tilespmem:s14+$0x3100];
	v25 =	vmul.u32 $0xC8, v25;
	v27 =	vadd.s32 v28, v27  }
0x109: {  	v27 =	vmul.u32 $0xC8, v27  }
0x10a: {  	v25 =	vadd.s32 v30, v25  }
0x10b: {  	v25 =	vmul.u32 $0xB0, v25;
	v27 =	vadd.s32 v29, v27  }
0x10c: {  	v27 =	vmul.u32 $0xB0, v27  }
0x10d: {  	v28 =	vor.u32 s13, v6;
	v29 =	vadd.s32 s13, v7;
	v25 =	vadd.s32 v31, v25  }
0x10e: {  	v30 =	vshrl.u32 v25, $0x5;
	v31 =	vand.u32 $0xFF, v25;
	v26 =	vadd.s32 v26, v27  }
0x10f: {  	v27 =	vand.u32 $0xFF00, v30;
	v30 =	vshrl.u32 v26, $0x5;
	v32 =	vand.u32 $0xFF, v26  }
0x110: {  	v26 =	vshrl.u32 v26, $0x8;
	v27 =	vor.u32 v31, v27;
	v30 =	vand.u32 $0xFF00, v30  }
0x111: {  	v26 =	vand.u32 $0x1F, v26;
	v27 =	vshll.u32 v27, $0x10;
	v30 =	vor.u32 v32, v30  }
0x112: {  	v25 =	vshrl.u32 v25, $0x8;
	v27 =	vor.u32 s13, v27;
	v30 =	vshll.u32 v30, $0x10  }
0x113: {  	v25 =	vand.u32 $0x1F, v25;
	v30 =	vor.u32 s13, v30;
	v27 =	vor.u32 v3, v27  }
0x114: {  	vm0 =	veq.s32 v25, v0;
	v25 =	vor.u32 v5, v30;
	v27 =	vxor.u32 $0x80000000, v27  }
0x115: {  	vm1 =	veq.s32 v26, v0;
	v26 =	vnsel vm0, $0xFFFFFFFF, v27;
	v25 =	vxor.u32 $0x80000000, v25  }
0x116: {  	v25 =	vnsel vm1, $0xFFFFFFFF, v25;
	(xrf1) =	vsort.ascd.msk.u32 $0xffff, v26, v28  }
0x117: {  	(xrf1) =	vsort.ascd.msk.u32 $0xffff, v25, v29;
	_ =	sdelay $0xc  }
0x118: {  	v29, v25, _ =	vpop (xrf1)  }
0x119: {  	v27 =	vxor.u32 $0x80000000, v29;
	v28, v26, _ =	vpop (xrf1)  }
0x11a: {  	v29 =	vxor.u32 $0x80000000, v28;
	[tilespmem:$0x3300] =	vst v27  }
0x11b: {  	[tilespmem:$0x3320] =	vst v29  }
0x11c: {  	v30 =	vld.idx.msk [tilespmem:v6+s26+$0x0], $0xffff  }
0x11d: {  	v31 =	vld.idx.msk [tilespmem:v8+s26+$0x0], $0xffff;
	_ =	sdelay $0x3  }
.Ltmp5:
0x11e: {  	v28 =	vshra.s32 v27, $0x10;
	(pc) =	sbr.rel @p0 .LBB2_9-.Ltmp5, $4  }
0x11f: {  	v27 =	vshra.s32 v29, $0x10;
	vm0 =	vlt.s32 v28, $0x2300;
	v29 =	vshra.s32 v30, $0x10  }
0x120: {  	vm2 =	vlt.s32 v27, $0x2300;
	vm1 =	vne.s32 v28, v29;
	v29 =	vshra.s32 v31, $0x10  }
0x121: {  	vm0 =	vmand vm0, vm1;
	vm1 =	vne.s32 v27, v29  }
0x122: {  	vm1 =	vmand vm2, vm1  }
0x123: {  	s12 =	sadd.s32 $0x1, s12  }
0x124: {  	p0 =	sne.s32 s12, $0x27  }
.Ltmp6:
0x125: {  	_ = 	snop;
	(pc) =	sbr.rel @p0 .LBB2_6-.Ltmp6, $3  }
0x126: {  	_ =	sdelay $0x1  }
0x127: {  	[tilespmem:v28+s8+$0x0] =	vst.idx.msk vm0, v25  }
0x128: {  	s20 =	sadd.s32 $0x400, s20;
	s19 =	sadd.s32 $0x400, s19;
	[tilespmem:v27+s8+$0x0] =	vst.idx.msk vm1, v26  }
0x129: {  	s0 =	simm.s32 $0x0;
	s11 =	rddreg [dreg:$0x7]  }
0x12a: {  	[tilespmem:s17], [sflag:$0x4] =	stream.linear.gather [hbm4b:s11+s0], $0x40, $0x200038;
	[tilespmem:$0x1FB80] =	vst v63  }
0x12b: {  	s19 =	rddreg [dreg:$0x8]  }
0x12c: {  	[tilespmem:s18], [sflag:$0x4] =	stream.linear.gather [hbm4b:s19+s0], $0x40, $0x200038;
	[tilespmem:$0x1FB80] =	vst v63  }
0x12d: {  	s20 =	rddreg [dreg:$0x9]  }
0x12e: {  	[tilespmem:s21], [sflag:$0x4] =	stream.linear.gather [hbm4b:s20+s0], $0x40, $0x200038;
	[tilespmem:$0x1FB80] =	vst v63  }
0x12f: {  	s21 =	rddreg [dreg:$0xa]  }
0x130: {  	[tilespmem:s22], [sflag:$0x4] =	stream.linear.gather [hbm4b:s21+s0], $0x40, $0x200038;
	[tilespmem:$0x1FB80] =	vst v63  }
0x131: {  	_ =	swait.ge [sflag:s25], $0x40  }
0x132: {  	[sflag:s25] =	ssyncset.done $0x0  }
0x133: {  	[sflag:s25] =	ssyncadd.s32 $0xFFFFFFC0  }
0x134: {  	_ =	swait.ge [sflag:s25], $0x40  }
0x135: {  	[sflag:s25] =	ssyncset.done $0x0  }
0x136: {  	[sflag:s25] =	ssyncadd.s32 $0xFFFFFFC0  }
0x137: {  	_ =	swait.ge [sflag:s25], $0x40  }
0x138: {  	[sflag:s25] =	ssyncset.done $0x0  }
0x139: {  	[sflag:s25] =	ssyncadd.s32 $0xFFFFFFC0  }
0x13a: {  	_ =	swait.ge [sflag:s25], $0x40  }
0x13b: {  	[sflag:s25] =	ssyncset.done $0x0  }
0x13c: {  	[sflag:s25] =	ssyncadd.s32 $0xFFFFFFC0  }
0x13d: {  	v25 =	vld [tilespmem:$0x2300]  }
0x13e: {  	v26 =	vld [tilespmem:$0x2500]  }
0x13f: {  	v27 =	vld [tilespmem:$0x2700]  }
0x140: {  	v28 =	vld [tilespmem:$0x2310]  }
0x141: {  	v29 =	vld [tilespmem:$0x2510]  }
0x142: {  	v25 =	vshll.u32 v25, $0x1  }
0x143: {  	v30 =	vld [tilespmem:$0x2900];
	v25 =	vadd.s32 v26, v25  }
0x144: {  	v26 =	vld [tilespmem:$0x2710];
	v25 =	vmul.u32 $0xC8, v25  }
0x145: {  	v28 =	vshll.u32 v28, $0x1  }
0x146: {  	v25 =	vadd.s32 v27, v25;
	v27 =	vadd.s32 v29, v28  }
0x147: {  	v50 =	vld [tilespmem:$0x2910];
	v25 =	vmul.u32 $0xB0, v25;
	v27 =	vmul.u32 $0xC8, v27;
	_ =	sdelay $0x1  }
0x148: {  	v25 =	vadd.s32 v30, v25;
	v26 =	vadd.s32 v26, v27  }
0x149: {  	v27 =	vshrl.u32 v25, $0x8;
	v26 =	vmul.u32 $0xB0, v26  }
0x14a: {  	v27 =	vand.u32 $0x1F, v27  }
0x14b: {  	vm0 =	veq.s32 v27, v0;
	v27 =	vshrl.u32 v25, $0x5;
	v26 =	vadd.s32 v50, v26  }
0x14c: {  	v25 =	vand.u32 $0xFF, v25;
	v27 =	vand.u32 $0xFF00, v27;
	v28 =	vshrl.u32 v26, $0x5  }
0x14d: {  	v51 =	vand.u32 $0xFF, v26;
	v25 =	vor.u32 v25, v27;
	v27 =	vand.u32 $0xFF00, v28  }
0x14e: {  	v26 =	vshrl.u32 v26, $0x8;
	v25 =	vshll.u32 v25, $0x10;
	v27 =	vor.u32 v51, v27  }
0x14f: {  	v26 =	vand.u32 $0x1F, v26;
	v27 =	vshll.u32 v27, $0x10;
	v25 =	vxor.u32 v9, v25  }
0x150: {  	vm1 =	veq.s32 v26, v0;
	v25 =	vnsel vm0, $0xFFFFFFFF, v25;
	v26 =	vxor.u32 v11, v27  }
0x151: {  	(xrf1) =	vsort.ascd.msk.u32 $0xffff, v25, v10;
	v25 =	vnsel vm1, $0xFFFFFFFF, v26  }
0x152: {  	(xrf1) =	vsort.ascd.msk.u32 $0xffff, v25, v12;
	_ =	sdelay $0xc  }
0x153: {  	v25, v26, _ =	vpop (xrf1)  }
0x154: {  	v25 =	vxor.u32 $0x80000000, v25;
	v27, v52, _ =	vpop (xrf1)  }
0x155: {  	v27 =	vxor.u32 $0x80000000, v27;
	[tilespmem:$0x3300] =	vst v25  }
0x156: {  	[tilespmem:$0x3320] =	vst v27  }
0x157: {  	v53 =	vld.idx.msk [tilespmem:v6+s26+$0x0], $0xffff  }
0x158: {  	v54 =	vld.idx.msk [tilespmem:v8+s26+$0x0], $0xffff;
	_ =	sdelay $0x3  }
0x159: {  	v25 =	vshra.s32 v25, $0x10;
	v27 =	vshra.s32 v27, $0x10;
	v29 =	vshra.s32 v53, $0x10  }
0x15a: {  	vm7 =	vlt.s32 v25, $0x2300;
	v55 =	vshra.s32 v54, $0x10;
	vm8 =	vne.s32 v25, v29  }
0x15b: {  	vm9 =	vlt.s32 v27, $0x2300;
	vm2 =	vne.s32 v27, v55;
	vm0 =	vmand vm7, vm8  }
0x15c: {  	vm1 =	vmand vm9, vm2;
	_ =	sdelay $0x4  }
0x15d: {  	[tilespmem:v25+s0+$0x0] =	vst.idx.msk vm0, v26  }
0x15e: {  	[tilespmem:v27+s0+$0x0] =	vst.idx.msk vm1, v52  }
0x15f: {  	v25 =	vld [tilespmem:$0x2320]  }
0x160: {  	v26 =	vld [tilespmem:$0x2520]  }
0x161: {  	v27 =	vld [tilespmem:$0x2720]  }
0x162: {  	v28 =	vld [tilespmem:$0x2330]  }
0x163: {  	v56 =	vld [tilespmem:$0x2530]  }
0x164: {  	v25 =	vshll.u32 v25, $0x1  }
0x165: {  	v57 =	vld [tilespmem:$0x2920];
	v25 =	vadd.s32 v26, v25  }
0x166: {  	v26 =	vld [tilespmem:$0x2730];
	v25 =	vmul.u32 $0xC8, v25  }
0x167: {  	v28 =	vshll.u32 v28, $0x1  }
0x168: {  	v25 =	vadd.s32 v27, v25;
	v27 =	vadd.s32 v56, v28  }
0x169: {  	v58 =	vld [tilespmem:$0x2930];
	v25 =	vmul.u32 $0xB0, v25;
	v27 =	vmul.u32 $0xC8, v27;
	_ =	sdelay $0x1  }
0x16a: {  	v25 =	vadd.s32 v57, v25;
	v26 =	vadd.s32 v26, v27  }
0x16b: {  	v27 =	vshrl.u32 v25, $0x8;
	v26 =	vmul.u32 $0xB0, v26  }
0x16c: {  	v27 =	vand.u32 $0x1F, v27  }
0x16d: {  	vm10 =	veq.s32 v27, v0;
	v27 =	vshrl.u32 v25, $0x5;
	v26 =	vadd.s32 v58, v26  }
0x16e: {  	v25 =	vand.u32 $0xFF, v25;
	v27 =	vand.u32 $0xFF00, v27;
	v28 =	vshrl.u32 v26, $0x5  }
0x16f: {  	v59 =	vand.u32 $0xFF, v26;
	v25 =	vor.u32 v25, v27;
	v27 =	vand.u32 $0xFF00, v28  }
0x170: {  	v26 =	vshrl.u32 v26, $0x8;
	v25 =	vshll.u32 v25, $0x10;
	v27 =	vor.u32 v59, v27  }
0x171: {  	v26 =	vand.u32 $0x1F, v26;
	v27 =	vshll.u32 v27, $0x10;
	v25 =	vxor.u32 v13, v25  }
0x172: {  	vm11 =	veq.s32 v26, v0;
	v25 =	vnsel vm10, $0xFFFFFFFF, v25;
	v26 =	vxor.u32 v15, v27  }
0x173: {  	(xrf1) =	vsort.ascd.msk.u32 $0xffff, v25, v14;
	v25 =	vnsel vm11, $0xFFFFFFFF, v26  }
0x174: {  	(xrf1) =	vsort.ascd.msk.u32 $0xffff, v25, v16;
	_ =	sdelay $0xc  }
0x175: {  	v25, v26, _ =	vpop (xrf1)  }
0x176: {  	v25 =	vxor.u32 $0x80000000, v25;
	v27, v60, _ =	vpop (xrf1)  }
0x177: {  	v27 =	vxor.u32 $0x80000000, v27;
	[tilespmem:$0x3300] =	vst v25  }
0x178: {  	[tilespmem:$0x3320] =	vst v27  }
0x179: {  	v61 =	vld.idx.msk [tilespmem:v6+s26+$0x0], $0xffff  }
0x17a: {  	v62 =	vld.idx.msk [tilespmem:v8+s26+$0x0], $0xffff;
	_ =	sdelay $0x3  }
0x17b: {  	v25 =	vshra.s32 v25, $0x10;
	v27 =	vshra.s32 v27, $0x10;
	v29 =	vshra.s32 v61, $0x10  }
0x17c: {  	vm12 =	vlt.s32 v25, $0x2300;
	v63 =	vshra.s32 v62, $0x10;
	vm13 =	vne.s32 v25, v29  }
0x17d: {  	vm14 =	vlt.s32 v27, $0x2300;
	vm15 =	vne.s32 v27, v63;
	vm0 =	vmand vm12, vm13  }
0x17e: {  	vm1 =	vmand vm14, vm15;
	_ =	sdelay $0x4  }
0x17f: {  	[tilespmem:v25+s0+$0x0] =	vst.idx.msk vm0, v26  }
0x180: {  	[tilespmem:v27+s0+$0x0] =	vst.idx.msk vm1, v60  }
0x181: {  	s12 =	simm.s32 $0x0;
	_ =	strace $0x90000048  }
0x182: {  	s11 =	simm.s32 $0x0;
	_ =	strace $0x80000049;
	[smem:$0x0] =	sst s0  }
.LBB2_12:
0x183: {  	s13 =	sshll.u32 s12, $0xA  }
0x184: {  	s22 =	sand.u32 $0x80, s0;
	s14 =	sshra.s32 s13, $0x2  }
0x185: {  	s15 =	sand.u32 $0x70, s0;
	s13 =	sadd.s32 s22, s14  }
0x186: {  	s13 =	sadd.s32 s15, s13  }
0x187: {  	v25 =	vld [tilespmem:s13+$0x0];
	_ =	sdelay $0x4  }
0x188: {  	vm0 =	vgt.s32 v25, $0x0  }
0x189: {  	v26 =	vmpcnt.ones.xlane vm0;
	_ =	sdelay $0x1  }
0x18a: {  	v26 =	vxor.u32 $0x80000000, v26  }
0x18b: {  	(xrf0) =	vmax.scan.msk.u32 $0xffff, v26;
	_ =	sdelay $0x4  }
0x18c: {  	s13 =	simm.s32 $0x10  }
0x18d: {  	v27 =	vor.u32 s0, v3;
	s15 =	simm.s32 $0x20;
	s16 =	sand.u32 $0x80, s13;
	v25 =	vadd.s32 $0xFFFFFFFF, v25;
	v26, _, _ =	vpop (xrf0)  }
.LBB2_13:
0x18e: {  	p0 =	sne.s32 s15, $0xF0;
	s17 =	sand.u32 $0x70, s13;
	s16 =	sadd.s32 s16, s14;
	[tilespmem:s11+$0x3380] =	vst.msk vm0, v27;
	(v2sf) =	vpush v26, $0xF  }
0x18f: {  	s16 =	sadd.s32 s17, s16;
	[tilespmem:s11+$0x5780] =	vst.msk vm0, v25;
	s17 =	smov.u32 s13;
	s13 =	smov.u32 s15  }
0x190: {  	v25 =	vld [tilespmem:s16+$0x0];
	_ =	sdelay $0x4  }
0x191: {  	vm0 =	vgt.s32 v25, $0x0;
	v25 =	vadd.s32 $0xFFFFFFFF, v25  }
0x192: {  	v26 =	vmpcnt.ones.xlane vm0;
	_ =	sdelay $0x1  }
0x193: {  	v26 =	vxor.u32 $0x80000000, v26  }
0x194: {  	(xrf0) =	vmax.scan.msk.u32 $0xffff, v26;
	_ =	sdelay $0x1  }
.Ltmp7:
0x195: {  	(pc) =	sbr.rel @p0 .LBB2_13-.Ltmp7, $4  }
0x196: {  	_ = 	snop  }
0x197: {  	s16 =	spop (v2sf)  }
0x198: {  	s11 =	sadd.s32 s16, s11  }
0x199: {  	s15 =	sadd.s32 $0x10, s15;
	v27 =	vor.u32 s17, v3;
	s16 =	sand.u32 $0x80, s13;
	v26, _, _ =	vpop (xrf0);
	s11 =	sadd.s32 $0x80000000, s11  }
0x19a: {  	s15 =	sand.u32 $0x70, s13;
	s14 =	sadd.s32 s16, s14;
	[tilespmem:s11+$0x3380] =	vst.msk vm0, v27  }
0x19b: {  	s14 =	sadd.s32 s15, s14;
	[tilespmem:s11+$0x5780] =	vst.msk vm0, v25  }
0x19c: {  	v25 =	vld [tilespmem:s14+$0x0];
	_ =	sdelay $0x4  }
0x19d: {  	vm15 =	vgt.s32 v25, $0x0  }
0x19e: {  	v27 =	vmpcnt.ones.xlane vm15;
	_ =	sdelay $0x1  }
0x19f: {  	v27 =	vxor.u32 $0x80000000, v27  }
0x1a0: {  	(xrf0) =	vmax.scan.msk.u32 $0xffff, v27;
	_ =	sdelay $0x4  }
0x1a1: {  	(v2sf) =	vpush v26, $0xF  }
0x1a2: {  	v26, _, _ =	vpop (xrf0)  }
0x1a3: {  	(v2sf) =	vpush v26, $0xF;
	_ =	sdelay $0xb  }
0x1a4: {  	s22 =	sadd.s32 $0x1, s12  }
0x1a5: {  	p0 =	seq.s32 s22, s9;
	s19 =	spop (v2sf)  }
.Ltmp8:
0x1a6: {  	s20 =	sadd.s32 s19, s11;
	(pc) =	sbr.rel @!p0 .LBB2_12-.Ltmp8, $4  }
0x1a7: {  	s14 =	sadd.s32 $0x80000000, s20;
	s21 =	spop (v2sf)  }
0x1a8: {  	v26 =	vor.u32 s13, v3;
	s11 =	sadd.s32 s21, s14  }
0x1a9: {  	v25 =	vadd.s32 $0xFFFFFFFF, v25;
	[tilespmem:s14+$0x3380] =	vst.msk vm15, v26;
	s11 =	sadd.s32 $0x80000000, s11  }
0x1aa: {  	[tilespmem:s14+$0x5780] =	vst.msk vm15, v25;
	[smem:s12+$0x1] =	sst s11;
	s12 =	smov.u32 s22  }
0x1ab: {  	s12 =	rddreg [dreg:$0xc]  }
0x1ac: {  	p0 =	seq.s32 s12, $0x8C  }
.Ltmp9:
0x1ad: {  	_ = 	snop;
	(pc) =	sbr.rel @p0 .LBB2_17-.Ltmp9, $2  }
0x1ae: {  	_ =	sdelay $0x2  }
0x1af: {  	s0 =	sadd.s32 $0x4, s12;
	s12 =	sshra.s32 s12, $0x2  }
.LBB2_16:
0x1b0: {  	p0 =	seq.s32 s0, $0x8C  }
0x1b1: {  	[smem:s12+$0x1] =	sst s11;
	s12 =	smov.u32 s0;
	s0 =	sadd.s32 $0x4, s0  }
.Ltmp10:
0x1b2: {  	(pc) =	sbr.rel @!p0 .LBB2_16-.Ltmp10, $2  }
0x1b3: {  	_ =	sdelay $0x2  }
0x1b4: {  	s12 =	sshra.s32 s12, $0x2  }
.LBB2_17:
0x1b5: {  	[tilespmem:s11+$0x5780] =	vst v1  }
0x1b6: {  	[tilespmem:s11+$0x5790] =	vst v1  }
0x1b7: {  	[tilespmem:s11+$0x57A0] =	vst v1  }
0x1b8: {  	[tilespmem:s11+$0x57B0] =	vst v1  }
0x1b9: {  	[tilespmem:s11+$0x57C0] =	vst v1  }
0x1ba: {  	[tilespmem:s11+$0x57D0] =	vst v1  }
0x1bb: {  	[tilespmem:s11+$0x57E0] =	vst v1  }
0x1bc: {  	[tilespmem:s11+$0x57F0] =	vst v1  }
0x1bd: {  	[tilespmem:s11+$0x5800] =	vst v1  }
0x1be: {  	[tilespmem:s11+$0x5810] =	vst v1  }
0x1bf: {  	[tilespmem:s11+$0x5820] =	vst v1  }
0x1c0: {  	[tilespmem:s11+$0x5830] =	vst v1  }
0x1c1: {  	[tilespmem:s11+$0x5840] =	vst v1  }
0x1c2: {  	[tilespmem:s11+$0x5850] =	vst v1  }
0x1c3: {  	[smem:s12+$0x1] =	sst s11;
	s0 =	sadd.s32 $0x1F, s11;
	[tilespmem:s11+$0x5860] =	vst v1  }
0x1c4: {  	[tilespmem:s11+$0x5870] =	vst v1;
	s11 =	simm.s32 $0x1;
	s21 =	sand.u32 $0x1F, s0;
	s13 =	sshra.s32 s0, $0x1F  }
.Ltmp11:
0x1c5: {  	p0 =	slt.s32 s0, $0x1;
	p1 =	sne.s32 s21, $0x0;
	(pc) =	sbr.rel .LBB2_18-.Ltmp11, $4  }
0x1c6: {  	s15 =	simm.s32 $0x0;
	s22 =	sshrl.u32 s13, $0x1B;
	p0 =	por !p0, !p1  }
0x1c7: {  	s20 =	simm.s32 $0x0;
	s0 =	sadd.s32 s22, s0;
	p0 =	por !p0, !p0  }
0x1c8: {  	_ =	strace $0x90000049;
	s0 =	sshra.s32 s0, $0x5;
	s11 =	simm.s32 @!p0 $0x0  }
0x1c9: {  	_ =	strace $0x8000004A;
	s22 =	simm.s32 $0x0;
	s19 =	ssub.s32 s0, s11  }
.LBB2_50:
0x1ca: {  	_ =	sdelay $0x3  }
0x1cb: {  	[tilespmem:v26+s7+$0x0] =	vst.idx.msk $0xffff, v25  }
.LBB2_51:
0x1cc: {  	p0 =	sge.u32 s0, s9  }
0x1cd: {  	s0 =	sshll.u32 @!p0 s0, $0x5  }
0x1ce: {  	s0 =	sor.u32 @!p0 s1, s0  }
0x1cf: {  	s11 =	smulhi.u32 @!p0 $0x77280773, s0;
	_ =	sdelay $0x1  }
0x1d0: {  	s11 =	sshrl.u32 @!p0 s11, $0x7  }
0x1d1: {  	s12 =	smul.u32 @!p0 $0x113, s11;
	_ =	sdelay $0x1  }
0x1d2: {  	s11 =	smul.u32 @!p0 $0x898000, s11;
	s0 =	ssub.s32 @!p0 s0, s12  }
0x1d3: {  	s0 =	sshll.u32 @!p0 s0, $0xB  }
0x1d4: {  	s0 =	sadd.s32 @!p0 s0, s11  }
0x1d5: {  	s20 =	sadd.s32 $0x1, s20;
	s13 =	simm.s32 @!p0 $0x17B80;
	s0 =	sshrl.u32 @!p0 s0, $0x3  }
0x1d6: {  	s12 =	simm.s32 @!p0 $0x89800;
	s11 =	simm.s32 @!p0 $0x800;
	s0 =	sadd.s32 @!p0 s10, s0  }
0x1d7: {  	[hbm4b:s0+s11] =	stream.strided.scatter @!p0 [tilespmem:s13], [sflag:$0x3], $0x8000, s12, s11, $0x200038;
	[tilespmem:$0x1FB80] =	vst v63  }
0x1d8: {  	p0 =	sne.s32 s20, $0x12  }
.Ltmp12:
0x1d9: {  	_ = 	snop;
	(pc) =	sbr.rel @!p0 .LBB2_52-.Ltmp12, $1  }
0x1da: {  	_ =	sdelay $0x3  }
.LBB2_18:
0x1db: {  	s14 =	sshll.u32 s20, $0x1;
	p0 =	seq.s32 s20, $0x0  }
0x1dc: {  	p1 =	sge.u32 @!p0 s14, s9  }
0x1dd: {  	p1 =	por p0, p1  }
0x1de: {  	s0 =	sshllo.u32 s20, $0x1;
	s12 =	sld [smem:s14+$0x0];
	s13 =	simm.s32 @!p1 $0x2  }
0x1df: {  	s0 =	sld [smem:s0+$0x0];
	_ =	swait.ge @!p1 [sflag:s13], $0x8000  }
0x1e0: {  	[sflag:s13] =	ssyncset.done @!p1 $0x0  }
0x1e1: {  	[sflag:s13] =	ssyncadd.s32 @!p1 $0xFFFF8000  }
0x1e2: {  	s16 =	sld @!p1 [smem:s14+$0xFFFFFFFE]  }
0x1e3: {  	s17 =	sld @!p1 [smem:s14+$0xFFFFFFFF];
	_ =	sdelay $0x2  }
0x1e4: {  	p2 =	sle.s32 @!p1 s17, s16  }
0x1e5: {  	p1 =	por p1, p2  }
.Ltmp13:
0x1e6: {  	_ = 	snop;
	(pc) =	sbr.rel @p1 .LBB2_22-.Ltmp13, $1  }
0x1e7: {  	_ =	sdelay $0x3  }
0x1e8: {  	s13 =	sshll.u32 s16, $0x2  }
0x1e9: {  	s13 =	sshra.s32 s13, $0x2  }
0x1ea: {  	s13 =	sadd.s32 $0x3380, s13  }
0x1eb: {  	v25 =	vld.msk [tilespmem:s13+$0x0 ss:$0x0], $0xffff;
	_ =	sdelay $0x4  }
0x1ec: {  	v26 =	vshll.u32 v25, $0x3  }
0x1ed: {  	v25 =	vand.u32 $0x7F, v25;
	v26 =	vand.u32 $0xFFFFFC00, v26  }
0x1ee: {  	v25 =	vor.u32 v25, v26  }
0x1ef: {  	v26 =	vadd.s32 v17, v25  }
0x1f0: {  	v27 =	vadd.s32 v18, v25  }
0x1f1: {  	v28 =	vadd.s32 v19, v25  }
0x1f2: {  	v29 =	vadd.s32 v20, v25  }
0x1f3: {  	v30 =	vadd.s32 v21, v25  }
0x1f4: {  	s21 =	ssub.s32 s17, s16;
	[tilespmem:v26+s30+$0x0] =	vst.idx.msk $0xffff, v4;
	v26 =	vadd.s32 v22, v25  }
0x1f5: {  	p1 =	sne.s32 s21, $0x1;
	[tilespmem:v27+s30+$0x0] =	vst.idx.msk $0xffff, v4;
	v27 =	vadd.s32 v23, v25  }
.Ltmp14:
0x1f6: {  	v25 =	vadd.s32 v24, v25;
	[tilespmem:v28+s30+$0x0] =	vst.idx.msk $0xffff, v4;
	(pc) =	sbr.rel @!p1 .LBB2_21-.Ltmp14, $4  }
0x1f7: {  	[tilespmem:v29+s30+$0x0] =	vst.idx.msk $0xffff, v4  }
0x1f8: {  	[tilespmem:v30+s30+$0x0] =	vst.idx.msk $0xffff, v4  }
0x1f9: {  	[tilespmem:v26+s30+$0x0] =	vst.idx.msk $0xffff, v4  }
0x1fa: {  	s16 =	sadd.s32 $0xFFFFFFFF, s21;
	[tilespmem:v27+s30+$0x0] =	vst.idx.msk $0xffff, v4  }
.LBB2_20:
0x1fb: {  	p1 =	sne.s32 s16, $0x1;
	s16 =	sadd.s32 $0xFFFFFFFF, s16;
	[tilespmem:v25+s30+$0x0] =	vst.idx.msk $0xffff, v4;
	s13 =	sadd.s32 $0x1, s13  }
0x1fc: {  	v25 =	vld.msk [tilespmem:s13+$0x0 ss:$0x0], $0xffff;
	_ =	sdelay $0x5  }
0x1fd: {  	v26 =	vshll.u32 v25, $0x3  }
0x1fe: {  	v25 =	vand.u32 $0x7F, v25;
	v26 =	vand.u32 $0xFFFFFC00, v26  }
0x1ff: {  	v25 =	vor.u32 v25, v26  }
0x200: {  	v26 =	vadd.s32 v17, v25  }
0x201: {  	v27 =	vadd.s32 v18, v25  }
0x202: {  	v28 =	vadd.s32 v19, v25  }
0x203: {  	v29 =	vadd.s32 v20, v25  }
0x204: {  	v30 =	vadd.s32 v21, v25  }
0x205: {  	[tilespmem:v26+s30+$0x0] =	vst.idx.msk $0xffff, v4;
	v26 =	vadd.s32 v22, v25  }
0x206: {  	[tilespmem:v27+s30+$0x0] =	vst.idx.msk $0xffff, v4;
	v27 =	vadd.s32 v23, v25  }
.Ltmp15:
0x207: {  	v25 =	vadd.s32 v24, v25;
	[tilespmem:v28+s30+$0x0] =	vst.idx.msk $0xffff, v4;
	(pc) =	sbr.rel @p1 .LBB2_20-.Ltmp15, $4  }
0x208: {  	[tilespmem:v29+s30+$0x0] =	vst.idx.msk $0xffff, v4  }
0x209: {  	[tilespmem:v30+s30+$0x0] =	vst.idx.msk $0xffff, v4  }
0x20a: {  	[tilespmem:v26+s30+$0x0] =	vst.idx.msk $0xffff, v4  }
0x20b: {  	[tilespmem:v27+s30+$0x0] =	vst.idx.msk $0xffff, v4  }
.LBB2_21:
0x20c: {  	_ =	sdelay $0x3  }
0x20d: {  	[tilespmem:v25+s30+$0x0] =	vst.idx.msk $0xffff, v4  }
.LBB2_22:
0x20e: {  	s17 =	sshll.u32 s22, $0x5  }
0x20f: {  	s13 =	sadd.s32 $0x80, s0;
	p1 =	sge.s32 s22, s19;
	s16 =	sadd.s32 $0xFFFFFF20, s17  }
0x210: {  	p2 =	slt.s32 s22, $0x8;
	p4 =	sge.s32 @!p1 s17, s13;
	p3 =	sle.s32 s16, s12  }
0x211: {  	p3 =	por p2, p3;
	p2 =	por p1, p4  }
0x212: {  	p3 =	por p2, !p3  }
.Ltmp16:
0x213: {  	_ = 	snop;
	(pc) =	sbr.rel @p3 .LBB2_23-.Ltmp16, $1  }
0x214: {  	_ =	sdelay $0x3  }
0x215: {  	s16 =	sshll.u32 s22, $0x7  }
0x216: {  	s16 =	sshra.s32 s16, $0x2  }
0x217: {  	s17 =	sadd.s32 $0xFFFFFF40, s17;
	s18 =	sshll.u32 s22, $0xC;
	s16 =	sadd.s32 $0x5780, s16  }
.LBB2_25:
0x218: {  	s21 =	sand.u32 $0x7000, s18  }
0x219: {  	s11 =	smov.u32 s22;
	s22 =	sadd.s32 $0x1, s22;
	s21 =	sadd.s32 $0x7B80, s21  }
0x21a: {  	[tilespmem:s21], [sflag:$0x1] =	stream.indirect.gather [hbm4b:s2+s31], $0x80, s16, s31, $0x2000b8;
	[tilespmem:$0x1FB80] =	vst v63  }
0x21b: {  	p1 =	sge.s32 s22, s19;
	s21 =	sadd.s32 $0xE0, s17  }
0x21c: {  	p3 =	sle.s32 s17, s12;
	p2 =	slt.s32 s11, $0x7;
	p4 =	sge.s32 @!p1 s21, s13  }
0x21d: {  	p3 =	por p2, p3;
	p2 =	por p1, p4  }
0x21e: {  	p3 =	por p2, !p3  }
.Ltmp17:
0x21f: {  	_ = 	snop;
	(pc) =	sbr.rel @!p3 .LBB2_25-.Ltmp17, $2  }
0x220: {  	_ =	sdelay $0x2  }
0x221: {  	s18 =	sadd.s32 $0x1000, s18;
	s16 =	sadd.s32 $0x20, s16;
	s17 =	sadd.s32 $0x20, s17  }
.Ltmp18:
0x222: {  	(pc) =	sbr.rel .LBB2_27-.Ltmp18, $4  }
0x223: {  	_ = 	snop  }
0x224: {  	s11 =	smov.u32 s22  }
0x225: {  	s11 =	smov.u32 @p1 s22  }
0x226: {  	s22 =	smov.u32 @p2 s11  }
.LBB2_23:
0x227: {  	s13 =	smov.u32 s22  }
0x228: {  	s13 =	smov.u32 @p1 s22  }
0x229: {  	s22 =	smov.u32 @p2 s13  }
.LBB2_27:
0x22a: {  	s11 =	sadd.s32 $0x1F, s0  }
0x22b: {  	s13 =	sand.u32 $0x1F, s11  }
0x22c: {  	s16 =	sshra.s32 s11, $0x1F;
	p1 =	slt.s32 s11, $0x1;
	p2 =	sne.s32 s13, $0x0  }
0x22d: {  	s21 =	sshrl.u32 s16, $0x1B;
	p1 =	por !p1, !p2  }
0x22e: {  	s13 =	simm.s32 $0x1;
	s11 =	sadd.s32 s21, s11;
	p1 =	por !p1, !p1  }
0x22f: {  	s16 =	sshra.s32 s11, $0x5;
	s13 =	simm.s32 @!p1 $0x0  }
0x230: {  	s13 =	ssub.s32 s16, s13  }
0x231: {  	p2 =	sge.s32 s15, s13  }
.Ltmp19:
0x232: {  	_ = 	snop;
	(pc) =	sbr.rel @p2 .LBB2_28-.Ltmp19, $1  }
0x233: {  	_ =	sdelay $0x3  }
0x234: {  	s11 =	simm.s32 $0xFFFFFFFF  }
0x235: {  	s11 =	simm.s32 @!p1 $0x0  }
0x236: {  	s11 =	sadd.s32 s11, s16  }
0x237: {  	s15 =	ssub.s32 s11, s15  }
0x238: {  	p1 =	seq.s32 s15, $0x1  }
.Ltmp20:
0x239: {  	_ = 	snop;
	(pc) =	sbr.rel @p1 .LBB2_41-.Ltmp20, $3  }
0x23a: {  	_ =	sdelay $0x1  }
0x23b: {  	_ =	swait.ge [sflag:s29], $0x1000  }
0x23c: {  	[sflag:s29] =	ssyncset.done $0x0;
	s15 =	sadd.s32 $0xFFFFFFFF, s15  }
.LBB2_40:
0x23d: {  	p1 =	seq.s32 s15, $0x1;
	s15 =	sadd.s32 $0xFFFFFFFF, s15;
	[sflag:s29] =	ssyncadd.s32 $0xFFFFF000  }
.Ltmp21:
0x23e: {  	(pc) =	sbr.rel @!p1 .LBB2_40-.Ltmp21, $3  }
0x23f: {  	_ =	sdelay $0x1  }
0x240: {  	_ =	swait.ge [sflag:s29], $0x1000  }
0x241: {  	[sflag:s29] =	ssyncset.done $0x0  }
.LBB2_41:
.Ltmp22:
0x242: {  	(pc) =	sbr.rel .LBB2_29-.Ltmp22, $2  }
0x243: {  	_ =	sdelay $0x2  }
0x244: {  	[sflag:s29] =	ssyncadd.s32 $0xFFFFF000  }
.LBB2_28:
0x245: {  	s13 =	smov.u32 s15  }
.LBB2_29:
0x246: {  	p1 =	sle.s32 s0, s12  }
.Ltmp23:
0x247: {  	_ = 	snop;
	(pc) =	sbr.rel @p1 .LBB2_33-.Ltmp23, $1  }
0x248: {  	_ =	sdelay $0x3  }
0x249: {  	s11 =	sshll.u32 s12, $0x2  }
0x24a: {  	s11 =	sshra.s32 s11, $0x2  }
0x24b: {  	s15 =	sadd.s32 $0x3380, s11  }
0x24c: {  	v25 =	vld.msk [tilespmem:s15+$0x0 ss:$0x0], $0xffff;
	_ =	sdelay $0x4  }
0x24d: {  	v26 =	vshll.u32 v25, $0x3  }
0x24e: {  	s16 =	ssub.s32 s0, s12;
	s0 =	sshll.u32 s12, $0x7;
	v25 =	vand.u32 $0x7F, v25;
	v26 =	vand.u32 $0xFFFFFC00, v26  }
0x24f: {  	s21 =	sand.u32 $0x7F80, s0;
	v26 =	vor.u32 v25, v26  }
0x250: {  	v25 =	vld [tilespmem:s21+$0x7B80];
	v27 =	vadd.s32 v17, v26;
	_ =	sdelay $0x4  }
0x251: {  	[tilespmem:v27+s30+$0x0] =	vst.idx.msk $0xffff, v25  }
0x252: {  	v27 =	vadd.s32 v18, v26;
	v25 =	vld [tilespmem:s21+$0x7B90];
	_ =	sdelay $0x4  }
0x253: {  	[tilespmem:v27+s30+$0x0] =	vst.idx.msk $0xffff, v25  }
0x254: {  	v27 =	vadd.s32 v19, v26;
	v25 =	vld [tilespmem:s21+$0x7BA0];
	_ =	sdelay $0x4  }
0x255: {  	[tilespmem:v27+s30+$0x0] =	vst.idx.msk $0xffff, v25  }
0x256: {  	v27 =	vadd.s32 v20, v26;
	v25 =	vld [tilespmem:s21+$0x7BB0];
	_ =	sdelay $0x4  }
0x257: {  	[tilespmem:v27+s30+$0x0] =	vst.idx.msk $0xffff, v25  }
0x258: {  	v27 =	vadd.s32 v21, v26;
	v25 =	vld [tilespmem:s21+$0x7BC0];
	_ =	sdelay $0x4  }
0x259: {  	[tilespmem:v27+s30+$0x0] =	vst.idx.msk $0xffff, v25  }
0x25a: {  	v27 =	vadd.s32 v22, v26;
	v25 =	vld [tilespmem:s21+$0x7BD0];
	_ =	sdelay $0x4  }
0x25b: {  	[tilespmem:v27+s30+$0x0] =	vst.idx.msk $0xffff, v25  }
0x25c: {  	v27 =	vadd.s32 v23, v26;
	v25 =	vld [tilespmem:s21+$0x7BE0]  }
0x25d: {  	p1 =	sne.s32 s16, $0x1  }
.Ltmp24:
0x25e: {  	_ = 	snop;
	(pc) =	sbr.rel @!p1 .LBB2_32-.Ltmp24, $3  }
0x25f: {  	_ =	sdelay $0x1  }
0x260: {  	[tilespmem:v27+s30+$0x0] =	vst.idx.msk $0xffff, v25  }
0x261: {  	s16 =	sadd.s32 $0xFFFFFFFF, s16;
	v26 =	vadd.s32 v24, v26;
	v25 =	vld [tilespmem:s21+$0x7BF0]  }
.LBB2_31:
0x262: {  	_ =	sdelay $0x3  }
0x263: {  	p1 =	sne.s32 s16, $0x1;
	s0 =	sadd.s32 $0x80, s0;
	s15 =	sadd.s32 $0x1, s15;
	[tilespmem:v26+s30+$0x0] =	vst.idx.msk $0xffff, v25  }
0x264: {  	s16 =	sadd.s32 $0xFFFFFFFF, s16;
	v25 =	vld.msk [tilespmem:s15+$0x0 ss:$0x0], $0xffff;
	_ =	sdelay $0x5  }
0x265: {  	v26 =	vshll.u32 v25, $0x3  }
0x266: {  	v25 =	vand.u32 $0x7F, v25;
	v26 =	vand.u32 $0xFFFFFC00, v26  }
0x267: {  	s17 =	sand.u32 $0x7F80, s0;
	v26 =	vor.u32 v25, v26  }
0x268: {  	v27 =	vadd.s32 v17, v26;
	v25 =	vld [tilespmem:s17+$0x7B80];
	_ =	sdelay $0x4  }
0x269: {  	[tilespmem:v27+s30+$0x0] =	vst.idx.msk $0xffff, v25  }
0x26a: {  	v27 =	vadd.s32 v18, v26;
	v25 =	vld [tilespmem:s17+$0x7B90];
	_ =	sdelay $0x4  }
0x26b: {  	[tilespmem:v27+s30+$0x0] =	vst.idx.msk $0xffff, v25  }
0x26c: {  	v27 =	vadd.s32 v19, v26;
	v25 =	vld [tilespmem:s17+$0x7BA0];
	_ =	sdelay $0x4  }
0x26d: {  	[tilespmem:v27+s30+$0x0] =	vst.idx.msk $0xffff, v25  }
0x26e: {  	v27 =	vadd.s32 v20, v26;
	v25 =	vld [tilespmem:s17+$0x7BB0];
	_ =	sdelay $0x4  }
0x26f: {  	[tilespmem:v27+s30+$0x0] =	vst.idx.msk $0xffff, v25  }
0x270: {  	v27 =	vadd.s32 v21, v26;
	v25 =	vld [tilespmem:s17+$0x7BC0];
	_ =	sdelay $0x4  }
0x271: {  	[tilespmem:v27+s30+$0x0] =	vst.idx.msk $0xffff, v25  }
0x272: {  	v27 =	vadd.s32 v22, v26;
	v25 =	vld [tilespmem:s17+$0x7BD0];
	_ =	sdelay $0x4  }
0x273: {  	[tilespmem:v27+s30+$0x0] =	vst.idx.msk $0xffff, v25  }
0x274: {  	v27 =	vadd.s32 v23, v26;
	v25 =	vld [tilespmem:s17+$0x7BE0];
	_ =	sdelay $0x1  }
.Ltmp25:
0x275: {  	(pc) =	sbr.rel @p1 .LBB2_31-.Ltmp25, $3  }
0x276: {  	_ =	sdelay $0x1  }
0x277: {  	[tilespmem:v27+s30+$0x0] =	vst.idx.msk $0xffff, v25  }
0x278: {  	v26 =	vadd.s32 v24, v26;
	v25 =	vld [tilespmem:s17+$0x7BF0]  }
.LBB2_32:
0x279: {  	_ =	sdelay $0x3  }
0x27a: {  	[tilespmem:v26+s30+$0x0] =	vst.idx.msk $0xffff, v25  }
.LBB2_33:
0x27b: {  	p1 =	sge.u32 s14, s9  }
0x27c: {  	s0 =	sshll.u32 @!p1 s20, $0x6  }
0x27d: {  	s0 =	sor.u32 @!p1 s1, s0  }
0x27e: {  	s11 =	smulhi.u32 @!p1 $0x77280773, s0;
	_ =	sdelay $0x1  }
0x27f: {  	s11 =	sshrl.u32 @!p1 s11, $0x7  }
0x280: {  	s15 =	smul.u32 @!p1 $0x113, s11;
	_ =	sdelay $0x1  }
0x281: {  	s11 =	smul.u32 @!p1 $0x898000, s11;
	s0 =	ssub.s32 @!p1 s0, s15  }
0x282: {  	s0 =	sshll.u32 @!p1 s0, $0xB  }
0x283: {  	s0 =	sadd.s32 @!p1 s0, s11  }
0x284: {  	s16 =	simm.s32 @!p1 $0xFB80;
	s0 =	sshrl.u32 @!p1 s0, $0x3  }
0x285: {  	s15 =	simm.s32 @!p1 $0x89800;
	s11 =	simm.s32 @!p1 $0x800;
	s0 =	sadd.s32 @!p1 s10, s0  }
0x286: {  	[hbm4b:s0+s11] =	stream.strided.scatter @!p1 [tilespmem:s16], [sflag:$0x2], $0x8000, s15, s11, $0x200038;
	[tilespmem:$0x1FB80] =	vst v63  }
0x287: {  	s0 =	sor.u32 $0x1, s14  }
0x288: {  	p1 =	sge.u32 @!p0 s0, s9  }
0x289: {  	p0 =	por p0, p1  }
0x28a: {  	s16 =	sld [smem:s14+$0x2];
	s11 =	simm.s32 @!p0 $0x3  }
0x28b: {  	s17 =	sld [smem:s0+$0x0];
	_ =	swait.ge @!p0 [sflag:s11], $0x8000  }
0x28c: {  	[sflag:s11] =	ssyncset.done @!p0 $0x0  }
0x28d: {  	[sflag:s11] =	ssyncadd.s32 @!p0 $0xFFFF8000  }
0x28e: {  	s15 =	sld @!p0 [smem:s14+$0xFFFFFFFF];
	_ =	sdelay $0x2  }
0x28f: {  	p1 =	sle.s32 @!p0 s12, s15  }
0x290: {  	p0 =	por p0, p1  }
.Ltmp26:
0x291: {  	_ = 	snop;
	(pc) =	sbr.rel @p0 .LBB2_37-.Ltmp26, $1  }
0x292: {  	_ =	sdelay $0x3  }
0x293: {  	s11 =	sshll.u32 s15, $0x2  }
0x294: {  	s11 =	sshra.s32 s11, $0x2  }
0x295: {  	s14 =	sadd.s32 $0x3380, s11  }
0x296: {  	v25 =	vld.msk [tilespmem:s14+$0x0 ss:$0x0], $0xffff;
	_ =	sdelay $0x4  }
0x297: {  	v26 =	vshll.u32 v25, $0x3  }
0x298: {  	v25 =	vand.u32 $0x7F, v25;
	v26 =	vand.u32 $0xFFFFFC00, v26  }
0x299: {  	v25 =	vor.u32 v25, v26  }
0x29a: {  	v26 =	vadd.s32 v17, v25  }
0x29b: {  	v27 =	vadd.s32 v18, v25  }
0x29c: {  	v28 =	vadd.s32 v19, v25  }
0x29d: {  	v29 =	vadd.s32 v20, v25  }
0x29e: {  	v30 =	vadd.s32 v21, v25  }
0x29f: {  	s21 =	ssub.s32 s12, s15;
	[tilespmem:v26+s7+$0x0] =	vst.idx.msk $0xffff, v4;
	v26 =	vadd.s32 v22, v25  }
0x2a0: {  	p0 =	sne.s32 s21, $0x1;
	[tilespmem:v27+s7+$0x0] =	vst.idx.msk $0xffff, v4;
	v27 =	vadd.s32 v23, v25  }
.Ltmp27:
0x2a1: {  	v25 =	vadd.s32 v24, v25;
	[tilespmem:v28+s7+$0x0] =	vst.idx.msk $0xffff, v4;
	(pc) =	sbr.rel @!p0 .LBB2_36-.Ltmp27, $4  }
0x2a2: {  	[tilespmem:v29+s7+$0x0] =	vst.idx.msk $0xffff, v4  }
0x2a3: {  	[tilespmem:v30+s7+$0x0] =	vst.idx.msk $0xffff, v4  }
0x2a4: {  	[tilespmem:v26+s7+$0x0] =	vst.idx.msk $0xffff, v4  }
0x2a5: {  	s12 =	sadd.s32 $0xFFFFFFFF, s21;
	[tilespmem:v27+s7+$0x0] =	vst.idx.msk $0xffff, v4  }
.LBB2_35:
0x2a6: {  	p0 =	sne.s32 s12, $0x1;
	s12 =	sadd.s32 $0xFFFFFFFF, s12;
	[tilespmem:v25+s7+$0x0] =	vst.idx.msk $0xffff, v4;
	s14 =	sadd.s32 $0x1, s14  }
0x2a7: {  	v25 =	vld.msk [tilespmem:s14+$0x0 ss:$0x0], $0xffff;
	_ =	sdelay $0x5  }
0x2a8: {  	v26 =	vshll.u32 v25, $0x3  }
0x2a9: {  	v25 =	vand.u32 $0x7F, v25;
	v26 =	vand.u32 $0xFFFFFC00, v26  }
0x2aa: {  	v25 =	vor.u32 v25, v26  }
0x2ab: {  	v26 =	vadd.s32 v17, v25  }
0x2ac: {  	v27 =	vadd.s32 v18, v25  }
0x2ad: {  	v28 =	vadd.s32 v19, v25  }
0x2ae: {  	v29 =	vadd.s32 v20, v25  }
0x2af: {  	v30 =	vadd.s32 v21, v25  }
0x2b0: {  	[tilespmem:v26+s7+$0x0] =	vst.idx.msk $0xffff, v4;
	v26 =	vadd.s32 v22, v25  }
0x2b1: {  	[tilespmem:v27+s7+$0x0] =	vst.idx.msk $0xffff, v4;
	v27 =	vadd.s32 v23, v25  }
.Ltmp28:
0x2b2: {  	v25 =	vadd.s32 v24, v25;
	[tilespmem:v28+s7+$0x0] =	vst.idx.msk $0xffff, v4;
	(pc) =	sbr.rel @p0 .LBB2_35-.Ltmp28, $4  }
0x2b3: {  	[tilespmem:v29+s7+$0x0] =	vst.idx.msk $0xffff, v4  }
0x2b4: {  	[tilespmem:v30+s7+$0x0] =	vst.idx.msk $0xffff, v4  }
0x2b5: {  	[tilespmem:v26+s7+$0x0] =	vst.idx.msk $0xffff, v4  }
0x2b6: {  	[tilespmem:v27+s7+$0x0] =	vst.idx.msk $0xffff, v4  }
.LBB2_36:
0x2b7: {  	_ =	sdelay $0x3  }
0x2b8: {  	[tilespmem:v25+s7+$0x0] =	vst.idx.msk $0xffff, v4  }
.LBB2_37:
0x2b9: {  	s15 =	sshll.u32 s22, $0x5  }
0x2ba: {  	s12 =	sadd.s32 $0x80, s16;
	p0 =	sge.s32 s22, s19;
	s11 =	sadd.s32 $0xFFFFFF20, s15  }
0x2bb: {  	p1 =	slt.s32 s22, $0x8;
	p3 =	sge.s32 @!p0 s15, s12;
	p2 =	sle.s32 s11, s17  }
0x2bc: {  	p2 =	por p1, p2;
	p1 =	por p0, p3  }
0x2bd: {  	p2 =	por p1, !p2  }
.Ltmp29:
0x2be: {  	_ = 	snop;
	(pc) =	sbr.rel @p2 .LBB2_38-.Ltmp29, $1  }
0x2bf: {  	_ =	sdelay $0x3  }
0x2c0: {  	s11 =	sshll.u32 s22, $0x7  }
0x2c1: {  	s11 =	sshra.s32 s11, $0x2  }
0x2c2: {  	s15 =	sadd.s32 $0xFFFFFF40, s15;
	s18 =	sshll.u32 s22, $0xC;
	s14 =	sadd.s32 $0x5780, s11  }
.LBB2_43:
0x2c3: {  	s11 =	sand.u32 $0x7000, s18  }
0x2c4: {  	s21 =	smov.u32 s22;
	s22 =	sadd.s32 $0x1, s22;
	s11 =	sadd.s32 $0x7B80, s11  }
0x2c5: {  	[tilespmem:s11], [sflag:$0x1] =	stream.indirect.gather [hbm4b:s2+s31], $0x80, s14, s31, $0x2000b8;
	[tilespmem:$0x1FB80] =	vst v63  }
0x2c6: {  	p0 =	sge.s32 s22, s19;
	s11 =	sadd.s32 $0xE0, s15  }
0x2c7: {  	p2 =	sle.s32 s15, s17;
	p1 =	slt.s32 s21, $0x7;
	p3 =	sge.s32 @!p0 s11, s12  }
0x2c8: {  	p2 =	por p1, p2;
	p1 =	por p0, p3  }
0x2c9: {  	p2 =	por p1, !p2  }
.Ltmp30:
0x2ca: {  	_ = 	snop;
	(pc) =	sbr.rel @!p2 .LBB2_43-.Ltmp30, $2  }
0x2cb: {  	_ =	sdelay $0x2  }
0x2cc: {  	s18 =	sadd.s32 $0x1000, s18;
	s14 =	sadd.s32 $0x20, s14;
	s15 =	sadd.s32 $0x20, s15  }
.Ltmp31:
0x2cd: {  	(pc) =	sbr.rel .LBB2_45-.Ltmp31, $4  }
0x2ce: {  	_ = 	snop  }
0x2cf: {  	s11 =	smov.u32 s22  }
0x2d0: {  	s11 =	smov.u32 @p0 s22  }
0x2d1: {  	s22 =	smov.u32 @p1 s11  }
.LBB2_38:
0x2d2: {  	s11 =	smov.u32 s22  }
0x2d3: {  	s11 =	smov.u32 @p0 s22  }
0x2d4: {  	s22 =	smov.u32 @p1 s11  }
.LBB2_45:
0x2d5: {  	s11 =	sadd.s32 $0x1F, s16  }
0x2d6: {  	s12 =	sand.u32 $0x1F, s11  }
0x2d7: {  	s14 =	sshra.s32 s11, $0x1F;
	p0 =	slt.s32 s11, $0x1;
	p1 =	sne.s32 s12, $0x0  }
0x2d8: {  	s21 =	sshrl.u32 s14, $0x1B;
	p0 =	por !p0, !p1  }
0x2d9: {  	s14 =	simm.s32 $0x1;
	s11 =	sadd.s32 s21, s11;
	p0 =	por !p0, !p0  }
0x2da: {  	s12 =	sshra.s32 s11, $0x5;
	s14 =	simm.s32 @!p0 $0x0  }
0x2db: {  	s15 =	ssub.s32 s12, s14  }
0x2dc: {  	p1 =	sge.s32 s13, s15  }
.Ltmp32:
0x2dd: {  	_ = 	snop;
	(pc) =	sbr.rel @p1 .LBB2_46-.Ltmp32, $1  }
0x2de: {  	_ =	sdelay $0x3  }
0x2df: {  	s11 =	simm.s32 $0xFFFFFFFF  }
0x2e0: {  	s11 =	simm.s32 @!p0 $0x0  }
0x2e1: {  	s11 =	sadd.s32 s11, s12  }
0x2e2: {  	s12 =	ssub.s32 s11, s13  }
0x2e3: {  	p0 =	seq.s32 s12, $0x1  }
.Ltmp33:
0x2e4: {  	_ = 	snop;
	(pc) =	sbr.rel @p0 .LBB2_56-.Ltmp33, $3  }
0x2e5: {  	_ =	sdelay $0x1  }
0x2e6: {  	_ =	swait.ge [sflag:s29], $0x1000  }
0x2e7: {  	[sflag:s29] =	ssyncset.done $0x0;
	s12 =	sadd.s32 $0xFFFFFFFF, s12  }
.LBB2_55:
0x2e8: {  	p0 =	seq.s32 s12, $0x1;
	s12 =	sadd.s32 $0xFFFFFFFF, s12;
	[sflag:s29] =	ssyncadd.s32 $0xFFFFF000  }
.Ltmp34:
0x2e9: {  	(pc) =	sbr.rel @!p0 .LBB2_55-.Ltmp34, $3  }
0x2ea: {  	_ =	sdelay $0x1  }
0x2eb: {  	_ =	swait.ge [sflag:s29], $0x1000  }
0x2ec: {  	[sflag:s29] =	ssyncset.done $0x0  }
.LBB2_56:
.Ltmp35:
0x2ed: {  	(pc) =	sbr.rel .LBB2_47-.Ltmp35, $2  }
0x2ee: {  	_ =	sdelay $0x2  }
0x2ef: {  	[sflag:s29] =	ssyncadd.s32 $0xFFFFF000  }
.LBB2_46:
0x2f0: {  	s15 =	smov.u32 s13  }
.LBB2_47:
0x2f1: {  	p0 =	sle.s32 s16, s17  }
.Ltmp36:
0x2f2: {  	_ = 	snop;
	(pc) =	sbr.rel @p0 .LBB2_51-.Ltmp36, $1  }
0x2f3: {  	_ =	sdelay $0x3  }
0x2f4: {  	s11 =	sshll.u32 s17, $0x2  }
0x2f5: {  	s11 =	sshra.s32 s11, $0x2  }
0x2f6: {  	s13 =	sadd.s32 $0x3380, s11  }
0x2f7: {  	v25 =	vld.msk [tilespmem:s13+$0x0 ss:$0x0], $0xffff;
	_ =	sdelay $0x4  }
0x2f8: {  	v26 =	vshll.u32 v25, $0x3  }
0x2f9: {  	s12 =	sshll.u32 s17, $0x7;
	v25 =	vand.u32 $0x7F, v25;
	v26 =	vand.u32 $0xFFFFFC00, v26  }
0x2fa: {  	s21 =	sand.u32 $0x7F80, s12;
	v26 =	vor.u32 v25, v26  }
0x2fb: {  	v25 =	vld [tilespmem:s21+$0x7B80];
	v27 =	vadd.s32 v17, v26;
	_ =	sdelay $0x4  }
0x2fc: {  	[tilespmem:v27+s7+$0x0] =	vst.idx.msk $0xffff, v25  }
0x2fd: {  	v27 =	vadd.s32 v18, v26;
	v25 =	vld [tilespmem:s21+$0x7B90];
	_ =	sdelay $0x4  }
0x2fe: {  	[tilespmem:v27+s7+$0x0] =	vst.idx.msk $0xffff, v25  }
0x2ff: {  	v27 =	vadd.s32 v19, v26;
	v25 =	vld [tilespmem:s21+$0x7BA0];
	_ =	sdelay $0x4  }
0x300: {  	[tilespmem:v27+s7+$0x0] =	vst.idx.msk $0xffff, v25  }
0x301: {  	v27 =	vadd.s32 v20, v26;
	v25 =	vld [tilespmem:s21+$0x7BB0];
	_ =	sdelay $0x4  }
0x302: {  	[tilespmem:v27+s7+$0x0] =	vst.idx.msk $0xffff, v25  }
0x303: {  	v27 =	vadd.s32 v21, v26;
	v25 =	vld [tilespmem:s21+$0x7BC0];
	_ =	sdelay $0x4  }
0x304: {  	[tilespmem:v27+s7+$0x0] =	vst.idx.msk $0xffff, v25  }
0x305: {  	v27 =	vadd.s32 v22, v26;
	v25 =	vld [tilespmem:s21+$0x7BD0];
	_ =	sdelay $0x4  }
0x306: {  	[tilespmem:v27+s7+$0x0] =	vst.idx.msk $0xffff, v25  }
0x307: {  	v27 =	vadd.s32 v23, v26;
	v25 =	vld [tilespmem:s21+$0x7BE0];
	_ =	sdelay $0x3  }
0x308: {  	s14 =	ssub.s32 s16, s17  }
0x309: {  	p0 =	sne.s32 s14, $0x1;
	[tilespmem:v27+s7+$0x0] =	vst.idx.msk $0xffff, v25  }
.Ltmp37:
0x30a: {  	v26 =	vadd.s32 v24, v26;
	v25 =	vld [tilespmem:s21+$0x7BF0];
	(pc) =	sbr.rel @!p0 .LBB2_50-.Ltmp37, $2  }
0x30b: {  	_ =	sdelay $0x2  }
0x30c: {  	s14 =	sadd.s32 $0xFFFFFFFF, s14  }
.LBB2_49:
0x30d: {  	p0 =	sne.s32 s14, $0x1;
	[tilespmem:v26+s7+$0x0] =	vst.idx.msk $0xffff, v25;
	s12 =	sadd.s32 $0x80, s12;
	s13 =	sadd.s32 $0x1, s13  }
0x30e: {  	s14 =	sadd.s32 $0xFFFFFFFF, s14;
	v25 =	vld.msk [tilespmem:s13+$0x0 ss:$0x0], $0xffff;
	_ =	sdelay $0x5  }
0x30f: {  	v26 =	vshll.u32 v25, $0x3  }
0x310: {  	v25 =	vand.u32 $0x7F, v25;
	v26 =	vand.u32 $0xFFFFFC00, v26  }
0x311: {  	s16 =	sand.u32 $0x7F80, s12;
	v26 =	vor.u32 v25, v26  }
0x312: {  	v27 =	vadd.s32 v17, v26;
	v25 =	vld [tilespmem:s16+$0x7B80];
	_ =	sdelay $0x4  }
0x313: {  	[tilespmem:v27+s7+$0x0] =	vst.idx.msk $0xffff, v25  }
0x314: {  	v27 =	vadd.s32 v18, v26;
	v25 =	vld [tilespmem:s16+$0x7B90];
	_ =	sdelay $0x4  }
0x315: {  	[tilespmem:v27+s7+$0x0] =	vst.idx.msk $0xffff, v25  }
0x316: {  	v27 =	vadd.s32 v19, v26;
	v25 =	vld [tilespmem:s16+$0x7BA0];
	_ =	sdelay $0x4  }
0x317: {  	[tilespmem:v27+s7+$0x0] =	vst.idx.msk $0xffff, v25  }
0x318: {  	v27 =	vadd.s32 v20, v26;
	v25 =	vld [tilespmem:s16+$0x7BB0];
	_ =	sdelay $0x4  }
0x319: {  	[tilespmem:v27+s7+$0x0] =	vst.idx.msk $0xffff, v25  }
0x31a: {  	v27 =	vadd.s32 v21, v26;
	v25 =	vld [tilespmem:s16+$0x7BC0];
	_ =	sdelay $0x4  }
0x31b: {  	[tilespmem:v27+s7+$0x0] =	vst.idx.msk $0xffff, v25  }
0x31c: {  	v27 =	vadd.s32 v22, v26;
	v25 =	vld [tilespmem:s16+$0x7BD0];
	_ =	sdelay $0x4  }
0x31d: {  	[tilespmem:v27+s7+$0x0] =	vst.idx.msk $0xffff, v25  }
0x31e: {  	v27 =	vadd.s32 v23, v26;
	v25 =	vld [tilespmem:s16+$0x7BE0];
	_ =	sdelay $0x1  }
.Ltmp38:
0x31f: {  	(pc) =	sbr.rel @p0 .LBB2_49-.Ltmp38, $3  }
0x320: {  	_ =	sdelay $0x1  }
0x321: {  	[tilespmem:v27+s7+$0x0] =	vst.idx.msk $0xffff, v25  }
0x322: {  	v26 =	vadd.s32 v24, v26;
	v25 =	vld [tilespmem:s16+$0x7BF0]  }
.Ltmp39:
0x323: {  	_ = 	snop;
	(pc) =	sbr.rel .LBB2_50-.Ltmp39, $1  }
0x324: {  	_ =	sdelay $0x3  }
.LBB2_53:
0x325: {  	_ =	sfence.sel $0x180000  }
0x326: {  	[bflag:$0x0] =	sbarrier.arrive $0xFFFF  }
0x327: {  	_ =	strace $0x90000047  }
0x328: {  	s0 =	stileid.u32;
	[bflag:$0x2] =	sbarrier.arrive $0xFFFF  }
0x329: {  	p0 =	sne.s32 s0, $0x0;
	s0 =	rddreg [dreg:$0x6]  }
0x32a: {  	s0 =	sadd.s32 @!p0 $0x100000, s0  }
0x32b: {  	[sflag:s0] =	ssyncadd.tile.s32 @!p0 $0x1;
	_ =	shalt  }
.Lfunc_end2:
_tile_overlayer_lowered:
.L_overlay_start_2:
0x32c: {  	(tag) =	ssettag $0x2  }
0x32d: {  	s0 =	rddreg [dreg:$0x0];
	s2 =	stileid.u32  }
0x32e: {  	s1 =	rddreg [dreg:$0x1];
	p0 =	sne.s32 s2, $0x0  }
0x32f: {  	s3 =	rddreg [dreg:$0x2];
	[bflag:$0x3] =	sbarrier.arrive $0xFFFF;
	s2 =	simm.s32 @!p0 $0x1C06  }
0x330: {  	[timem:s3], [sflag:s2] =	dma.local @!p0 [hbm:s0], s1  }
0x331: {  	s0 =	simm.s32 @!p0 $0x6  }
0x332: {  	_ =	swait.ge @!p0 [sflag:s0], s1  }
0x333: {  	s1 =	ssub.s32 @!p0 $0x0, s1;
	[sflag:s0] =	ssyncset.done @!p0 $0x0  }
0x334: {  	[sflag:s0] =	ssyncadd.s32 @!p0 s1  }
0x335: {  	[bflag:$0x3] =	sbarrier.arrive $0xFFFF  }
0x336: {  	_ =	shalt  }

</sc_bundles>
